<compile_context>
chip_gen: v7x
topology: tpu7x:2x2x1
jax: 0.10.2.dev20260603
libtpu: 0.0.44.dev20260713+nightly
codegen_flags: <defaults>
</compile_context>

<pallas_src>
import functools

import jax
import jax.numpy as jnp
import numpy as np
from jax import lax
from jax.experimental import pallas as pl
from jax.experimental.pallas import tpu as pltpu
from jax.experimental.pallas import tpu_sc as plsc

NHEAD = 8
HDIM = 12
DIR_NUM = 3
PER_DIR = 4
LOCAL = 32
N_QUERY = 65536
QUAN = np.float32(0.4)
_PC_RANGE = np.array([-75.2, -75.2, -2.0, 75.2, 75.2, 4.0], dtype=np.float64).reshape(2, 3)
MAXD = (_PC_RANGE[1] - _PC_RANGE[0]).astype(np.float32)
TSIZES = tuple(int(x) for x in (np.ceil(MAXD.astype(np.float64) * 2 / 0.4).astype(np.int64) + 1))

ROW = NHEAD * PER_DIR
TOFF = (0, TSIZES[0] * ROW, (TSIZES[0] + TSIZES[1]) * ROW)
TAB_WORDS = (TSIZES[0] + TSIZES[1] + TSIZES[2]) * ROW

NC, NS, LANES = 2, 16, 16
NW = NC * NS
QPW = N_QUERY // NW
CHUNK = 64
RP_W = LOCAL * DIR_NUM
QF_W = NHEAD * HDIM
OUT_W = LOCAL * NHEAD


def _sc_body(rp_hbm, qf_hbm, tab_hbm, out_hbm, tab_v, rp_v, qf_v, out_v):
    wid = lax.axis_index("s") * NC + lax.axis_index("c")
    pltpu.sync_copy(tab_hbm, tab_v)

    iota = lax.iota(jnp.int32, LANES)
    lane3 = iota * 3
    lane8 = iota * 8

    def q_body(qi, _):
        roff = qi * RP_W
        bases = []
        for d in range(DIR_NUM):
            for lg in range(2):
                rpx = plsc.load_gather(rp_v, [lane3 + (roff + lg * 48 + d)])
                t = (rpx + MAXD[d]) / QUAN
                idx = jnp.clip(t.astype(jnp.int32), 0, TSIZES[d] - 1)
                bases.append(idx * ROW + TOFF[d])
        acc = [jnp.zeros((LANES,), jnp.float32) for _ in range(NHEAD * 2)]
        qoff = qi * QF_W
        for d in range(DIR_NUM):
            for h in range(NHEAD):
                for c in range(PER_DIR):
                    lin = qoff + h * HDIM + d * PER_DIR + c
                    sp = plsc.load_gather(qf_v, [jnp.full((LANES,), 0, jnp.int32) + lin])
                    w = h * PER_DIR + c
                    for lg in range(2):
                        g = plsc.load_gather(tab_v, [bases[d * 2 + lg] + w])
                        acc[h * 2 + lg] = acc[h * 2 + lg] + g * sp
        obase = qi * OUT_W
        for h in range(NHEAD):
            for lg in range(2):
                plsc.store_scatter(out_v, [lane8 + (obase + lg * 128 + h)], acc[h * 2 + lg])
        return 0

    def chunk_body(ci, _):
        qbase = wid * QPW + ci * CHUNK
        pltpu.sync_copy(rp_hbm.at[pl.ds(qbase * RP_W, CHUNK * RP_W)], rp_v)
        pltpu.sync_copy(qf_hbm.at[pl.ds(qbase * QF_W, CHUNK * QF_W)], qf_v)
        lax.fori_loop(0, CHUNK, q_body, 0)
        pltpu.sync_copy(out_v, out_hbm.at[pl.ds(qbase * OUT_W, CHUNK * OUT_W)])
        return 0

    lax.fori_loop(0, QPW // CHUNK, chunk_body, 0)


@jax.jit
def _run(rp_flat, qf_flat, tab_flat):
    mesh = plsc.VectorSubcoreMesh(core_axis_name="c", subcore_axis_name="s")
    f = functools.partial(
        pl.kernel,
        out_type=jax.ShapeDtypeStruct((N_QUERY * OUT_W,), jnp.float32),
        mesh=mesh,
        scratch_types=[
            pltpu.VMEM((TAB_WORDS,), jnp.float32),
            pltpu.VMEM((CHUNK * RP_W,), jnp.float32),
            pltpu.VMEM((CHUNK * QF_W,), jnp.float32),
            pltpu.VMEM((CHUNK * OUT_W,), jnp.float32),
        ],
        compiler_params=pltpu.CompilerParams(needs_layout_passes=False),
    )(_sc_body)
    return f(rp_flat, qf_flat, tab_flat)


def kernel(relpos, query_features, scaling, query_batch_cnt, table_x, table_y, table_z):
    del query_batch_cnt
    tab_flat = jnp.concatenate(
        [table_x.reshape(-1), table_y.reshape(-1), table_z.reshape(-1)]
    ) * scaling
    out = _run(relpos.reshape(-1), query_features.reshape(-1), tab_flat)
    return out.reshape(N_QUERY, LOCAL, NHEAD)

# --- scband reference (transcript-rebuilt; emitter-appended) ---
"""Pipeline reference for scband-contextual-rpeidx-q-45775761440795 (READ-ONLY COPY).

The authoritative reference and input builder live on the scoring server;
editing this copy changes nothing except your own understanding.
"""

import jax, jax.numpy as jnp
import numpy as np

NHEAD = 8
CHANNELS = 96
HDIM = CHANNELS // NHEAD            # 12
DIR_NUM = 3
PER_DIR = HDIM // DIR_NUM           # 4
QUAN_SIZE = 0.4
PC_RANGE = np.array([-75.2, -75.2, -2.0, 75.2, 75.2, 4.0], dtype=np.float64).reshape(2, 3)
MAX_DISTANCE = (PC_RANGE[1] - PC_RANGE[0]).astype(np.float32)          # [150.4, 150.4, 6.0]
TABLE_SIZES = (np.ceil(MAX_DISTANCE * 2 / QUAN_SIZE).astype(np.int64) + 1)  # [753, 753, 31]
N_QUERY = 65536
LOCAL_SIZE = 32
BATCH = 4


def setup_inputs(seed: int = 0) -> dict:
    key = jax.random.key(seed)
    ks = jax.random.split(key, 6)
    # relative positions; scale randn so quantized indices spread over the tables
    relpos = jax.random.normal(ks[0], (N_QUERY, LOCAL_SIZE, 3), dtype=jnp.float32)
    relpos = relpos * jnp.array([50.0, 50.0, 1.8], dtype=jnp.float32)
    query_features = jax.random.normal(ks[1], (N_QUERY, NHEAD, HDIM), dtype=jnp.float32)
    scaling = jnp.float32(1.0 / np.sqrt(HDIM))
    query_batch_cnt = jnp.full((BATCH,), N_QUERY // BATCH, dtype=jnp.int32)
    table_x = 0.02 * jax.random.normal(ks[2], (int(TABLE_SIZES[0]), NHEAD, PER_DIR), dtype=jnp.float32)
    table_y = 0.02 * jax.random.normal(ks[3], (int(TABLE_SIZES[1]), NHEAD, PER_DIR), dtype=jnp.float32)
    table_z = 0.02 * jax.random.normal(ks[4], (int(TABLE_SIZES[2]), NHEAD, PER_DIR), dtype=jnp.float32)
    return {
        "relpos": relpos,
        "query_features": query_features,
        "scaling": scaling,
        "query_batch_cnt": query_batch_cnt,
        "table_x": table_x,
        "table_y": table_y,
        "table_z": table_z,
    }


def _axis_embedding(idx_a, qf_a, table):
    # idx_a: [N, L] int32, qf_a: [N, H, C], table: [T, H, C]
    gathered = jnp.take(table, idx_a, axis=0)            # [N, L, H, C] gather
    return jnp.einsum('nlhc,nhc->nlh', gathered, qf_a)   # contextual dot product


def reference(relpos, query_features, scaling, query_batch_cnt, table_x, table_y, table_z):
    # query_batch_cnt only drives kernel batching in the CUDA op; math is per-query.
    max_d = jnp.asarray(MAX_DISTANCE).reshape(1, 1, 3)
    rp = (relpos + max_d) / QUAN_SIZE
    idx = jnp.floor(rp).astype(jnp.int32)
    n = query_features.shape[0]
    qf = query_features.reshape(n, NHEAD, DIR_NUM, PER_DIR)
    out = _axis_embedding(jnp.clip(idx[..., 0], 0, int(TABLE_SIZES[0]) - 1), qf[:, :, 0, :], table_x)
    out = out + _axis_embedding(jnp.clip(idx[..., 1], 0, int(TABLE_SIZES[1]) - 1), qf[:, :, 1, :], table_y)
    out = out + _axis_embedding(jnp.clip(idx[..., 2], 0, int(TABLE_SIZES[2]) - 1), qf[:, :, 2, :], table_z)
    return out * scaling

if __name__ == "__main__":
    import jax
    _d = setup_inputs()
    print(jax.jit(kernel)(*tuple(_d.values())))

</pallas_src>

<mosaic_0001>
#map = affine_map<(d0, d1) -> (0)>
module attributes {stable_mosaic.version = 14 : i64} {
  func.func @_sc_body(%arg0: i32, %arg1: i32, %arg2: memref<6291456xf32, #tpu.memory_space<hbm>>, %arg3: memref<6291456xf32, #tpu.memory_space<hbm>>, %arg4: memref<49184xf32, #tpu.memory_space<hbm>>, %arg5: memref<16777216xf32, #tpu.memory_space<hbm>>, %arg6: memref<49184xf32, #tpu.memory_space<vmem>>, %arg7: memref<6144xf32, #tpu.memory_space<vmem>>, %arg8: memref<6144xf32, #tpu.memory_space<vmem>>, %arg9: memref<16384xf32, #tpu.memory_space<vmem>>) attributes {dimension_semantics = [#tpu.dimension_semantics<core_parallel>, #tpu.dimension_semantics<subcore_parallel>], iteration_bounds = array<i64: 2, 16>, scalar_prefetch = 0 : i64, scratch_operands = 4 : i64, tpu.core_type = #tpu.core_type<sc_vector_subcore>, window_params = [{transform_indices = #map}, {transform_indices = #map}, {transform_indices = #map}, {transform_indices = #map}]} {
    %mul3A = arith.constant 2 : i32
    %mul3A_0 = arith.muli %arg1, %mul3A : i32
    %add3A = arith.addi %mul3A_0, %arg0 : i32
    "tpu.region"() ({
      %run_scoped3A = tpu.sem_alloc : memref<!tpu.dma_semaphore, #tpu.memory_space<semaphore_mem>>
      tpu.enqueue_dma source(%arg4 : memref<49184xf32, #tpu.memory_space<hbm>>) target(%arg6 : memref<49184xf32, #tpu.memory_space<vmem>>) target_semaphore(%run_scoped3A : memref<!tpu.dma_semaphore, #tpu.memory_space<semaphore_mem>>)
      tpu.wait_dma2 semaphore(%run_scoped3A : memref<!tpu.dma_semaphore, #tpu.memory_space<semaphore_mem>>) src(%arg4 : memref<49184xf32, #tpu.memory_space<hbm>>) dst(%arg6 : memref<49184xf32, #tpu.memory_space<vmem>>)
      tpu.yield
    }) : () -> ()
    %iota3A = tpu.iota {dimensions = array<i32: 0>} : vector<16xi32>
    %mul3A_1 = arith.constant 3 : i32
    %mul3A_2 = vector.broadcast %mul3A_1 : i32 to vector<16xi32>
    %mul3A_3 = arith.muli %iota3A, %mul3A_2 : vector<16xi32>
    %mul3A_4 = arith.constant 8 : i32
    %mul3A_5 = vector.broadcast %mul3A_4 : i32 to vector<16xi32>
    %mul3A_6 = arith.muli %iota3A, %mul3A_5 : vector<16xi32>
    %scan3A = arith.constant 0 : i32
    %scan3A_7 = arith.constant 0 : i32
    %scan3A_8 = arith.constant 32 : i32
    %scan3A_9 = arith.addi %scan3A_7, %scan3A_8 : i32
    %scan3A_10 = arith.constant 1 : i32
    %scan3A_11 = scf.for %scan3A_13 = %scan3A_7 to %scan3A_9 step %scan3A_10 iter_args(%scan3A_14 = %scan3A) -> (i32)  : i32 {
      %mul3A_15 = arith.constant 2048 : i32
      %mul3A_16 = arith.muli %add3A, %mul3A_15 : i32
      %mul3A_17 = arith.constant 64 : i32
      %mul3A_18 = arith.muli %scan3A_13, %mul3A_17 : i32
      %add3A_19 = arith.addi %mul3A_16, %mul3A_18 : i32
      %mul3A_20 = arith.constant 96 : i32
      %mul3A_21 = arith.muli %add3A_19, %mul3A_20 : i32
      "tpu.region"() ({
        %run_scoped3A = tpu.sem_alloc : memref<!tpu.dma_semaphore, #tpu.memory_space<semaphore_mem>>
        %dma_start3A = tpu.memref_slice %arg2[%mul3A_21] : memref<6291456xf32, #tpu.memory_space<hbm>> -> memref<6144xf32, #tpu.memory_space<hbm>>
        %dma_start3A_34 = tpu.memref_slice %arg2[%mul3A_21] : memref<6291456xf32, #tpu.memory_space<hbm>> -> memref<6144xf32, #tpu.memory_space<hbm>>
        tpu.enqueue_dma source(%dma_start3A_34 : memref<6144xf32, #tpu.memory_space<hbm>>) target(%arg7 : memref<6144xf32, #tpu.memory_space<vmem>>) target_semaphore(%run_scoped3A : memref<!tpu.dma_semaphore, #tpu.memory_space<semaphore_mem>>)
        %dma_wait3A = tpu.memref_slice %arg2[%mul3A_21] : memref<6291456xf32, #tpu.memory_space<hbm>> -> memref<6144xf32, #tpu.memory_space<hbm>>
        %dma_wait3A_35 = tpu.memref_slice %arg2[%mul3A_21] : memref<6291456xf32, #tpu.memory_space<hbm>> -> memref<6144xf32, #tpu.memory_space<hbm>>
        tpu.wait_dma2 semaphore(%run_scoped3A : memref<!tpu.dma_semaphore, #tpu.memory_space<semaphore_mem>>) src(%dma_wait3A_35 : memref<6144xf32, #tpu.memory_space<hbm>>) dst(%arg7 : memref<6144xf32, #tpu.memory_space<vmem>>)
        tpu.yield
      }) : () -> ()
      %mul3A_22 = arith.constant 96 : i32
      %mul3A_23 = arith.muli %add3A_19, %mul3A_22 : i32
      "tpu.region"() ({
        %run_scoped3A = tpu.sem_alloc : memref<!tpu.dma_semaphore, #tpu.memory_space<semaphore_mem>>
        %dma_start3A = tpu.memref_slice %arg3[%mul3A_23] : memref<6291456xf32, #tpu.memory_space<hbm>> -> memref<6144xf32, #tpu.memory_space<hbm>>
        %dma_start3A_34 = tpu.memref_slice %arg3[%mul3A_23] : memref<6291456xf32, #tpu.memory_space<hbm>> -> memref<6144xf32, #tpu.memory_space<hbm>>
        tpu.enqueue_dma source(%dma_start3A_34 : memref<6144xf32, #tpu.memory_space<hbm>>) target(%arg8 : memref<6144xf32, #tpu.memory_space<vmem>>) target_semaphore(%run_scoped3A : memref<!tpu.dma_semaphore, #tpu.memory_space<semaphore_mem>>)
        %dma_wait3A = tpu.memref_slice %arg3[%mul3A_23] : memref<6291456xf32, #tpu.memory_space<hbm>> -> memref<6144xf32, #tpu.memory_space<hbm>>
        %dma_wait3A_35 = tpu.memref_slice %arg3[%mul3A_23] : memref<6291456xf32, #tpu.memory_space<hbm>> -> memref<6144xf32, #tpu.memory_space<hbm>>
        tpu.wait_dma2 semaphore(%run_scoped3A : memref<!tpu.dma_semaphore, #tpu.memory_space<semaphore_mem>>) src(%dma_wait3A_35 : memref<6144xf32, #tpu.memory_space<hbm>>) dst(%arg8 : memref<6144xf32, #tpu.memory_space<vmem>>)
        tpu.yield
      }) : () -> ()
      %scan3A_24 = arith.constant 0 : i32
      %scan3A_25 = arith.constant 0 : i32
      %scan3A_26 = arith.constant 64 : i32
      %scan3A_27 = arith.addi %scan3A_25, %scan3A_26 : i32
      %scan3A_28 = arith.constant 1 : i32
      %scan3A_29 = scf.for %scan3A_34 = %scan3A_25 to %scan3A_27 step %scan3A_28 iter_args(%scan3A_35 = %scan3A_24) -> (i32)  : i32 {
        %mul3A_36 = arith.constant 96 : i32
        %mul3A_37 = arith.muli %scan3A_34, %mul3A_36 : i32
        %add3A_38 = arith.constant 0 : i32
        %add3A_39 = arith.addi %mul3A_37, %add3A_38 : i32
        %add3A_40 = arith.constant 0 : i32
        %add3A_41 = arith.addi %add3A_39, %add3A_40 : i32
        %add3A_42 = vector.broadcast %add3A_41 : i32 to vector<16xi32>
        %add3A_43 = arith.addi %mul3A_3, %add3A_42 : vector<16xi32>
        %gather3A = tpu.vector_load_idx %arg7[%add3A_43] : memref<6144xf32, #tpu.memory_space<vmem>>[vector<16xi32>], vector<16xf32>,
        %add3A_44 = arith.constant 1.504000e+02 : f32
        %add3A_45 = vector.broadcast %add3A_44 : f32 to vector<16xf32>
        %add3A_46 = arith.addf %gather3A, %add3A_45 : vector<16xf32>
        %div3A = arith.constant 4.000000e-01 : f32
        %div3A_47 = vector.broadcast %div3A : f32 to vector<16xf32>
        %div3A_48 = arith.divf %add3A_46, %div3A_47 : vector<16xf32>
        %convert_element_type3A = arith.fptosi %div3A_48 : vector<16xf32> to vector<16xi32>
        %jit3A = arith.constant 0 : i32
        %jit3A_49 = arith.constant 752 : i32
        %max3A = vector.broadcast %jit3A : i32 to vector<16xi32>
        %max3A_50 = arith.maxsi %max3A, %convert_element_type3A : vector<16xi32>
        %min3A = vector.broadcast %jit3A_49 : i32 to vector<16xi32>
        %min3A_51 = arith.minsi %min3A, %max3A_50 : vector<16xi32>
        %mul3A_52 = arith.constant 32 : i32
        %mul3A_53 = vector.broadcast %mul3A_52 : i32 to vector<16xi32>
        %mul3A_54 = arith.muli %min3A_51, %mul3A_53 : vector<16xi32>
        %add3A_55 = arith.constant 0 : i32
        %add3A_56 = vector.broadcast %add3A_55 : i32 to vector<16xi32>
        %add3A_57 = arith.addi %mul3A_54, %add3A_56 : vector<16xi32>
        %add3A_58 = arith.constant 48 : i32
        %add3A_59 = arith.addi %mul3A_37, %add3A_58 : i32
        %add3A_60 = arith.constant 0 : i32
        %add3A_61 = arith.addi %add3A_59, %add3A_60 : i32
        %add3A_62 = vector.broadcast %add3A_61 : i32 to vector<16xi32>
        %add3A_63 = arith.addi %mul3A_3, %add3A_62 : vector<16xi32>
        %gather3A_64 = tpu.vector_load_idx %arg7[%add3A_63] : memref<6144xf32, #tpu.memory_space<vmem>>[vector<16xi32>], vector<16xf32>,
        %add3A_65 = arith.constant 1.504000e+02 : f32
        %add3A_66 = vector.broadcast %add3A_65 : f32 to vector<16xf32>
        %add3A_67 = arith.addf %gather3A_64, %add3A_66 : vector<16xf32>
        %div3A_68 = arith.constant 4.000000e-01 : f32
        %div3A_69 = vector.broadcast %div3A_68 : f32 to vector<16xf32>
        %div3A_70 = arith.divf %add3A_67, %div3A_69 : vector<16xf32>
        %convert_element_type3A_71 = arith.fptosi %div3A_70 : vector<16xf32> to vector<16xi32>
        %jit3A_72 = arith.constant 0 : i32
        %jit3A_73 = arith.constant 752 : i32
        %max3A_74 = vector.broadcast %jit3A_72 : i32 to vector<16xi32>
        %max3A_75 = arith.maxsi %max3A_74, %convert_element_type3A_71 : vector<16xi32>
        %min3A_76 = vector.broadcast %jit3A_73 : i32 to vector<16xi32>
        %min3A_77 = arith.minsi %min3A_76, %max3A_75 : vector<16xi32>
        %mul3A_78 = arith.constant 32 : i32
        %mul3A_79 = vector.broadcast %mul3A_78 : i32 to vector<16xi32>
        %mul3A_80 = arith.muli %min3A_77, %mul3A_79 : vector<16xi32>
        %add3A_81 = arith.constant 0 : i32
        %add3A_82 = vector.broadcast %add3A_81 : i32 to vector<16xi32>
        %add3A_83 = arith.addi %mul3A_80, %add3A_82 : vector<16xi32>
        %add3A_84 = arith.constant 0 : i32
        %add3A_85 = arith.addi %mul3A_37, %add3A_84 : i32
        %add3A_86 = arith.constant 1 : i32
        %add3A_87 = arith.addi %add3A_85, %add3A_86 : i32
        %add3A_88 = vector.broadcast %add3A_87 : i32 to vector<16xi32>
        %add3A_89 = arith.addi %mul3A_3, %add3A_88 : vector<16xi32>
        %gather3A_90 = tpu.vector_load_idx %arg7[%add3A_89] : memref<6144xf32, #tpu.memory_space<vmem>>[vector<16xi32>], vector<16xf32>,
        %add3A_91 = arith.constant 1.504000e+02 : f32
        %add3A_92 = vector.broadcast %add3A_91 : f32 to vector<16xf32>
        %add3A_93 = arith.addf %gather3A_90, %add3A_92 : vector<16xf32>
        %div3A_94 = arith.constant 4.000000e-01 : f32
        %div3A_95 = vector.broadcast %div3A_94 : f32 to vector<16xf32>
        %div3A_96 = arith.divf %add3A_93, %div3A_95 : vector<16xf32>
        %convert_element_type3A_97 = arith.fptosi %div3A_96 : vector<16xf32> to vector<16xi32>
        %jit3A_98 = arith.constant 0 : i32
        %jit3A_99 = arith.constant 752 : i32
        %max3A_100 = vector.broadcast %jit3A_98 : i32 to vector<16xi32>
        %max3A_101 = arith.maxsi %max3A_100, %convert_element_type3A_97 : vector<16xi32>
        %min3A_102 = vector.broadcast %jit3A_99 : i32 to vector<16xi32>
        %min3A_103 = arith.minsi %min3A_102, %max3A_101 : vector<16xi32>
        %mul3A_104 = arith.constant 32 : i32
        %mul3A_105 = vector.broadcast %mul3A_104 : i32 to vector<16xi32>
        %mul3A_106 = arith.muli %min3A_103, %mul3A_105 : vector<16xi32>
        %add3A_107 = arith.constant 24096 : i32
        %add3A_108 = vector.broadcast %add3A_107 : i32 to vector<16xi32>
        %add3A_109 = arith.addi %mul3A_106, %add3A_108 : vector<16xi32>
        %add3A_110 = arith.constant 48 : i32
        %add3A_111 = arith.addi %mul3A_37, %add3A_110 : i32
        %add3A_112 = arith.constant 1 : i32
        %add3A_113 = arith.addi %add3A_111, %add3A_112 : i32
        %add3A_114 = vector.broadcast %add3A_113 : i32 to vector<16xi32>
        %add3A_115 = arith.addi %mul3A_3, %add3A_114 : vector<16xi32>
        %gather3A_116 = tpu.vector_load_idx %arg7[%add3A_115] : memref<6144xf32, #tpu.memory_space<vmem>>[vector<16xi32>], vector<16xf32>,
        %add3A_117 = arith.constant 1.504000e+02 : f32
        %add3A_118 = vector.broadcast %add3A_117 : f32 to vector<16xf32>
        %add3A_119 = arith.addf %gather3A_116, %add3A_118 : vector<16xf32>
        %div3A_120 = arith.constant 4.000000e-01 : f32
        %div3A_121 = vector.broadcast %div3A_120 : f32 to vector<16xf32>
        %div3A_122 = arith.divf %add3A_119, %div3A_121 : vector<16xf32>
        %convert_element_type3A_123 = arith.fptosi %div3A_122 : vector<16xf32> to vector<16xi32>
        %jit3A_124 = arith.constant 0 : i32
        %jit3A_125 = arith.constant 752 : i32
        %max3A_126 = vector.broadcast %jit3A_124 : i32 to vector<16xi32>
        %max3A_127 = arith.maxsi %max3A_126, %convert_element_type3A_123 : vector<16xi32>
        %min3A_128 = vector.broadcast %jit3A_125 : i32 to vector<16xi32>
        %min3A_129 = arith.minsi %min3A_128, %max3A_127 : vector<16xi32>
        %mul3A_130 = arith.constant 32 : i32
        %mul3A_131 = vector.broadcast %mul3A_130 : i32 to vector<16xi32>
        %mul3A_132 = arith.muli %min3A_129, %mul3A_131 : vector<16xi32>
        %add3A_133 = arith.constant 24096 : i32
        %add3A_134 = vector.broadcast %add3A_133 : i32 to vector<16xi32>
        %add3A_135 = arith.addi %mul3A_132, %add3A_134 : vector<16xi32>
        %add3A_136 = arith.constant 0 : i32
        %add3A_137 = arith.addi %mul3A_37, %add3A_136 : i32
        %add3A_138 = arith.constant 2 : i32
        %add3A_139 = arith.addi %add3A_137, %add3A_138 : i32
        %add3A_140 = vector.broadcast %add3A_139 : i32 to vector<16xi32>
        %add3A_141 = arith.addi %mul3A_3, %add3A_140 : vector<16xi32>
        %gather3A_142 = tpu.vector_load_idx %arg7[%add3A_141] : memref<6144xf32, #tpu.memory_space<vmem>>[vector<16xi32>], vector<16xf32>,
        %add3A_143 = arith.constant 6.000000e+00 : f32
        %add3A_144 = vector.broadcast %add3A_143 : f32 to vector<16xf32>
        %add3A_145 = arith.addf %gather3A_142, %add3A_144 : vector<16xf32>
        %div3A_146 = arith.constant 4.000000e-01 : f32
        %div3A_147 = vector.broadcast %div3A_146 : f32 to vector<16xf32>
        %div3A_148 = arith.divf %add3A_145, %div3A_147 : vector<16xf32>
        %convert_element_type3A_149 = arith.fptosi %div3A_148 : vector<16xf32> to vector<16xi32>
        %jit3A_150 = arith.constant 0 : i32
        %jit3A_151 = arith.constant 30 : i32
        %max3A_152 = vector.broadcast %jit3A_150 : i32 to vector<16xi32>
        %max3A_153 = arith.maxsi %max3A_152, %convert_element_type3A_149 : vector<16xi32>
        %min3A_154 = vector.broadcast %jit3A_151 : i32 to vector<16xi32>
        %min3A_155 = arith.minsi %min3A_154, %max3A_153 : vector<16xi32>
        %mul3A_156 = arith.constant 32 : i32
        %mul3A_157 = vector.broadcast %mul3A_156 : i32 to vector<16xi32>
        %mul3A_158 = arith.muli %min3A_155, %mul3A_157 : vector<16xi32>
        %add3A_159 = arith.constant 48192 : i32
        %add3A_160 = vector.broadcast %add3A_159 : i32 to vector<16xi32>
        %add3A_161 = arith.addi %mul3A_158, %add3A_160 : vector<16xi32>
        %add3A_162 = arith.constant 48 : i32
        %add3A_163 = arith.addi %mul3A_37, %add3A_162 : i32
        %add3A_164 = arith.constant 2 : i32
        %add3A_165 = arith.addi %add3A_163, %add3A_164 : i32
        %add3A_166 = vector.broadcast %add3A_165 : i32 to vector<16xi32>
        %add3A_167 = arith.addi %mul3A_3, %add3A_166 : vector<16xi32>
        %gather3A_168 = tpu.vector_load_idx %arg7[%add3A_167] : memref<6144xf32, #tpu.memory_space<vmem>>[vector<16xi32>], vector<16xf32>,
        %add3A_169 = arith.constant 6.000000e+00 : f32
        %add3A_170 = vector.broadcast %add3A_169 : f32 to vector<16xf32>
        %add3A_171 = arith.addf %gather3A_168, %add3A_170 : vector<16xf32>
        %div3A_172 = arith.constant 4.000000e-01 : f32
        %div3A_173 = vector.broadcast %div3A_172 : f32 to vector<16xf32>
        %div3A_174 = arith.divf %add3A_171, %div3A_173 : vector<16xf32>
        %convert_element_type3A_175 = arith.fptosi %div3A_174 : vector<16xf32> to vector<16xi32>
        %jit3A_176 = arith.constant 0 : i32
        %jit3A_177 = arith.constant 30 : i32
        %max3A_178 = vector.broadcast %jit3A_176 : i32 to vector<16xi32>
        %max3A_179 = arith.maxsi %max3A_178, %convert_element_type3A_175 : vector<16xi32>
        %min3A_180 = vector.broadcast %jit3A_177 : i32 to vector<16xi32>
        %min3A_181 = arith.minsi %min3A_180, %max3A_179 : vector<16xi32>
        %mul3A_182 = arith.constant 32 : i32
        %mul3A_183 = vector.broadcast %mul3A_182 : i32 to vector<16xi32>
        %mul3A_184 = arith.muli %min3A_181, %mul3A_183 : vector<16xi32>
        %add3A_185 = arith.constant 48192 : i32
        %add3A_186 = vector.broadcast %add3A_185 : i32 to vector<16xi32>
        %add3A_187 = arith.addi %mul3A_184, %add3A_186 : vector<16xi32>
        %broadcast_in_dim3A = arith.constant 0.000000e+00 : f32
        %broadcast_in_dim3A_188 = vector.broadcast %broadcast_in_dim3A : f32 to vector<16xf32>
        %broadcast_in_dim3A_189 = arith.constant 0.000000e+00 : f32
        %broadcast_in_dim3A_190 = vector.broadcast %broadcast_in_dim3A_189 : f32 to vector<16xf32>
        %broadcast_in_dim3A_191 = arith.constant 0.000000e+00 : f32
        %broadcast_in_dim3A_192 = vector.broadcast %broadcast_in_dim3A_191 : f32 to vector<16xf32>
        %broadcast_in_dim3A_193 = arith.constant 0.000000e+00 : f32
        %broadcast_in_dim3A_194 = vector.broadcast %broadcast_in_dim3A_193 : f32 to vector<16xf32>
        %broadcast_in_dim3A_195 = arith.constant 0.000000e+00 : f32
        %broadcast_in_dim3A_196 = vector.broadcast %broadcast_in_dim3A_195 : f32 to vector<16xf32>
        %broadcast_in_dim3A_197 = arith.constant 0.000000e+00 : f32
        %broadcast_in_dim3A_198 = vector.broadcast %broadcast_in_dim3A_197 : f32 to vector<16xf32>
        %broadcast_in_dim3A_199 = arith.constant 0.000000e+00 : f32
        %broadcast_in_dim3A_200 = vector.broadcast %broadcast_in_dim3A_199 : f32 to vector<16xf32>
        %broadcast_in_dim3A_201 = arith.constant 0.000000e+00 : f32
        %broadcast_in_dim3A_202 = vector.broadcast %broadcast_in_dim3A_201 : f32 to vector<16xf32>
        %broadcast_in_dim3A_203 = arith.constant 0.000000e+00 : f32
        %broadcast_in_dim3A_204 = vector.broadcast %broadcast_in_dim3A_203 : f32 to vector<16xf32>
        %broadcast_in_dim3A_205 = arith.constant 0.000000e+00 : f32
        %broadcast_in_dim3A_206 = vector.broadcast %broadcast_in_dim3A_205 : f32 to vector<16xf32>
        %broadcast_in_dim3A_207 = arith.constant 0.000000e+00 : f32
        %broadcast_in_dim3A_208 = vector.broadcast %broadcast_in_dim3A_207 : f32 to vector<16xf32>
        %broadcast_in_dim3A_209 = arith.constant 0.000000e+00 : f32
        %broadcast_in_dim3A_210 = vector.broadcast %broadcast_in_dim3A_209 : f32 to vector<16xf32>
        %broadcast_in_dim3A_211 = arith.constant 0.000000e+00 : f32
        %broadcast_in_dim3A_212 = vector.broadcast %broadcast_in_dim3A_211 : f32 to vector<16xf32>
        %broadcast_in_dim3A_213 = arith.constant 0.000000e+00 : f32
        %broadcast_in_dim3A_214 = vector.broadcast %broadcast_in_dim3A_213 : f32 to vector<16xf32>
        %broadcast_in_dim3A_215 = arith.constant 0.000000e+00 : f32
        %broadcast_in_dim3A_216 = vector.broadcast %broadcast_in_dim3A_215 : f32 to vector<16xf32>
        %broadcast_in_dim3A_217 = arith.constant 0.000000e+00 : f32
        %broadcast_in_dim3A_218 = vector.broadcast %broadcast_in_dim3A_217 : f32 to vector<16xf32>
        %mul3A_219 = arith.constant 96 : i32
        %mul3A_220 = arith.muli %scan3A_34, %mul3A_219 : i32
        %add3A_221 = arith.constant 0 : i32
        %add3A_222 = arith.addi %mul3A_220, %add3A_221 : i32
        %add3A_223 = arith.constant 0 : i32
        %add3A_224 = arith.addi %add3A_222, %add3A_223 : i32
        %add3A_225 = arith.constant 0 : i32
        %add3A_226 = arith.addi %add3A_224, %add3A_225 : i32
        %broadcast_in_dim3A_227 = arith.constant 0 : i32
        %broadcast_in_dim3A_228 = vector.broadcast %broadcast_in_dim3A_227 : i32 to vector<16xi32>
        %add3A_229 = vector.broadcast %add3A_226 : i32 to vector<16xi32>
        %add3A_230 = arith.addi %broadcast_in_dim3A_228, %add3A_229 : vector<16xi32>
        %gather3A_231 = tpu.vector_load_idx %arg8[%add3A_230] : memref<6144xf32, #tpu.memory_space<vmem>>[vector<16xi32>], vector<16xf32>,
        %add3A_232 = arith.constant 0 : i32
        %add3A_233 = vector.broadcast %add3A_232 : i32 to vector<16xi32>
        %add3A_234 = arith.addi %add3A_57, %add3A_233 : vector<16xi32>
        %gather3A_235 = tpu.vector_load_idx %arg6[%add3A_234] : memref<49184xf32, #tpu.memory_space<vmem>>[vector<16xi32>], vector<16xf32>,
        %mul3A_236 = arith.mulf %gather3A_235, %gather3A_231 : vector<16xf32>
        %add3A_237 = arith.addf %broadcast_in_dim3A_188, %mul3A_236 : vector<16xf32>
        %add3A_238 = arith.constant 0 : i32
        %add3A_239 = vector.broadcast %add3A_238 : i32 to vector<16xi32>
        %add3A_240 = arith.addi %add3A_83, %add3A_239 : vector<16xi32>
        %gather3A_241 = tpu.vector_load_idx %arg6[%add3A_240] : memref<49184xf32, #tpu.memory_space<vmem>>[vector<16xi32>], vector<16xf32>,
        %mul3A_242 = arith.mulf %gather3A_241, %gather3A_231 : vector<16xf32>
        %add3A_243 = arith.addf %broadcast_in_dim3A_190, %mul3A_242 : vector<16xf32>
        %add3A_244 = arith.constant 0 : i32
        %add3A_245 = arith.addi %mul3A_220, %add3A_244 : i32
        %add3A_246 = arith.constant 0 : i32
        %add3A_247 = arith.addi %add3A_245, %add3A_246 : i32
        %add3A_248 = arith.constant 1 : i32
        %add3A_249 = arith.addi %add3A_247, %add3A_248 : i32
        %broadcast_in_dim3A_250 = arith.constant 0 : i32
        %broadcast_in_dim3A_251 = vector.broadcast %broadcast_in_dim3A_250 : i32 to vector<16xi32>
        %add3A_252 = vector.broadcast %add3A_249 : i32 to vector<16xi32>
        %add3A_253 = arith.addi %broadcast_in_dim3A_251, %add3A_252 : vector<16xi32>
        %gather3A_254 = tpu.vector_load_idx %arg8[%add3A_253] : memref<6144xf32, #tpu.memory_space<vmem>>[vector<16xi32>], vector<16xf32>,
        %add3A_255 = arith.constant 1 : i32
        %add3A_256 = vector.broadcast %add3A_255 : i32 to vector<16xi32>
        %add3A_257 = arith.addi %add3A_57, %add3A_256 : vector<16xi32>
        %gather3A_258 = tpu.vector_load_idx %arg6[%add3A_257] : memref<49184xf32, #tpu.memory_space<vmem>>[vector<16xi32>], vector<16xf32>,
        %mul3A_259 = arith.mulf %gather3A_258, %gather3A_254 : vector<16xf32>
        %add3A_260 = arith.addf %add3A_237, %mul3A_259 : vector<16xf32>
        %add3A_261 = arith.constant 1 : i32
        %add3A_262 = vector.broadcast %add3A_261 : i32 to vector<16xi32>
        %add3A_263 = arith.addi %add3A_83, %add3A_262 : vector<16xi32>
        %gather3A_264 = tpu.vector_load_idx %arg6[%add3A_263] : memref<49184xf32, #tpu.memory_space<vmem>>[vector<16xi32>], vector<16xf32>,
        %mul3A_265 = arith.mulf %gather3A_264, %gather3A_254 : vector<16xf32>
        %add3A_266 = arith.addf %add3A_243, %mul3A_265 : vector<16xf32>
        %add3A_267 = arith.constant 0 : i32
        %add3A_268 = arith.addi %mul3A_220, %add3A_267 : i32
        %add3A_269 = arith.constant 0 : i32
        %add3A_270 = arith.addi %add3A_268, %add3A_269 : i32
        %add3A_271 = arith.constant 2 : i32
        %add3A_272 = arith.addi %add3A_270, %add3A_271 : i32
        %broadcast_in_dim3A_273 = arith.constant 0 : i32
        %broadcast_in_dim3A_274 = vector.broadcast %broadcast_in_dim3A_273 : i32 to vector<16xi32>
        %add3A_275 = vector.broadcast %add3A_272 : i32 to vector<16xi32>
        %add3A_276 = arith.addi %broadcast_in_dim3A_274, %add3A_275 : vector<16xi32>
        %gather3A_277 = tpu.vector_load_idx %arg8[%add3A_276] : memref<6144xf32, #tpu.memory_space<vmem>>[vector<16xi32>], vector<16xf32>,
        %add3A_278 = arith.constant 2 : i32
        %add3A_279 = vector.broadcast %add3A_278 : i32 to vector<16xi32>
        %add3A_280 = arith.addi %add3A_57, %add3A_279 : vector<16xi32>
        %gather3A_281 = tpu.vector_load_idx %arg6[%add3A_280] : memref<49184xf32, #tpu.memory_space<vmem>>[vector<16xi32>], vector<16xf32>,
        %mul3A_282 = arith.mulf %gather3A_281, %gather3A_277 : vector<16xf32>
        %add3A_283 = arith.addf %add3A_260, %mul3A_282 : vector<16xf32>
        %add3A_284 = arith.constant 2 : i32
        %add3A_285 = vector.broadcast %add3A_284 : i32 to vector<16xi32>
        %add3A_286 = arith.addi %add3A_83, %add3A_285 : vector<16xi32>
        %gather3A_287 = tpu.vector_load_idx %arg6[%add3A_286] : memref<49184xf32, #tpu.memory_space<vmem>>[vector<16xi32>], vector<16xf32>,
        %mul3A_288 = arith.mulf %gather3A_287, %gather3A_277 : vector<16xf32>
        %add3A_289 = arith.addf %add3A_266, %mul3A_288 : vector<16xf32>
        %add3A_290 = arith.constant 0 : i32
        %add3A_291 = arith.addi %mul3A_220, %add3A_290 : i32
        %add3A_292 = arith.constant 0 : i32
        %add3A_293 = arith.addi %add3A_291, %add3A_292 : i32
        %add3A_294 = arith.constant 3 : i32
        %add3A_295 = arith.addi %add3A_293, %add3A_294 : i32
        %broadcast_in_dim3A_296 = arith.constant 0 : i32
        %broadcast_in_dim3A_297 = vector.broadcast %broadcast_in_dim3A_296 : i32 to vector<16xi32>
        %add3A_298 = vector.broadcast %add3A_295 : i32 to vector<16xi32>
        %add3A_299 = arith.addi %broadcast_in_dim3A_297, %add3A_298 : vector<16xi32>
        %gather3A_300 = tpu.vector_load_idx %arg8[%add3A_299] : memref<6144xf32, #tpu.memory_space<vmem>>[vector<16xi32>], vector<16xf32>,
        %add3A_301 = arith.constant 3 : i32
        %add3A_302 = vector.broadcast %add3A_301 : i32 to vector<16xi32>
        %add3A_303 = arith.addi %add3A_57, %add3A_302 : vector<16xi32>
        %gather3A_304 = tpu.vector_load_idx %arg6[%add3A_303] : memref<49184xf32, #tpu.memory_space<vmem>>[vector<16xi32>], vector<16xf32>,
        %mul3A_305 = arith.mulf %gather3A_304, %gather3A_300 : vector<16xf32>
        %add3A_306 = arith.addf %add3A_283, %mul3A_305 : vector<16xf32>
        %add3A_307 = arith.constant 3 : i32
        %add3A_308 = vector.broadcast %add3A_307 : i32 to vector<16xi32>
        %add3A_309 = arith.addi %add3A_83, %add3A_308 : vector<16xi32>
        %gather3A_310 = tpu.vector_load_idx %arg6[%add3A_309] : memref<49184xf32, #tpu.memory_space<vmem>>[vector<16xi32>], vector<16xf32>,
        %mul3A_311 = arith.mulf %gather3A_310, %gather3A_300 : vector<16xf32>
        %add3A_312 = arith.addf %add3A_289, %mul3A_311 : vector<16xf32>
        %add3A_313 = arith.constant 12 : i32
        %add3A_314 = arith.addi %mul3A_220, %add3A_313 : i32
        %add3A_315 = arith.constant 0 : i32
        %add3A_316 = arith.addi %add3A_314, %add3A_315 : i32
        %add3A_317 = arith.constant 0 : i32
        %add3A_318 = arith.addi %add3A_316, %add3A_317 : i32
        %broadcast_in_dim3A_319 = arith.constant 0 : i32
        %broadcast_in_dim3A_320 = vector.broadcast %broadcast_in_dim3A_319 : i32 to vector<16xi32>
        %add3A_321 = vector.broadcast %add3A_318 : i32 to vector<16xi32>
        %add3A_322 = arith.addi %broadcast_in_dim3A_320, %add3A_321 : vector<16xi32>
        %gather3A_323 = tpu.vector_load_idx %arg8[%add3A_322] : memref<6144xf32, #tpu.memory_space<vmem>>[vector<16xi32>], vector<16xf32>,
        %add3A_324 = arith.constant 4 : i32
        %add3A_325 = vector.broadcast %add3A_324 : i32 to vector<16xi32>
        %add3A_326 = arith.addi %add3A_57, %add3A_325 : vector<16xi32>
        %gather3A_327 = tpu.vector_load_idx %arg6[%add3A_326] : memref<49184xf32, #tpu.memory_space<vmem>>[vector<16xi32>], vector<16xf32>,
        %mul3A_328 = arith.mulf %gather3A_327, %gather3A_323 : vector<16xf32>
        %add3A_329 = arith.addf %broadcast_in_dim3A_192, %mul3A_328 : vector<16xf32>
        %add3A_330 = arith.constant 4 : i32
        %add3A_331 = vector.broadcast %add3A_330 : i32 to vector<16xi32>
        %add3A_332 = arith.addi %add3A_83, %add3A_331 : vector<16xi32>
        %gather3A_333 = tpu.vector_load_idx %arg6[%add3A_332] : memref<49184xf32, #tpu.memory_space<vmem>>[vector<16xi32>], vector<16xf32>,
        %mul3A_334 = arith.mulf %gather3A_333, %gather3A_323 : vector<16xf32>
        %add3A_335 = arith.addf %broadcast_in_dim3A_194, %mul3A_334 : vector<16xf32>
        %add3A_336 = arith.constant 12 : i32
        %add3A_337 = arith.addi %mul3A_220, %add3A_336 : i32
        %add3A_338 = arith.constant 0 : i32
        %add3A_339 = arith.addi %add3A_337, %add3A_338 : i32
        %add3A_340 = arith.constant 1 : i32
        %add3A_341 = arith.addi %add3A_339, %add3A_340 : i32
        %broadcast_in_dim3A_342 = arith.constant 0 : i32
        %broadcast_in_dim3A_343 = vector.broadcast %broadcast_in_dim3A_342 : i32 to vector<16xi32>
        %add3A_344 = vector.broadcast %add3A_341 : i32 to vector<16xi32>
        %add3A_345 = arith.addi %broadcast_in_dim3A_343, %add3A_344 : vector<16xi32>
        %gather3A_346 = tpu.vector_load_idx %arg8[%add3A_345] : memref<6144xf32, #tpu.memory_space<vmem>>[vector<16xi32>], vector<16xf32>,
        %add3A_347 = arith.constant 5 : i32
        %add3A_348 = vector.broadcast %add3A_347 : i32 to vector<16xi32>
        %add3A_349 = arith.addi %add3A_57, %add3A_348 : vector<16xi32>
        %gather3A_350 = tpu.vector_load_idx %arg6[%add3A_349] : memref<49184xf32, #tpu.memory_space<vmem>>[vector<16xi32>], vector<16xf32>,
        %mul3A_351 = arith.mulf %gather3A_350, %gather3A_346 : vector<16xf32>
        %add3A_352 = arith.addf %add3A_329, %mul3A_351 : vector<16xf32>
        %add3A_353 = arith.constant 5 : i32
        %add3A_354 = vector.broadcast %add3A_353 : i32 to vector<16xi32>
        %add3A_355 = arith.addi %add3A_83, %add3A_354 : vector<16xi32>
        %gather3A_356 = tpu.vector_load_idx %arg6[%add3A_355] : memref<49184xf32, #tpu.memory_space<vmem>>[vector<16xi32>], vector<16xf32>,
        %mul3A_357 = arith.mulf %gather3A_356, %gather3A_346 : vector<16xf32>
        %add3A_358 = arith.addf %add3A_335, %mul3A_357 : vector<16xf32>
        %add3A_359 = arith.constant 12 : i32
        %add3A_360 = arith.addi %mul3A_220, %add3A_359 : i32
        %add3A_361 = arith.constant 0 : i32
        %add3A_362 = arith.addi %add3A_360, %add3A_361 : i32
        %add3A_363 = arith.constant 2 : i32
        %add3A_364 = arith.addi %add3A_362, %add3A_363 : i32
        %broadcast_in_dim3A_365 = arith.constant 0 : i32
        %broadcast_in_dim3A_366 = vector.broadcast %broadcast_in_dim3A_365 : i32 to vector<16xi32>
        %add3A_367 = vector.broadcast %add3A_364 : i32 to vector<16xi32>
        %add3A_368 = arith.addi %broadcast_in_dim3A_366, %add3A_367 : vector<16xi32>
        %gather3A_369 = tpu.vector_load_idx %arg8[%add3A_368] : memref<6144xf32, #tpu.memory_space<vmem>>[vector<16xi32>], vector<16xf32>,
        %add3A_370 = arith.constant 6 : i32
        %add3A_371 = vector.broadcast %add3A_370 : i32 to vector<16xi32>
        %add3A_372 = arith.addi %add3A_57, %add3A_371 : vector<16xi32>
        %gather3A_373 = tpu.vector_load_idx %arg6[%add3A_372] : memref<49184xf32, #tpu.memory_space<vmem>>[vector<16xi32>], vector<16xf32>,
        %mul3A_374 = arith.mulf %gather3A_373, %gather3A_369 : vector<16xf32>
        %add3A_375 = arith.addf %add3A_352, %mul3A_374 : vector<16xf32>
        %add3A_376 = arith.constant 6 : i32
        %add3A_377 = vector.broadcast %add3A_376 : i32 to vector<16xi32>
        %add3A_378 = arith.addi %add3A_83, %add3A_377 : vector<16xi32>
        %gather3A_379 = tpu.vector_load_idx %arg6[%add3A_378] : memref<49184xf32, #tpu.memory_space<vmem>>[vector<16xi32>], vector<16xf32>,
        %mul3A_380 = arith.mulf %gather3A_379, %gather3A_369 : vector<16xf32>
        %add3A_381 = arith.addf %add3A_358, %mul3A_380 : vector<16xf32>
        %add3A_382 = arith.constant 12 : i32
        %add3A_383 = arith.addi %mul3A_220, %add3A_382 : i32
        %add3A_384 = arith.constant 0 : i32
        %add3A_385 = arith.addi %add3A_383, %add3A_384 : i32
        %add3A_386 = arith.constant 3 : i32
        %add3A_387 = arith.addi %add3A_385, %add3A_386 : i32
        %broadcast_in_dim3A_388 = arith.constant 0 : i32
        %broadcast_in_dim3A_389 = vector.broadcast %broadcast_in_dim3A_388 : i32 to vector<16xi32>
        %add3A_390 = vector.broadcast %add3A_387 : i32 to vector<16xi32>
        %add3A_391 = arith.addi %broadcast_in_dim3A_389, %add3A_390 : vector<16xi32>
        %gather3A_392 = tpu.vector_load_idx %arg8[%add3A_391] : memref<6144xf32, #tpu.memory_space<vmem>>[vector<16xi32>], vector<16xf32>,
        %add3A_393 = arith.constant 7 : i32
        %add3A_394 = vector.broadcast %add3A_393 : i32 to vector<16xi32>
        %add3A_395 = arith.addi %add3A_57, %add3A_394 : vector<16xi32>
        %gather3A_396 = tpu.vector_load_idx %arg6[%add3A_395] : memref<49184xf32, #tpu.memory_space<vmem>>[vector<16xi32>], vector<16xf32>,
        %mul3A_397 = arith.mulf %gather3A_396, %gather3A_392 : vector<16xf32>
        %add3A_398 = arith.addf %add3A_375, %mul3A_397 : vector<16xf32>
        %add3A_399 = arith.constant 7 : i32
        %add3A_400 = vector.broadcast %add3A_399 : i32 to vector<16xi32>
        %add3A_401 = arith.addi %add3A_83, %add3A_400 : vector<16xi32>
        %gather3A_402 = tpu.vector_load_idx %arg6[%add3A_401] : memref<49184xf32, #tpu.memory_space<vmem>>[vector<16xi32>], vector<16xf32>,
        %mul3A_403 = arith.mulf %gather3A_402, %gather3A_392 : vector<16xf32>
        %add3A_404 = arith.addf %add3A_381, %mul3A_403 : vector<16xf32>
        %add3A_405 = arith.constant 24 : i32
        %add3A_406 = arith.addi %mul3A_220, %add3A_405 : i32
        %add3A_407 = arith.constant 0 : i32
        %add3A_408 = arith.addi %add3A_406, %add3A_407 : i32
        %add3A_409 = arith.constant 0 : i32
        %add3A_410 = arith.addi %add3A_408, %add3A_409 : i32
        %broadcast_in_dim3A_411 = arith.constant 0 : i32
        %broadcast_in_dim3A_412 = vector.broadcast %broadcast_in_dim3A_411 : i32 to vector<16xi32>
        %add3A_413 = vector.broadcast %add3A_410 : i32 to vector<16xi32>
        %add3A_414 = arith.addi %broadcast_in_dim3A_412, %add3A_413 : vector<16xi32>
        %gather3A_415 = tpu.vector_load_idx %arg8[%add3A_414] : memref<6144xf32, #tpu.memory_space<vmem>>[vector<16xi32>], vector<16xf32>,
        %add3A_416 = arith.constant 8 : i32
        %add3A_417 = vector.broadcast %add3A_416 : i32 to vector<16xi32>
        %add3A_418 = arith.addi %add3A_57, %add3A_417 : vector<16xi32>
        %gather3A_419 = tpu.vector_load_idx %arg6[%add3A_418] : memref<49184xf32, #tpu.memory_space<vmem>>[vector<16xi32>], vector<16xf32>,
        %mul3A_420 = arith.mulf %gather3A_419, %gather3A_415 : vector<16xf32>
        %add3A_421 = arith.addf %broadcast_in_dim3A_196, %mul3A_420 : vector<16xf32>
        %add3A_422 = arith.constant 8 : i32
        %add3A_423 = vector.broadcast %add3A_422 : i32 to vector<16xi32>
        %add3A_424 = arith.addi %add3A_83, %add3A_423 : vector<16xi32>
        %gather3A_425 = tpu.vector_load_idx %arg6[%add3A_424] : memref<49184xf32, #tpu.memory_space<vmem>>[vector<16xi32>], vector<16xf32>,
        %mul3A_426 = arith.mulf %gather3A_425, %gather3A_415 : vector<16xf32>
        %add3A_427 = arith.addf %broadcast_in_dim3A_198, %mul3A_426 : vector<16xf32>
        %add3A_428 = arith.constant 24 : i32
        %add3A_429 = arith.addi %mul3A_220, %add3A_428 : i32
        %add3A_430 = arith.constant 0 : i32
        %add3A_431 = arith.addi %add3A_429, %add3A_430 : i32
        %add3A_432 = arith.constant 1 : i32
        %add3A_433 = arith.addi %add3A_431, %add3A_432 : i32
        %broadcast_in_dim3A_434 = arith.constant 0 : i32
        %broadcast_in_dim3A_435 = vector.broadcast %broadcast_in_dim3A_434 : i32 to vector<16xi32>
        %add3A_436 = vector.broadcast %add3A_433 : i32 to vector<16xi32>
        %add3A_437 = arith.addi %broadcast_in_dim3A_435, %add3A_436 : vector<16xi32>
        %gather3A_438 = tpu.vector_load_idx %arg8[%add3A_437] : memref<6144xf32, #tpu.memory_space<vmem>>[vector<16xi32>], vector<16xf32>,
        %add3A_439 = arith.constant 9 : i32
        %add3A_440 = vector.broadcast %add3A_439 : i32 to vector<16xi32>
        %add3A_441 = arith.addi %add3A_57, %add3A_440 : vector<16xi32>
        %gather3A_442 = tpu.vector_load_idx %arg6[%add3A_441] : memref<49184xf32, #tpu.memory_space<vmem>>[vector<16xi32>], vector<16xf32>,
        %mul3A_443 = arith.mulf %gather3A_442, %gather3A_438 : vector<16xf32>
        %add3A_444 = arith.addf %add3A_421, %mul3A_443 : vector<16xf32>
        %add3A_445 = arith.constant 9 : i32
        %add3A_446 = vector.broadcast %add3A_445 : i32 to vector<16xi32>
        %add3A_447 = arith.addi %add3A_83, %add3A_446 : vector<16xi32>
        %gather3A_448 = tpu.vector_load_idx %arg6[%add3A_447] : memref<49184xf32, #tpu.memory_space<vmem>>[vector<16xi32>], vector<16xf32>,
        %mul3A_449 = arith.mulf %gather3A_448, %gather3A_438 : vector<16xf32>
        %add3A_450 = arith.addf %add3A_427, %mul3A_449 : vector<16xf32>
        %add3A_451 = arith.constant 24 : i32
        %add3A_452 = arith.addi %mul3A_220, %add3A_451 : i32
        %add3A_453 = arith.constant 0 : i32
        %add3A_454 = arith.addi %add3A_452, %add3A_453 : i32
        %add3A_455 = arith.constant 2 : i32
        %add3A_456 = arith.addi %add3A_454, %add3A_455 : i32
        %broadcast_in_dim3A_457 = arith.constant 0 : i32
        %broadcast_in_dim3A_458 = vector.broadcast %broadcast_in_dim3A_457 : i32 to vector<16xi32>
        %add3A_459 = vector.broadcast %add3A_456 : i32 to vector<16xi32>
        %add3A_460 = arith.addi %broadcast_in_dim3A_458, %add3A_459 : vector<16xi32>
        %gather3A_461 = tpu.vector_load_idx %arg8[%add3A_460] : memref<6144xf32, #tpu.memory_space<vmem>>[vector<16xi32>], vector<16xf32>,
        %add3A_462 = arith.constant 10 : i32
        %add3A_463 = vector.broadcast %add3A_462 : i32 to vector<16xi32>
        %add3A_464 = arith.addi %add3A_57, %add3A_463 : vector<16xi32>
        %gather3A_465 = tpu.vector_load_idx %arg6[%add3A_464] : memref<49184xf32, #tpu.memory_space<vmem>>[vector<16xi32>], vector<16xf32>,
        %mul3A_466 = arith.mulf %gather3A_465, %gather3A_461 : vector<16xf32>
        %add3A_467 = arith.addf %add3A_444, %mul3A_466 : vector<16xf32>
        %add3A_468 = arith.constant 10 : i32
        %add3A_469 = vector.broadcast %add3A_468 : i32 to vector<16xi32>
        %add3A_470 = arith.addi %add3A_83, %add3A_469 : vector<16xi32>
        %gather3A_471 = tpu.vector_load_idx %arg6[%add3A_470] : memref<49184xf32, #tpu.memory_space<vmem>>[vector<16xi32>], vector<16xf32>,
        %mul3A_472 = arith.mulf %gather3A_471, %gather3A_461 : vector<16xf32>
        %add3A_473 = arith.addf %add3A_450, %mul3A_472 : vector<16xf32>
        %add3A_474 = arith.constant 24 : i32
        %add3A_475 = arith.addi %mul3A_220, %add3A_474 : i32
        %add3A_476 = arith.constant 0 : i32
        %add3A_477 = arith.addi %add3A_475, %add3A_476 : i32
        %add3A_478 = arith.constant 3 : i32
        %add3A_479 = arith.addi %add3A_477, %add3A_478 : i32
        %broadcast_in_dim3A_480 = arith.constant 0 : i32
        %broadcast_in_dim3A_481 = vector.broadcast %broadcast_in_dim3A_480 : i32 to vector<16xi32>
        %add3A_482 = vector.broadcast %add3A_479 : i32 to vector<16xi32>
        %add3A_483 = arith.addi %broadcast_in_dim3A_481, %add3A_482 : vector<16xi32>
        %gather3A_484 = tpu.vector_load_idx %arg8[%add3A_483] : memref<6144xf32, #tpu.memory_space<vmem>>[vector<16xi32>], vector<16xf32>,
        %add3A_485 = arith.constant 11 : i32
        %add3A_486 = vector.broadcast %add3A_485 : i32 to vector<16xi32>
        %add3A_487 = arith.addi %add3A_57, %add3A_486 : vector<16xi32>
        %gather3A_488 = tpu.vector_load_idx %arg6[%add3A_487] : memref<49184xf32, #tpu.memory_space<vmem>>[vector<16xi32>], vector<16xf32>,
        %mul3A_489 = arith.mulf %gather3A_488, %gather3A_484 : vector<16xf32>
        %add3A_490 = arith.addf %add3A_467, %mul3A_489 : vector<16xf32>
        %add3A_491 = arith.constant 11 : i32
        %add3A_492 = vector.broadcast %add3A_491 : i32 to vector<16xi32>
        %add3A_493 = arith.addi %add3A_83, %add3A_492 : vector<16xi32>
        %gather3A_494 = tpu.vector_load_idx %arg6[%add3A_493] : memref<49184xf32, #tpu.memory_space<vmem>>[vector<16xi32>], vector<16xf32>,
        %mul3A_495 = arith.mulf %gather3A_494, %gather3A_484 : vector<16xf32>
        %add3A_496 = arith.addf %add3A_473, %mul3A_495 : vector<16xf32>
        %add3A_497 = arith.constant 36 : i32
        %add3A_498 = arith.addi %mul3A_220, %add3A_497 : i32
        %add3A_499 = arith.constant 0 : i32
        %add3A_500 = arith.addi %add3A_498, %add3A_499 : i32
        %add3A_501 = arith.constant 0 : i32
        %add3A_502 = arith.addi %add3A_500, %add3A_501 : i32
        %broadcast_in_dim3A_503 = arith.constant 0 : i32
        %broadcast_in_dim3A_504 = vector.broadcast %broadcast_in_dim3A_503 : i32 to vector<16xi32>
        %add3A_505 = vector.broadcast %add3A_502 : i32 to vector<16xi32>
        %add3A_506 = arith.addi %broadcast_in_dim3A_504, %add3A_505 : vector<16xi32>
        %gather3A_507 = tpu.vector_load_idx %arg8[%add3A_506] : memref<6144xf32, #tpu.memory_space<vmem>>[vector<16xi32>], vector<16xf32>,
        %add3A_508 = arith.constant 12 : i32
        %add3A_509 = vector.broadcast %add3A_508 : i32 to vector<16xi32>
        %add3A_510 = arith.addi %add3A_57, %add3A_509 : vector<16xi32>
        %gather3A_511 = tpu.vector_load_idx %arg6[%add3A_510] : memref<49184xf32, #tpu.memory_space<vmem>>[vector<16xi32>], vector<16xf32>,
        %mul3A_512 = arith.mulf %gather3A_511, %gather3A_507 : vector<16xf32>
        %add3A_513 = arith.addf %broadcast_in_dim3A_200, %mul3A_512 : vector<16xf32>
        %add3A_514 = arith.constant 12 : i32
        %add3A_515 = vector.broadcast %add3A_514 : i32 to vector<16xi32>
        %add3A_516 = arith.addi %add3A_83, %add3A_515 : vector<16xi32>
        %gather3A_517 = tpu.vector_load_idx %arg6[%add3A_516] : memref<49184xf32, #tpu.memory_space<vmem>>[vector<16xi32>], vector<16xf32>,
        %mul3A_518 = arith.mulf %gather3A_517, %gather3A_507 : vector<16xf32>
        %add3A_519 = arith.addf %broadcast_in_dim3A_202, %mul3A_518 : vector<16xf32>
        %add3A_520 = arith.constant 36 : i32
        %add3A_521 = arith.addi %mul3A_220, %add3A_520 : i32
        %add3A_522 = arith.constant 0 : i32
        %add3A_523 = arith.addi %add3A_521, %add3A_522 : i32
        %add3A_524 = arith.constant 1 : i32
        %add3A_525 = arith.addi %add3A_523, %add3A_524 : i32
        %broadcast_in_dim3A_526 = arith.constant 0 : i32
        %broadcast_in_dim3A_527 = vector.broadcast %broadcast_in_dim3A_526 : i32 to vector<16xi32>
        %add3A_528 = vector.broadcast %add3A_525 : i32 to vector<16xi32>
        %add3A_529 = arith.addi %broadcast_in_dim3A_527, %add3A_528 : vector<16xi32>
        %gather3A_530 = tpu.vector_load_idx %arg8[%add3A_529] : memref<6144xf32, #tpu.memory_space<vmem>>[vector<16xi32>], vector<16xf32>,
        %add3A_531 = arith.constant 13 : i32
        %add3A_532 = vector.broadcast %add3A_531 : i32 to vector<16xi32>
        %add3A_533 = arith.addi %add3A_57, %add3A_532 : vector<16xi32>
        %gather3A_534 = tpu.vector_load_idx %arg6[%add3A_533] : memref<49184xf32, #tpu.memory_space<vmem>>[vector<16xi32>], vector<16xf32>,
        %mul3A_535 = arith.mulf %gather3A_534, %gather3A_530 : vector<16xf32>
        %add3A_536 = arith.addf %add3A_513, %mul3A_535 : vector<16xf32>
        %add3A_537 = arith.constant 13 : i32
        %add3A_538 = vector.broadcast %add3A_537 : i32 to vector<16xi32>
        %add3A_539 = arith.addi %add3A_83, %add3A_538 : vector<16xi32>
        %gather3A_540 = tpu.vector_load_idx %arg6[%add3A_539] : memref<49184xf32, #tpu.memory_space<vmem>>[vector<16xi32>], vector<16xf32>,
        %mul3A_541 = arith.mulf %gather3A_540, %gather3A_530 : vector<16xf32>
        %add3A_542 = arith.addf %add3A_519, %mul3A_541 : vector<16xf32>
        %add3A_543 = arith.constant 36 : i32
        %add3A_544 = arith.addi %mul3A_220, %add3A_543 : i32
        %add3A_545 = arith.constant 0 : i32
        %add3A_546 = arith.addi %add3A_544, %add3A_545 : i32
        %add3A_547 = arith.constant 2 : i32
        %add3A_548 = arith.addi %add3A_546, %add3A_547 : i32
        %broadcast_in_dim3A_549 = arith.constant 0 : i32
        %broadcast_in_dim3A_550 = vector.broadcast %broadcast_in_dim3A_549 : i32 to vector<16xi32>
        %add3A_551 = vector.broadcast %add3A_548 : i32 to vector<16xi32>
        %add3A_552 = arith.addi %broadcast_in_dim3A_550, %add3A_551 : vector<16xi32>
        %gather3A_553 = tpu.vector_load_idx %arg8[%add3A_552] : memref<6144xf32, #tpu.memory_space<vmem>>[vector<16xi32>], vector<16xf32>,
        %add3A_554 = arith.constant 14 : i32
        %add3A_555 = vector.broadcast %add3A_554 : i32 to vector<16xi32>
        %add3A_556 = arith.addi %add3A_57, %add3A_555 : vector<16xi32>
        %gather3A_557 = tpu.vector_load_idx %arg6[%add3A_556] : memref<49184xf32, #tpu.memory_space<vmem>>[vector<16xi32>], vector<16xf32>,
        %mul3A_558 = arith.mulf %gather3A_557, %gather3A_553 : vector<16xf32>
        %add3A_559 = arith.addf %add3A_536, %mul3A_558 : vector<16xf32>
        %add3A_560 = arith.constant 14 : i32
        %add3A_561 = vector.broadcast %add3A_560 : i32 to vector<16xi32>
        %add3A_562 = arith.addi %add3A_83, %add3A_561 : vector<16xi32>
        %gather3A_563 = tpu.vector_load_idx %arg6[%add3A_562] : memref<49184xf32, #tpu.memory_space<vmem>>[vector<16xi32>], vector<16xf32>,
        %mul3A_564 = arith.mulf %gather3A_563, %gather3A_553 : vector<16xf32>
        %add3A_565 = arith.addf %add3A_542, %mul3A_564 : vector<16xf32>
        %add3A_566 = arith.constant 36 : i32
        %add3A_567 = arith.addi %mul3A_220, %add3A_566 : i32
        %add3A_568 = arith.constant 0 : i32
        %add3A_569 = arith.addi %add3A_567, %add3A_568 : i32
        %add3A_570 = arith.constant 3 : i32
        %add3A_571 = arith.addi %add3A_569, %add3A_570 : i32
        %broadcast_in_dim3A_572 = arith.constant 0 : i32
        %broadcast_in_dim3A_573 = vector.broadcast %broadcast_in_dim3A_572 : i32 to vector<16xi32>
        %add3A_574 = vector.broadcast %add3A_571 : i32 to vector<16xi32>
        %add3A_575 = arith.addi %broadcast_in_dim3A_573, %add3A_574 : vector<16xi32>
        %gather3A_576 = tpu.vector_load_idx %arg8[%add3A_575] : memref<6144xf32, #tpu.memory_space<vmem>>[vector<16xi32>], vector<16xf32>,
        %add3A_577 = arith.constant 15 : i32
        %add3A_578 = vector.broadcast %add3A_577 : i32 to vector<16xi32>
        %add3A_579 = arith.addi %add3A_57, %add3A_578 : vector<16xi32>
        %gather3A_580 = tpu.vector_load_idx %arg6[%add3A_579] : memref<49184xf32, #tpu.memory_space<vmem>>[vector<16xi32>], vector<16xf32>,
        %mul3A_581 = arith.mulf %gather3A_580, %gather3A_576 : vector<16xf32>
        %add3A_582 = arith.addf %add3A_559, %mul3A_581 : vector<16xf32>
        %add3A_583 = arith.constant 15 : i32
        %add3A_584 = vector.broadcast %add3A_583 : i32 to vector<16xi32>
        %add3A_585 = arith.addi %add3A_83, %add3A_584 : vector<16xi32>
        %gather3A_586 = tpu.vector_load_idx %arg6[%add3A_585] : memref<49184xf32, #tpu.memory_space<vmem>>[vector<16xi32>], vector<16xf32>,
        %mul3A_587 = arith.mulf %gather3A_586, %gather3A_576 : vector<16xf32>
        %add3A_588 = arith.addf %add3A_565, %mul3A_587 : vector<16xf32>
        %add3A_589 = arith.constant 48 : i32
        %add3A_590 = arith.addi %mul3A_220, %add3A_589 : i32
        %add3A_591 = arith.constant 0 : i32
        %add3A_592 = arith.addi %add3A_590, %add3A_591 : i32
        %add3A_593 = arith.constant 0 : i32
        %add3A_594 = arith.addi %add3A_592, %add3A_593 : i32
        %broadcast_in_dim3A_595 = arith.constant 0 : i32
        %broadcast_in_dim3A_596 = vector.broadcast %broadcast_in_dim3A_595 : i32 to vector<16xi32>
        %add3A_597 = vector.broadcast %add3A_594 : i32 to vector<16xi32>
        %add3A_598 = arith.addi %broadcast_in_dim3A_596, %add3A_597 : vector<16xi32>
        %gather3A_599 = tpu.vector_load_idx %arg8[%add3A_598] : memref<6144xf32, #tpu.memory_space<vmem>>[vector<16xi32>], vector<16xf32>,
        %add3A_600 = arith.constant 16 : i32
        %add3A_601 = vector.broadcast %add3A_600 : i32 to vector<16xi32>
        %add3A_602 = arith.addi %add3A_57, %add3A_601 : vector<16xi32>
        %gather3A_603 = tpu.vector_load_idx %arg6[%add3A_602] : memref<49184xf32, #tpu.memory_space<vmem>>[vector<16xi32>], vector<16xf32>,
        %mul3A_604 = arith.mulf %gather3A_603, %gather3A_599 : vector<16xf32>
        %add3A_605 = arith.addf %broadcast_in_dim3A_204, %mul3A_604 : vector<16xf32>
        %add3A_606 = arith.constant 16 : i32
        %add3A_607 = vector.broadcast %add3A_606 : i32 to vector<16xi32>
        %add3A_608 = arith.addi %add3A_83, %add3A_607 : vector<16xi32>
        %gather3A_609 = tpu.vector_load_idx %arg6[%add3A_608] : memref<49184xf32, #tpu.memory_space<vmem>>[vector<16xi32>], vector<16xf32>,
        %mul3A_610 = arith.mulf %gather3A_609, %gather3A_599 : vector<16xf32>
        %add3A_611 = arith.addf %broadcast_in_dim3A_206, %mul3A_610 : vector<16xf32>
        %add3A_612 = arith.constant 48 : i32
        %add3A_613 = arith.addi %mul3A_220, %add3A_612 : i32
        %add3A_614 = arith.constant 0 : i32
        %add3A_615 = arith.addi %add3A_613, %add3A_614 : i32
        %add3A_616 = arith.constant 1 : i32
        %add3A_617 = arith.addi %add3A_615, %add3A_616 : i32
        %broadcast_in_dim3A_618 = arith.constant 0 : i32
        %broadcast_in_dim3A_619 = vector.broadcast %broadcast_in_dim3A_618 : i32 to vector<16xi32>
        %add3A_620 = vector.broadcast %add3A_617 : i32 to vector<16xi32>
        %add3A_621 = arith.addi %broadcast_in_dim3A_619, %add3A_620 : vector<16xi32>
        %gather3A_622 = tpu.vector_load_idx %arg8[%add3A_621] : memref<6144xf32, #tpu.memory_space<vmem>>[vector<16xi32>], vector<16xf32>,
        %add3A_623 = arith.constant 17 : i32
        %add3A_624 = vector.broadcast %add3A_623 : i32 to vector<16xi32>
        %add3A_625 = arith.addi %add3A_57, %add3A_624 : vector<16xi32>
        %gather3A_626 = tpu.vector_load_idx %arg6[%add3A_625] : memref<49184xf32, #tpu.memory_space<vmem>>[vector<16xi32>], vector<16xf32>,
        %mul3A_627 = arith.mulf %gather3A_626, %gather3A_622 : vector<16xf32>
        %add3A_628 = arith.addf %add3A_605, %mul3A_627 : vector<16xf32>
        %add3A_629 = arith.constant 17 : i32
        %add3A_630 = vector.broadcast %add3A_629 : i32 to vector<16xi32>
        %add3A_631 = arith.addi %add3A_83, %add3A_630 : vector<16xi32>
        %gather3A_632 = tpu.vector_load_idx %arg6[%add3A_631] : memref<49184xf32, #tpu.memory_space<vmem>>[vector<16xi32>], vector<16xf32>,
        %mul3A_633 = arith.mulf %gather3A_632, %gather3A_622 : vector<16xf32>
        %add3A_634 = arith.addf %add3A_611, %mul3A_633 : vector<16xf32>
        %add3A_635 = arith.constant 48 : i32
        %add3A_636 = arith.addi %mul3A_220, %add3A_635 : i32
        %add3A_637 = arith.constant 0 : i32
        %add3A_638 = arith.addi %add3A_636, %add3A_637 : i32
        %add3A_639 = arith.constant 2 : i32
        %add3A_640 = arith.addi %add3A_638, %add3A_639 : i32
        %broadcast_in_dim3A_641 = arith.constant 0 : i32
        %broadcast_in_dim3A_642 = vector.broadcast %broadcast_in_dim3A_641 : i32 to vector<16xi32>
        %add3A_643 = vector.broadcast %add3A_640 : i32 to vector<16xi32>
        %add3A_644 = arith.addi %broadcast_in_dim3A_642, %add3A_643 : vector<16xi32>
        %gather3A_645 = tpu.vector_load_idx %arg8[%add3A_644] : memref<6144xf32, #tpu.memory_space<vmem>>[vector<16xi32>], vector<16xf32>,
        %add3A_646 = arith.constant 18 : i32
        %add3A_647 = vector.broadcast %add3A_646 : i32 to vector<16xi32>
        %add3A_648 = arith.addi %add3A_57, %add3A_647 : vector<16xi32>
        %gather3A_649 = tpu.vector_load_idx %arg6[%add3A_648] : memref<49184xf32, #tpu.memory_space<vmem>>[vector<16xi32>], vector<16xf32>,
        %mul3A_650 = arith.mulf %gather3A_649, %gather3A_645 : vector<16xf32>
        %add3A_651 = arith.addf %add3A_628, %mul3A_650 : vector<16xf32>
        %add3A_652 = arith.constant 18 : i32
        %add3A_653 = vector.broadcast %add3A_652 : i32 to vector<16xi32>
        %add3A_654 = arith.addi %add3A_83, %add3A_653 : vector<16xi32>
        %gather3A_655 = tpu.vector_load_idx %arg6[%add3A_654] : memref<49184xf32, #tpu.memory_space<vmem>>[vector<16xi32>], vector<16xf32>,
        %mul3A_656 = arith.mulf %gather3A_655, %gather3A_645 : vector<16xf32>
        %add3A_657 = arith.addf %add3A_634, %mul3A_656 : vector<16xf32>
        %add3A_658 = arith.constant 48 : i32
        %add3A_659 = arith.addi %mul3A_220, %add3A_658 : i32
        %add3A_660 = arith.constant 0 : i32
        %add3A_661 = arith.addi %add3A_659, %add3A_660 : i32
        %add3A_662 = arith.constant 3 : i32
        %add3A_663 = arith.addi %add3A_661, %add3A_662 : i32
        %broadcast_in_dim3A_664 = arith.constant 0 : i32
        %broadcast_in_dim3A_665 = vector.broadcast %broadcast_in_dim3A_664 : i32 to vector<16xi32>
        %add3A_666 = vector.broadcast %add3A_663 : i32 to vector<16xi32>
        %add3A_667 = arith.addi %broadcast_in_dim3A_665, %add3A_666 : vector<16xi32>
        %gather3A_668 = tpu.vector_load_idx %arg8[%add3A_667] : memref<6144xf32, #tpu.memory_space<vmem>>[vector<16xi32>], vector<16xf32>,
        %add3A_669 = arith.constant 19 : i32
        %add3A_670 = vector.broadcast %add3A_669 : i32 to vector<16xi32>
        %add3A_671 = arith.addi %add3A_57, %add3A_670 : vector<16xi32>
        %gather3A_672 = tpu.vector_load_idx %arg6[%add3A_671] : memref<49184xf32, #tpu.memory_space<vmem>>[vector<16xi32>], vector<16xf32>,
        %mul3A_673 = arith.mulf %gather3A_672, %gather3A_668 : vector<16xf32>
        %add3A_674 = arith.addf %add3A_651, %mul3A_673 : vector<16xf32>
        %add3A_675 = arith.constant 19 : i32
        %add3A_676 = vector.broadcast %add3A_675 : i32 to vector<16xi32>
        %add3A_677 = arith.addi %add3A_83, %add3A_676 : vector<16xi32>
        %gather3A_678 = tpu.vector_load_idx %arg6[%add3A_677] : memref<49184xf32, #tpu.memory_space<vmem>>[vector<16xi32>], vector<16xf32>,
        %mul3A_679 = arith.mulf %gather3A_678, %gather3A_668 : vector<16xf32>
        %add3A_680 = arith.addf %add3A_657, %mul3A_679 : vector<16xf32>
        %add3A_681 = arith.constant 60 : i32
        %add3A_682 = arith.addi %mul3A_220, %add3A_681 : i32
        %add3A_683 = arith.constant 0 : i32
        %add3A_684 = arith.addi %add3A_682, %add3A_683 : i32
        %add3A_685 = arith.constant 0 : i32
        %add3A_686 = arith.addi %add3A_684, %add3A_685 : i32
        %broadcast_in_dim3A_687 = arith.constant 0 : i32
        %broadcast_in_dim3A_688 = vector.broadcast %broadcast_in_dim3A_687 : i32 to vector<16xi32>
        %add3A_689 = vector.broadcast %add3A_686 : i32 to vector<16xi32>
        %add3A_690 = arith.addi %broadcast_in_dim3A_688, %add3A_689 : vector<16xi32>
        %gather3A_691 = tpu.vector_load_idx %arg8[%add3A_690] : memref<6144xf32, #tpu.memory_space<vmem>>[vector<16xi32>], vector<16xf32>,
        %add3A_692 = arith.constant 20 : i32
        %add3A_693 = vector.broadcast %add3A_692 : i32 to vector<16xi32>
        %add3A_694 = arith.addi %add3A_57, %add3A_693 : vector<16xi32>
        %gather3A_695 = tpu.vector_load_idx %arg6[%add3A_694] : memref<49184xf32, #tpu.memory_space<vmem>>[vector<16xi32>], vector<16xf32>,
        %mul3A_696 = arith.mulf %gather3A_695, %gather3A_691 : vector<16xf32>
        %add3A_697 = arith.addf %broadcast_in_dim3A_208, %mul3A_696 : vector<16xf32>
        %add3A_698 = arith.constant 20 : i32
        %add3A_699 = vector.broadcast %add3A_698 : i32 to vector<16xi32>
        %add3A_700 = arith.addi %add3A_83, %add3A_699 : vector<16xi32>
        %gather3A_701 = tpu.vector_load_idx %arg6[%add3A_700] : memref<49184xf32, #tpu.memory_space<vmem>>[vector<16xi32>], vector<16xf32>,
        %mul3A_702 = arith.mulf %gather3A_701, %gather3A_691 : vector<16xf32>
        %add3A_703 = arith.addf %broadcast_in_dim3A_210, %mul3A_702 : vector<16xf32>
        %add3A_704 = arith.constant 60 : i32
        %add3A_705 = arith.addi %mul3A_220, %add3A_704 : i32
        %add3A_706 = arith.constant 0 : i32
        %add3A_707 = arith.addi %add3A_705, %add3A_706 : i32
        %add3A_708 = arith.constant 1 : i32
        %add3A_709 = arith.addi %add3A_707, %add3A_708 : i32
        %broadcast_in_dim3A_710 = arith.constant 0 : i32
        %broadcast_in_dim3A_711 = vector.broadcast %broadcast_in_dim3A_710 : i32 to vector<16xi32>
        %add3A_712 = vector.broadcast %add3A_709 : i32 to vector<16xi32>
        %add3A_713 = arith.addi %broadcast_in_dim3A_711, %add3A_712 : vector<16xi32>
        %gather3A_714 = tpu.vector_load_idx %arg8[%add3A_713] : memref<6144xf32, #tpu.memory_space<vmem>>[vector<16xi32>], vector<16xf32>,
        %add3A_715 = arith.constant 21 : i32
        %add3A_716 = vector.broadcast %add3A_715 : i32 to vector<16xi32>
        %add3A_717 = arith.addi %add3A_57, %add3A_716 : vector<16xi32>
        %gather3A_718 = tpu.vector_load_idx %arg6[%add3A_717] : memref<49184xf32, #tpu.memory_space<vmem>>[vector<16xi32>], vector<16xf32>,
        %mul3A_719 = arith.mulf %gather3A_718, %gather3A_714 : vector<16xf32>
        %add3A_720 = arith.addf %add3A_697, %mul3A_719 : vector<16xf32>
        %add3A_721 = arith.constant 21 : i32
        %add3A_722 = vector.broadcast %add3A_721 : i32 to vector<16xi32>
        %add3A_723 = arith.addi %add3A_83, %add3A_722 : vector<16xi32>
        %gather3A_724 = tpu.vector_load_idx %arg6[%add3A_723] : memref<49184xf32, #tpu.memory_space<vmem>>[vector<16xi32>], vector<16xf32>,
        %mul3A_725 = arith.mulf %gather3A_724, %gather3A_714 : vector<16xf32>
        %add3A_726 = arith.addf %add3A_703, %mul3A_725 : vector<16xf32>
        %add3A_727 = arith.constant 60 : i32
        %add3A_728 = arith.addi %mul3A_220, %add3A_727 : i32
        %add3A_729 = arith.constant 0 : i32
        %add3A_730 = arith.addi %add3A_728, %add3A_729 : i32
        %add3A_731 = arith.constant 2 : i32
        %add3A_732 = arith.addi %add3A_730, %add3A_731 : i32
        %broadcast_in_dim3A_733 = arith.constant 0 : i32
        %broadcast_in_dim3A_734 = vector.broadcast %broadcast_in_dim3A_733 : i32 to vector<16xi32>
        %add3A_735 = vector.broadcast %add3A_732 : i32 to vector<16xi32>
        %add3A_736 = arith.addi %broadcast_in_dim3A_734, %add3A_735 : vector<16xi32>
        %gather3A_737 = tpu.vector_load_idx %arg8[%add3A_736] : memref<6144xf32, #tpu.memory_space<vmem>>[vector<16xi32>], vector<16xf32>,
        %add3A_738 = arith.constant 22 : i32
        %add3A_739 = vector.broadcast %add3A_738 : i32 to vector<16xi32>
        %add3A_740 = arith.addi %add3A_57, %add3A_739 : vector<16xi32>
        %gather3A_741 = tpu.vector_load_idx %arg6[%add3A_740] : memref<49184xf32, #tpu.memory_space<vmem>>[vector<16xi32>], vector<16xf32>,
        %mul3A_742 = arith.mulf %gather3A_741, %gather3A_737 : vector<16xf32>
        %add3A_743 = arith.addf %add3A_720, %mul3A_742 : vector<16xf32>
        %add3A_744 = arith.constant 22 : i32
        %add3A_745 = vector.broadcast %add3A_744 : i32 to vector<16xi32>
        %add3A_746 = arith.addi %add3A_83, %add3A_745 : vector<16xi32>
        %gather3A_747 = tpu.vector_load_idx %arg6[%add3A_746] : memref<49184xf32, #tpu.memory_space<vmem>>[vector<16xi32>], vector<16xf32>,
        %mul3A_748 = arith.mulf %gather3A_747, %gather3A_737 : vector<16xf32>
        %add3A_749 = arith.addf %add3A_726, %mul3A_748 : vector<16xf32>
        %add3A_750 = arith.constant 60 : i32
        %add3A_751 = arith.addi %mul3A_220, %add3A_750 : i32
        %add3A_752 = arith.constant 0 : i32
        %add3A_753 = arith.addi %add3A_751, %add3A_752 : i32
        %add3A_754 = arith.constant 3 : i32
        %add3A_755 = arith.addi %add3A_753, %add3A_754 : i32
        %broadcast_in_dim3A_756 = arith.constant 0 : i32
        %broadcast_in_dim3A_757 = vector.broadcast %broadcast_in_dim3A_756 : i32 to vector<16xi32>
        %add3A_758 = vector.broadcast %add3A_755 : i32 to vector<16xi32>
        %add3A_759 = arith.addi %broadcast_in_dim3A_757, %add3A_758 : vector<16xi32>
        %gather3A_760 = tpu.vector_load_idx %arg8[%add3A_759] : memref<6144xf32, #tpu.memory_space<vmem>>[vector<16xi32>], vector<16xf32>,
        %add3A_761 = arith.constant 23 : i32
        %add3A_762 = vector.broadcast %add3A_761 : i32 to vector<16xi32>
        %add3A_763 = arith.addi %add3A_57, %add3A_762 : vector<16xi32>
        %gather3A_764 = tpu.vector_load_idx %arg6[%add3A_763] : memref<49184xf32, #tpu.memory_space<vmem>>[vector<16xi32>], vector<16xf32>,
        %mul3A_765 = arith.mulf %gather3A_764, %gather3A_760 : vector<16xf32>
        %add3A_766 = arith.addf %add3A_743, %mul3A_765 : vector<16xf32>
        %add3A_767 = arith.constant 23 : i32
        %add3A_768 = vector.broadcast %add3A_767 : i32 to vector<16xi32>
        %add3A_769 = arith.addi %add3A_83, %add3A_768 : vector<16xi32>
        %gather3A_770 = tpu.vector_load_idx %arg6[%add3A_769] : memref<49184xf32, #tpu.memory_space<vmem>>[vector<16xi32>], vector<16xf32>,
        %mul3A_771 = arith.mulf %gather3A_770, %gather3A_760 : vector<16xf32>
        %add3A_772 = arith.addf %add3A_749, %mul3A_771 : vector<16xf32>
        %add3A_773 = arith.constant 72 : i32
        %add3A_774 = arith.addi %mul3A_220, %add3A_773 : i32
        %add3A_775 = arith.constant 0 : i32
        %add3A_776 = arith.addi %add3A_774, %add3A_775 : i32
        %add3A_777 = arith.constant 0 : i32
        %add3A_778 = arith.addi %add3A_776, %add3A_777 : i32
        %broadcast_in_dim3A_779 = arith.constant 0 : i32
        %broadcast_in_dim3A_780 = vector.broadcast %broadcast_in_dim3A_779 : i32 to vector<16xi32>
        %add3A_781 = vector.broadcast %add3A_778 : i32 to vector<16xi32>
        %add3A_782 = arith.addi %broadcast_in_dim3A_780, %add3A_781 : vector<16xi32>
        %gather3A_783 = tpu.vector_load_idx %arg8[%add3A_782] : memref<6144xf32, #tpu.memory_space<vmem>>[vector<16xi32>], vector<16xf32>,
        %add3A_784 = arith.constant 24 : i32
        %add3A_785 = vector.broadcast %add3A_784 : i32 to vector<16xi32>
        %add3A_786 = arith.addi %add3A_57, %add3A_785 : vector<16xi32>
        %gather3A_787 = tpu.vector_load_idx %arg6[%add3A_786] : memref<49184xf32, #tpu.memory_space<vmem>>[vector<16xi32>], vector<16xf32>,
        %mul3A_788 = arith.mulf %gather3A_787, %gather3A_783 : vector<16xf32>
        %add3A_789 = arith.addf %broadcast_in_dim3A_212, %mul3A_788 : vector<16xf32>
        %add3A_790 = arith.constant 24 : i32
        %add3A_791 = vector.broadcast %add3A_790 : i32 to vector<16xi32>
        %add3A_792 = arith.addi %add3A_83, %add3A_791 : vector<16xi32>
        %gather3A_793 = tpu.vector_load_idx %arg6[%add3A_792] : memref<49184xf32, #tpu.memory_space<vmem>>[vector<16xi32>], vector<16xf32>,
        %mul3A_794 = arith.mulf %gather3A_793, %gather3A_783 : vector<16xf32>
        %add3A_795 = arith.addf %broadcast_in_dim3A_214, %mul3A_794 : vector<16xf32>
        %add3A_796 = arith.constant 72 : i32
        %add3A_797 = arith.addi %mul3A_220, %add3A_796 : i32
        %add3A_798 = arith.constant 0 : i32
        %add3A_799 = arith.addi %add3A_797, %add3A_798 : i32
        %add3A_800 = arith.constant 1 : i32
        %add3A_801 = arith.addi %add3A_799, %add3A_800 : i32
        %broadcast_in_dim3A_802 = arith.constant 0 : i32
        %broadcast_in_dim3A_803 = vector.broadcast %broadcast_in_dim3A_802 : i32 to vector<16xi32>
        %add3A_804 = vector.broadcast %add3A_801 : i32 to vector<16xi32>
        %add3A_805 = arith.addi %broadcast_in_dim3A_803, %add3A_804 : vector<16xi32>
        %gather3A_806 = tpu.vector_load_idx %arg8[%add3A_805] : memref<6144xf32, #tpu.memory_space<vmem>>[vector<16xi32>], vector<16xf32>,
        %add3A_807 = arith.constant 25 : i32
        %add3A_808 = vector.broadcast %add3A_807 : i32 to vector<16xi32>
        %add3A_809 = arith.addi %add3A_57, %add3A_808 : vector<16xi32>
        %gather3A_810 = tpu.vector_load_idx %arg6[%add3A_809] : memref<49184xf32, #tpu.memory_space<vmem>>[vector<16xi32>], vector<16xf32>,
        %mul3A_811 = arith.mulf %gather3A_810, %gather3A_806 : vector<16xf32>
        %add3A_812 = arith.addf %add3A_789, %mul3A_811 : vector<16xf32>
        %add3A_813 = arith.constant 25 : i32
        %add3A_814 = vector.broadcast %add3A_813 : i32 to vector<16xi32>
        %add3A_815 = arith.addi %add3A_83, %add3A_814 : vector<16xi32>
        %gather3A_816 = tpu.vector_load_idx %arg6[%add3A_815] : memref<49184xf32, #tpu.memory_space<vmem>>[vector<16xi32>], vector<16xf32>,
        %mul3A_817 = arith.mulf %gather3A_816, %gather3A_806 : vector<16xf32>
        %add3A_818 = arith.addf %add3A_795, %mul3A_817 : vector<16xf32>
        %add3A_819 = arith.constant 72 : i32
        %add3A_820 = arith.addi %mul3A_220, %add3A_819 : i32
        %add3A_821 = arith.constant 0 : i32
        %add3A_822 = arith.addi %add3A_820, %add3A_821 : i32
        %add3A_823 = arith.constant 2 : i32
        %add3A_824 = arith.addi %add3A_822, %add3A_823 : i32
        %broadcast_in_dim3A_825 = arith.constant 0 : i32
        %broadcast_in_dim3A_826 = vector.broadcast %broadcast_in_dim3A_825 : i32 to vector<16xi32>
        %add3A_827 = vector.broadcast %add3A_824 : i32 to vector<16xi32>
        %add3A_828 = arith.addi %broadcast_in_dim3A_826, %add3A_827 : vector<16xi32>
        %gather3A_829 = tpu.vector_load_idx %arg8[%add3A_828] : memref<6144xf32, #tpu.memory_space<vmem>>[vector<16xi32>], vector<16xf32>,
        %add3A_830 = arith.constant 26 : i32
        %add3A_831 = vector.broadcast %add3A_830 : i32 to vector<16xi32>
        %add3A_832 = arith.addi %add3A_57, %add3A_831 : vector<16xi32>
        %gather3A_833 = tpu.vector_load_idx %arg6[%add3A_832] : memref<49184xf32, #tpu.memory_space<vmem>>[vector<16xi32>], vector<16xf32>,
        %mul3A_834 = arith.mulf %gather3A_833, %gather3A_829 : vector<16xf32>
        %add3A_835 = arith.addf %add3A_812, %mul3A_834 : vector<16xf32>
        %add3A_836 = arith.constant 26 : i32
        %add3A_837 = vector.broadcast %add3A_836 : i32 to vector<16xi32>
        %add3A_838 = arith.addi %add3A_83, %add3A_837 : vector<16xi32>
        %gather3A_839 = tpu.vector_load_idx %arg6[%add3A_838] : memref<49184xf32, #tpu.memory_space<vmem>>[vector<16xi32>], vector<16xf32>,
        %mul3A_840 = arith.mulf %gather3A_839, %gather3A_829 : vector<16xf32>
        %add3A_841 = arith.addf %add3A_818, %mul3A_840 : vector<16xf32>
        %add3A_842 = arith.constant 72 : i32
        %add3A_843 = arith.addi %mul3A_220, %add3A_842 : i32
        %add3A_844 = arith.constant 0 : i32
        %add3A_845 = arith.addi %add3A_843, %add3A_844 : i32
        %add3A_846 = arith.constant 3 : i32
        %add3A_847 = arith.addi %add3A_845, %add3A_846 : i32
        %broadcast_in_dim3A_848 = arith.constant 0 : i32
        %broadcast_in_dim3A_849 = vector.broadcast %broadcast_in_dim3A_848 : i32 to vector<16xi32>
        %add3A_850 = vector.broadcast %add3A_847 : i32 to vector<16xi32>
        %add3A_851 = arith.addi %broadcast_in_dim3A_849, %add3A_850 : vector<16xi32>
        %gather3A_852 = tpu.vector_load_idx %arg8[%add3A_851] : memref<6144xf32, #tpu.memory_space<vmem>>[vector<16xi32>], vector<16xf32>,
        %add3A_853 = arith.constant 27 : i32
        %add3A_854 = vector.broadcast %add3A_853 : i32 to vector<16xi32>
        %add3A_855 = arith.addi %add3A_57, %add3A_854 : vector<16xi32>
        %gather3A_856 = tpu.vector_load_idx %arg6[%add3A_855] : memref<49184xf32, #tpu.memory_space<vmem>>[vector<16xi32>], vector<16xf32>,
        %mul3A_857 = arith.mulf %gather3A_856, %gather3A_852 : vector<16xf32>
        %add3A_858 = arith.addf %add3A_835, %mul3A_857 : vector<16xf32>
        %add3A_859 = arith.constant 27 : i32
        %add3A_860 = vector.broadcast %add3A_859 : i32 to vector<16xi32>
        %add3A_861 = arith.addi %add3A_83, %add3A_860 : vector<16xi32>
        %gather3A_862 = tpu.vector_load_idx %arg6[%add3A_861] : memref<49184xf32, #tpu.memory_space<vmem>>[vector<16xi32>], vector<16xf32>,
        %mul3A_863 = arith.mulf %gather3A_862, %gather3A_852 : vector<16xf32>
        %add3A_864 = arith.addf %add3A_841, %mul3A_863 : vector<16xf32>
        %add3A_865 = arith.constant 84 : i32
        %add3A_866 = arith.addi %mul3A_220, %add3A_865 : i32
        %add3A_867 = arith.constant 0 : i32
        %add3A_868 = arith.addi %add3A_866, %add3A_867 : i32
        %add3A_869 = arith.constant 0 : i32
        %add3A_870 = arith.addi %add3A_868, %add3A_869 : i32
        %broadcast_in_dim3A_871 = arith.constant 0 : i32
        %broadcast_in_dim3A_872 = vector.broadcast %broadcast_in_dim3A_871 : i32 to vector<16xi32>
        %add3A_873 = vector.broadcast %add3A_870 : i32 to vector<16xi32>
        %add3A_874 = arith.addi %broadcast_in_dim3A_872, %add3A_873 : vector<16xi32>
        %gather3A_875 = tpu.vector_load_idx %arg8[%add3A_874] : memref<6144xf32, #tpu.memory_space<vmem>>[vector<16xi32>], vector<16xf32>,
        %add3A_876 = arith.constant 28 : i32
        %add3A_877 = vector.broadcast %add3A_876 : i32 to vector<16xi32>
        %add3A_878 = arith.addi %add3A_57, %add3A_877 : vector<16xi32>
        %gather3A_879 = tpu.vector_load_idx %arg6[%add3A_878] : memref<49184xf32, #tpu.memory_space<vmem>>[vector<16xi32>], vector<16xf32>,
        %mul3A_880 = arith.mulf %gather3A_879, %gather3A_875 : vector<16xf32>
        %add3A_881 = arith.addf %broadcast_in_dim3A_216, %mul3A_880 : vector<16xf32>
        %add3A_882 = arith.constant 28 : i32
        %add3A_883 = vector.broadcast %add3A_882 : i32 to vector<16xi32>
        %add3A_884 = arith.addi %add3A_83, %add3A_883 : vector<16xi32>
        %gather3A_885 = tpu.vector_load_idx %arg6[%add3A_884] : memref<49184xf32, #tpu.memory_space<vmem>>[vector<16xi32>], vector<16xf32>,
        %mul3A_886 = arith.mulf %gather3A_885, %gather3A_875 : vector<16xf32>
        %add3A_887 = arith.addf %broadcast_in_dim3A_218, %mul3A_886 : vector<16xf32>
        %add3A_888 = arith.constant 84 : i32
        %add3A_889 = arith.addi %mul3A_220, %add3A_888 : i32
        %add3A_890 = arith.constant 0 : i32
        %add3A_891 = arith.addi %add3A_889, %add3A_890 : i32
        %add3A_892 = arith.constant 1 : i32
        %add3A_893 = arith.addi %add3A_891, %add3A_892 : i32
        %broadcast_in_dim3A_894 = arith.constant 0 : i32
        %broadcast_in_dim3A_895 = vector.broadcast %broadcast_in_dim3A_894 : i32 to vector<16xi32>
        %add3A_896 = vector.broadcast %add3A_893 : i32 to vector<16xi32>
        %add3A_897 = arith.addi %broadcast_in_dim3A_895, %add3A_896 : vector<16xi32>
        %gather3A_898 = tpu.vector_load_idx %arg8[%add3A_897] : memref<6144xf32, #tpu.memory_space<vmem>>[vector<16xi32>], vector<16xf32>,
        %add3A_899 = arith.constant 29 : i32
        %add3A_900 = vector.broadcast %add3A_899 : i32 to vector<16xi32>
        %add3A_901 = arith.addi %add3A_57, %add3A_900 : vector<16xi32>
        %gather3A_902 = tpu.vector_load_idx %arg6[%add3A_901] : memref<49184xf32, #tpu.memory_space<vmem>>[vector<16xi32>], vector<16xf32>,
        %mul3A_903 = arith.mulf %gather3A_902, %gather3A_898 : vector<16xf32>
        %add3A_904 = arith.addf %add3A_881, %mul3A_903 : vector<16xf32>
        %add3A_905 = arith.constant 29 : i32
        %add3A_906 = vector.broadcast %add3A_905 : i32 to vector<16xi32>
        %add3A_907 = arith.addi %add3A_83, %add3A_906 : vector<16xi32>
        %gather3A_908 = tpu.vector_load_idx %arg6[%add3A_907] : memref<49184xf32, #tpu.memory_space<vmem>>[vector<16xi32>], vector<16xf32>,
        %mul3A_909 = arith.mulf %gather3A_908, %gather3A_898 : vector<16xf32>
        %add3A_910 = arith.addf %add3A_887, %mul3A_909 : vector<16xf32>
        %add3A_911 = arith.constant 84 : i32
        %add3A_912 = arith.addi %mul3A_220, %add3A_911 : i32
        %add3A_913 = arith.constant 0 : i32
        %add3A_914 = arith.addi %add3A_912, %add3A_913 : i32
        %add3A_915 = arith.constant 2 : i32
        %add3A_916 = arith.addi %add3A_914, %add3A_915 : i32
        %broadcast_in_dim3A_917 = arith.constant 0 : i32
        %broadcast_in_dim3A_918 = vector.broadcast %broadcast_in_dim3A_917 : i32 to vector<16xi32>
        %add3A_919 = vector.broadcast %add3A_916 : i32 to vector<16xi32>
        %add3A_920 = arith.addi %broadcast_in_dim3A_918, %add3A_919 : vector<16xi32>
        %gather3A_921 = tpu.vector_load_idx %arg8[%add3A_920] : memref<6144xf32, #tpu.memory_space<vmem>>[vector<16xi32>], vector<16xf32>,
        %add3A_922 = arith.constant 30 : i32
        %add3A_923 = vector.broadcast %add3A_922 : i32 to vector<16xi32>
        %add3A_924 = arith.addi %add3A_57, %add3A_923 : vector<16xi32>
        %gather3A_925 = tpu.vector_load_idx %arg6[%add3A_924] : memref<49184xf32, #tpu.memory_space<vmem>>[vector<16xi32>], vector<16xf32>,
        %mul3A_926 = arith.mulf %gather3A_925, %gather3A_921 : vector<16xf32>
        %add3A_927 = arith.addf %add3A_904, %mul3A_926 : vector<16xf32>
        %add3A_928 = arith.constant 30 : i32
        %add3A_929 = vector.broadcast %add3A_928 : i32 to vector<16xi32>
        %add3A_930 = arith.addi %add3A_83, %add3A_929 : vector<16xi32>
        %gather3A_931 = tpu.vector_load_idx %arg6[%add3A_930] : memref<49184xf32, #tpu.memory_space<vmem>>[vector<16xi32>], vector<16xf32>,
        %mul3A_932 = arith.mulf %gather3A_931, %gather3A_921 : vector<16xf32>
        %add3A_933 = arith.addf %add3A_910, %mul3A_932 : vector<16xf32>
        %add3A_934 = arith.constant 84 : i32
        %add3A_935 = arith.addi %mul3A_220, %add3A_934 : i32
        %add3A_936 = arith.constant 0 : i32
        %add3A_937 = arith.addi %add3A_935, %add3A_936 : i32
        %add3A_938 = arith.constant 3 : i32
        %add3A_939 = arith.addi %add3A_937, %add3A_938 : i32
        %broadcast_in_dim3A_940 = arith.constant 0 : i32
        %broadcast_in_dim3A_941 = vector.broadcast %broadcast_in_dim3A_940 : i32 to vector<16xi32>
        %add3A_942 = vector.broadcast %add3A_939 : i32 to vector<16xi32>
        %add3A_943 = arith.addi %broadcast_in_dim3A_941, %add3A_942 : vector<16xi32>
        %gather3A_944 = tpu.vector_load_idx %arg8[%add3A_943] : memref<6144xf32, #tpu.memory_space<vmem>>[vector<16xi32>], vector<16xf32>,
        %add3A_945 = arith.constant 31 : i32
        %add3A_946 = vector.broadcast %add3A_945 : i32 to vector<16xi32>
        %add3A_947 = arith.addi %add3A_57, %add3A_946 : vector<16xi32>
        %gather3A_948 = tpu.vector_load_idx %arg6[%add3A_947] : memref<49184xf32, #tpu.memory_space<vmem>>[vector<16xi32>], vector<16xf32>,
        %mul3A_949 = arith.mulf %gather3A_948, %gather3A_944 : vector<16xf32>
        %add3A_950 = arith.addf %add3A_927, %mul3A_949 : vector<16xf32>
        %add3A_951 = arith.constant 31 : i32
        %add3A_952 = vector.broadcast %add3A_951 : i32 to vector<16xi32>
        %add3A_953 = arith.addi %add3A_83, %add3A_952 : vector<16xi32>
        %gather3A_954 = tpu.vector_load_idx %arg6[%add3A_953] : memref<49184xf32, #tpu.memory_space<vmem>>[vector<16xi32>], vector<16xf32>,
        %mul3A_955 = arith.mulf %gather3A_954, %gather3A_944 : vector<16xf32>
        %add3A_956 = arith.addf %add3A_933, %mul3A_955 : vector<16xf32>
        %add3A_957 = arith.constant 0 : i32
        %add3A_958 = arith.addi %mul3A_220, %add3A_957 : i32
        %add3A_959 = arith.constant 4 : i32
        %add3A_960 = arith.addi %add3A_958, %add3A_959 : i32
        %add3A_961 = arith.constant 0 : i32
        %add3A_962 = arith.addi %add3A_960, %add3A_961 : i32
        %broadcast_in_dim3A_963 = arith.constant 0 : i32
        %broadcast_in_dim3A_964 = vector.broadcast %broadcast_in_dim3A_963 : i32 to vector<16xi32>
        %add3A_965 = vector.broadcast %add3A_962 : i32 to vector<16xi32>
        %add3A_966 = arith.addi %broadcast_in_dim3A_964, %add3A_965 : vector<16xi32>
        %gather3A_967 = tpu.vector_load_idx %arg8[%add3A_966] : memref<6144xf32, #tpu.memory_space<vmem>>[vector<16xi32>], vector<16xf32>,
        %add3A_968 = arith.constant 0 : i32
        %add3A_969 = vector.broadcast %add3A_968 : i32 to vector<16xi32>
        %add3A_970 = arith.addi %add3A_109, %add3A_969 : vector<16xi32>
        %gather3A_971 = tpu.vector_load_idx %arg6[%add3A_970] : memref<49184xf32, #tpu.memory_space<vmem>>[vector<16xi32>], vector<16xf32>,
        %mul3A_972 = arith.mulf %gather3A_971, %gather3A_967 : vector<16xf32>
        %add3A_973 = arith.addf %add3A_306, %mul3A_972 : vector<16xf32>
        %add3A_974 = arith.constant 0 : i32
        %add3A_975 = vector.broadcast %add3A_974 : i32 to vector<16xi32>
        %add3A_976 = arith.addi %add3A_135, %add3A_975 : vector<16xi32>
        %gather3A_977 = tpu.vector_load_idx %arg6[%add3A_976] : memref<49184xf32, #tpu.memory_space<vmem>>[vector<16xi32>], vector<16xf32>,
        %mul3A_978 = arith.mulf %gather3A_977, %gather3A_967 : vector<16xf32>
        %add3A_979 = arith.addf %add3A_312, %mul3A_978 : vector<16xf32>
        %add3A_980 = arith.constant 0 : i32
        %add3A_981 = arith.addi %mul3A_220, %add3A_980 : i32
        %add3A_982 = arith.constant 4 : i32
        %add3A_983 = arith.addi %add3A_981, %add3A_982 : i32
        %add3A_984 = arith.constant 1 : i32
        %add3A_985 = arith.addi %add3A_983, %add3A_984 : i32
        %broadcast_in_dim3A_986 = arith.constant 0 : i32
        %broadcast_in_dim3A_987 = vector.broadcast %broadcast_in_dim3A_986 : i32 to vector<16xi32>
        %add3A_988 = vector.broadcast %add3A_985 : i32 to vector<16xi32>
        %add3A_989 = arith.addi %broadcast_in_dim3A_987, %add3A_988 : vector<16xi32>
        %gather3A_990 = tpu.vector_load_idx %arg8[%add3A_989] : memref<6144xf32, #tpu.memory_space<vmem>>[vector<16xi32>], vector<16xf32>,
        %add3A_991 = arith.constant 1 : i32
        %add3A_992 = vector.broadcast %add3A_991 : i32 to vector<16xi32>
        %add3A_993 = arith.addi %add3A_109, %add3A_992 : vector<16xi32>
        %gather3A_994 = tpu.vector_load_idx %arg6[%add3A_993] : memref<49184xf32, #tpu.memory_space<vmem>>[vector<16xi32>], vector<16xf32>,
        %mul3A_995 = arith.mulf %gather3A_994, %gather3A_990 : vector<16xf32>
        %add3A_996 = arith.addf %add3A_973, %mul3A_995 : vector<16xf32>
        %add3A_997 = arith.constant 1 : i32
        %add3A_998 = vector.broadcast %add3A_997 : i32 to vector<16xi32>
        %add3A_999 = arith.addi %add3A_135, %add3A_998 : vector<16xi32>
        %gather3A_1000 = tpu.vector_load_idx %arg6[%add3A_999] : memref<49184xf32, #tpu.memory_space<vmem>>[vector<16xi32>], vector<16xf32>,
        %mul3A_1001 = arith.mulf %gather3A_1000, %gather3A_990 : vector<16xf32>
        %add3A_1002 = arith.addf %add3A_979, %mul3A_1001 : vector<16xf32>
        %add3A_1003 = arith.constant 0 : i32
        %add3A_1004 = arith.addi %mul3A_220, %add3A_1003 : i32
        %add3A_1005 = arith.constant 4 : i32
        %add3A_1006 = arith.addi %add3A_1004, %add3A_1005 : i32
        %add3A_1007 = arith.constant 2 : i32
        %add3A_1008 = arith.addi %add3A_1006, %add3A_1007 : i32
        %broadcast_in_dim3A_1009 = arith.constant 0 : i32
        %broadcast_in_dim3A_1010 = vector.broadcast %broadcast_in_dim3A_1009 : i32 to vector<16xi32>
        %add3A_1011 = vector.broadcast %add3A_1008 : i32 to vector<16xi32>
        %add3A_1012 = arith.addi %broadcast_in_dim3A_1010, %add3A_1011 : vector<16xi32>
        %gather3A_1013 = tpu.vector_load_idx %arg8[%add3A_1012] : memref<6144xf32, #tpu.memory_space<vmem>>[vector<16xi32>], vector<16xf32>,
        %add3A_1014 = arith.constant 2 : i32
        %add3A_1015 = vector.broadcast %add3A_1014 : i32 to vector<16xi32>
        %add3A_1016 = arith.addi %add3A_109, %add3A_1015 : vector<16xi32>
        %gather3A_1017 = tpu.vector_load_idx %arg6[%add3A_1016] : memref<49184xf32, #tpu.memory_space<vmem>>[vector<16xi32>], vector<16xf32>,
        %mul3A_1018 = arith.mulf %gather3A_1017, %gather3A_1013 : vector<16xf32>
        %add3A_1019 = arith.addf %add3A_996, %mul3A_1018 : vector<16xf32>
        %add3A_1020 = arith.constant 2 : i32
        %add3A_1021 = vector.broadcast %add3A_1020 : i32 to vector<16xi32>
        %add3A_1022 = arith.addi %add3A_135, %add3A_1021 : vector<16xi32>
        %gather3A_1023 = tpu.vector_load_idx %arg6[%add3A_1022] : memref<49184xf32, #tpu.memory_space<vmem>>[vector<16xi32>], vector<16xf32>,
        %mul3A_1024 = arith.mulf %gather3A_1023, %gather3A_1013 : vector<16xf32>
        %add3A_1025 = arith.addf %add3A_1002, %mul3A_1024 : vector<16xf32>
        %add3A_1026 = arith.constant 0 : i32
        %add3A_1027 = arith.addi %mul3A_220, %add3A_1026 : i32
        %add3A_1028 = arith.constant 4 : i32
        %add3A_1029 = arith.addi %add3A_1027, %add3A_1028 : i32
        %add3A_1030 = arith.constant 3 : i32
        %add3A_1031 = arith.addi %add3A_1029, %add3A_1030 : i32
        %broadcast_in_dim3A_1032 = arith.constant 0 : i32
        %broadcast_in_dim3A_1033 = vector.broadcast %broadcast_in_dim3A_1032 : i32 to vector<16xi32>
        %add3A_1034 = vector.broadcast %add3A_1031 : i32 to vector<16xi32>
        %add3A_1035 = arith.addi %broadcast_in_dim3A_1033, %add3A_1034 : vector<16xi32>
        %gather3A_1036 = tpu.vector_load_idx %arg8[%add3A_1035] : memref<6144xf32, #tpu.memory_space<vmem>>[vector<16xi32>], vector<16xf32>,
        %add3A_1037 = arith.constant 3 : i32
        %add3A_1038 = vector.broadcast %add3A_1037 : i32 to vector<16xi32>
        %add3A_1039 = arith.addi %add3A_109, %add3A_1038 : vector<16xi32>
        %gather3A_1040 = tpu.vector_load_idx %arg6[%add3A_1039] : memref<49184xf32, #tpu.memory_space<vmem>>[vector<16xi32>], vector<16xf32>,
        %mul3A_1041 = arith.mulf %gather3A_1040, %gather3A_1036 : vector<16xf32>
        %add3A_1042 = arith.addf %add3A_1019, %mul3A_1041 : vector<16xf32>
        %add3A_1043 = arith.constant 3 : i32
        %add3A_1044 = vector.broadcast %add3A_1043 : i32 to vector<16xi32>
        %add3A_1045 = arith.addi %add3A_135, %add3A_1044 : vector<16xi32>
        %gather3A_1046 = tpu.vector_load_idx %arg6[%add3A_1045] : memref<49184xf32, #tpu.memory_space<vmem>>[vector<16xi32>], vector<16xf32>,
        %mul3A_1047 = arith.mulf %gather3A_1046, %gather3A_1036 : vector<16xf32>
        %add3A_1048 = arith.addf %add3A_1025, %mul3A_1047 : vector<16xf32>
        %add3A_1049 = arith.constant 12 : i32
        %add3A_1050 = arith.addi %mul3A_220, %add3A_1049 : i32
        %add3A_1051 = arith.constant 4 : i32
        %add3A_1052 = arith.addi %add3A_1050, %add3A_1051 : i32
        %add3A_1053 = arith.constant 0 : i32
        %add3A_1054 = arith.addi %add3A_1052, %add3A_1053 : i32
        %broadcast_in_dim3A_1055 = arith.constant 0 : i32
        %broadcast_in_dim3A_1056 = vector.broadcast %broadcast_in_dim3A_1055 : i32 to vector<16xi32>
        %add3A_1057 = vector.broadcast %add3A_1054 : i32 to vector<16xi32>
        %add3A_1058 = arith.addi %broadcast_in_dim3A_1056, %add3A_1057 : vector<16xi32>
        %gather3A_1059 = tpu.vector_load_idx %arg8[%add3A_1058] : memref<6144xf32, #tpu.memory_space<vmem>>[vector<16xi32>], vector<16xf32>,
        %add3A_1060 = arith.constant 4 : i32
        %add3A_1061 = vector.broadcast %add3A_1060 : i32 to vector<16xi32>
        %add3A_1062 = arith.addi %add3A_109, %add3A_1061 : vector<16xi32>
        %gather3A_1063 = tpu.vector_load_idx %arg6[%add3A_1062] : memref<49184xf32, #tpu.memory_space<vmem>>[vector<16xi32>], vector<16xf32>,
        %mul3A_1064 = arith.mulf %gather3A_1063, %gather3A_1059 : vector<16xf32>
        %add3A_1065 = arith.addf %add3A_398, %mul3A_1064 : vector<16xf32>
        %add3A_1066 = arith.constant 4 : i32
        %add3A_1067 = vector.broadcast %add3A_1066 : i32 to vector<16xi32>
        %add3A_1068 = arith.addi %add3A_135, %add3A_1067 : vector<16xi32>
        %gather3A_1069 = tpu.vector_load_idx %arg6[%add3A_1068] : memref<49184xf32, #tpu.memory_space<vmem>>[vector<16xi32>], vector<16xf32>,
        %mul3A_1070 = arith.mulf %gather3A_1069, %gather3A_1059 : vector<16xf32>
        %add3A_1071 = arith.addf %add3A_404, %mul3A_1070 : vector<16xf32>
        %add3A_1072 = arith.constant 12 : i32
        %add3A_1073 = arith.addi %mul3A_220, %add3A_1072 : i32
        %add3A_1074 = arith.constant 4 : i32
        %add3A_1075 = arith.addi %add3A_1073, %add3A_1074 : i32
        %add3A_1076 = arith.constant 1 : i32
        %add3A_1077 = arith.addi %add3A_1075, %add3A_1076 : i32
        %broadcast_in_dim3A_1078 = arith.constant 0 : i32
        %broadcast_in_dim3A_1079 = vector.broadcast %broadcast_in_dim3A_1078 : i32 to vector<16xi32>
        %add3A_1080 = vector.broadcast %add3A_1077 : i32 to vector<16xi32>
        %add3A_1081 = arith.addi %broadcast_in_dim3A_1079, %add3A_1080 : vector<16xi32>
        %gather3A_1082 = tpu.vector_load_idx %arg8[%add3A_1081] : memref<6144xf32, #tpu.memory_space<vmem>>[vector<16xi32>], vector<16xf32>,
        %add3A_1083 = arith.constant 5 : i32
        %add3A_1084 = vector.broadcast %add3A_1083 : i32 to vector<16xi32>
        %add3A_1085 = arith.addi %add3A_109, %add3A_1084 : vector<16xi32>
        %gather3A_1086 = tpu.vector_load_idx %arg6[%add3A_1085] : memref<49184xf32, #tpu.memory_space<vmem>>[vector<16xi32>], vector<16xf32>,
        %mul3A_1087 = arith.mulf %gather3A_1086, %gather3A_1082 : vector<16xf32>
        %add3A_1088 = arith.addf %add3A_1065, %mul3A_1087 : vector<16xf32>
        %add3A_1089 = arith.constant 5 : i32
        %add3A_1090 = vector.broadcast %add3A_1089 : i32 to vector<16xi32>
        %add3A_1091 = arith.addi %add3A_135, %add3A_1090 : vector<16xi32>
        %gather3A_1092 = tpu.vector_load_idx %arg6[%add3A_1091] : memref<49184xf32, #tpu.memory_space<vmem>>[vector<16xi32>], vector<16xf32>,
        %mul3A_1093 = arith.mulf %gather3A_1092, %gather3A_1082 : vector<16xf32>
        %add3A_1094 = arith.addf %add3A_1071, %mul3A_1093 : vector<16xf32>
        %add3A_1095 = arith.constant 12 : i32
        %add3A_1096 = arith.addi %mul3A_220, %add3A_1095 : i32
        %add3A_1097 = arith.constant 4 : i32
        %add3A_1098 = arith.addi %add3A_1096, %add3A_1097 : i32
        %add3A_1099 = arith.constant 2 : i32
        %add3A_1100 = arith.addi %add3A_1098, %add3A_1099 : i32
        %broadcast_in_dim3A_1101 = arith.constant 0 : i32
        %broadcast_in_dim3A_1102 = vector.broadcast %broadcast_in_dim3A_1101 : i32 to vector<16xi32>
        %add3A_1103 = vector.broadcast %add3A_1100 : i32 to vector<16xi32>
        %add3A_1104 = arith.addi %broadcast_in_dim3A_1102, %add3A_1103 : vector<16xi32>
        %gather3A_1105 = tpu.vector_load_idx %arg8[%add3A_1104] : memref<6144xf32, #tpu.memory_space<vmem>>[vector<16xi32>], vector<16xf32>,
        %add3A_1106 = arith.constant 6 : i32
        %add3A_1107 = vector.broadcast %add3A_1106 : i32 to vector<16xi32>
        %add3A_1108 = arith.addi %add3A_109, %add3A_1107 : vector<16xi32>
        %gather3A_1109 = tpu.vector_load_idx %arg6[%add3A_1108] : memref<49184xf32, #tpu.memory_space<vmem>>[vector<16xi32>], vector<16xf32>,
        %mul3A_1110 = arith.mulf %gather3A_1109, %gather3A_1105 : vector<16xf32>
        %add3A_1111 = arith.addf %add3A_1088, %mul3A_1110 : vector<16xf32>
        %add3A_1112 = arith.constant 6 : i32
        %add3A_1113 = vector.broadcast %add3A_1112 : i32 to vector<16xi32>
        %add3A_1114 = arith.addi %add3A_135, %add3A_1113 : vector<16xi32>
        %gather3A_1115 = tpu.vector_load_idx %arg6[%add3A_1114] : memref<49184xf32, #tpu.memory_space<vmem>>[vector<16xi32>], vector<16xf32>,
        %mul3A_1116 = arith.mulf %gather3A_1115, %gather3A_1105 : vector<16xf32>
        %add3A_1117 = arith.addf %add3A_1094, %mul3A_1116 : vector<16xf32>
        %add3A_1118 = arith.constant 12 : i32
        %add3A_1119 = arith.addi %mul3A_220, %add3A_1118 : i32
        %add3A_1120 = arith.constant 4 : i32
        %add3A_1121 = arith.addi %add3A_1119, %add3A_1120 : i32
        %add3A_1122 = arith.constant 3 : i32
        %add3A_1123 = arith.addi %add3A_1121, %add3A_1122 : i32
        %broadcast_in_dim3A_1124 = arith.constant 0 : i32
        %broadcast_in_dim3A_1125 = vector.broadcast %broadcast_in_dim3A_1124 : i32 to vector<16xi32>
        %add3A_1126 = vector.broadcast %add3A_1123 : i32 to vector<16xi32>
        %add3A_1127 = arith.addi %broadcast_in_dim3A_1125, %add3A_1126 : vector<16xi32>
        %gather3A_1128 = tpu.vector_load_idx %arg8[%add3A_1127] : memref<6144xf32, #tpu.memory_space<vmem>>[vector<16xi32>], vector<16xf32>,
        %add3A_1129 = arith.constant 7 : i32
        %add3A_1130 = vector.broadcast %add3A_1129 : i32 to vector<16xi32>
        %add3A_1131 = arith.addi %add3A_109, %add3A_1130 : vector<16xi32>
        %gather3A_1132 = tpu.vector_load_idx %arg6[%add3A_1131] : memref<49184xf32, #tpu.memory_space<vmem>>[vector<16xi32>], vector<16xf32>,
        %mul3A_1133 = arith.mulf %gather3A_1132, %gather3A_1128 : vector<16xf32>
        %add3A_1134 = arith.addf %add3A_1111, %mul3A_1133 : vector<16xf32>
        %add3A_1135 = arith.constant 7 : i32
        %add3A_1136 = vector.broadcast %add3A_1135 : i32 to vector<16xi32>
        %add3A_1137 = arith.addi %add3A_135, %add3A_1136 : vector<16xi32>
        %gather3A_1138 = tpu.vector_load_idx %arg6[%add3A_1137] : memref<49184xf32, #tpu.memory_space<vmem>>[vector<16xi32>], vector<16xf32>,
        %mul3A_1139 = arith.mulf %gather3A_1138, %gather3A_1128 : vector<16xf32>
        %add3A_1140 = arith.addf %add3A_1117, %mul3A_1139 : vector<16xf32>
        %add3A_1141 = arith.constant 24 : i32
        %add3A_1142 = arith.addi %mul3A_220, %add3A_1141 : i32
        %add3A_1143 = arith.constant 4 : i32
        %add3A_1144 = arith.addi %add3A_1142, %add3A_1143 : i32
        %add3A_1145 = arith.constant 0 : i32
        %add3A_1146 = arith.addi %add3A_1144, %add3A_1145 : i32
        %broadcast_in_dim3A_1147 = arith.constant 0 : i32
        %broadcast_in_dim3A_1148 = vector.broadcast %broadcast_in_dim3A_1147 : i32 to vector<16xi32>
        %add3A_1149 = vector.broadcast %add3A_1146 : i32 to vector<16xi32>
        %add3A_1150 = arith.addi %broadcast_in_dim3A_1148, %add3A_1149 : vector<16xi32>
        %gather3A_1151 = tpu.vector_load_idx %arg8[%add3A_1150] : memref<6144xf32, #tpu.memory_space<vmem>>[vector<16xi32>], vector<16xf32>,
        %add3A_1152 = arith.constant 8 : i32
        %add3A_1153 = vector.broadcast %add3A_1152 : i32 to vector<16xi32>
        %add3A_1154 = arith.addi %add3A_109, %add3A_1153 : vector<16xi32>
        %gather3A_1155 = tpu.vector_load_idx %arg6[%add3A_1154] : memref<49184xf32, #tpu.memory_space<vmem>>[vector<16xi32>], vector<16xf32>,
        %mul3A_1156 = arith.mulf %gather3A_1155, %gather3A_1151 : vector<16xf32>
        %add3A_1157 = arith.addf %add3A_490, %mul3A_1156 : vector<16xf32>
        %add3A_1158 = arith.constant 8 : i32
        %add3A_1159 = vector.broadcast %add3A_1158 : i32 to vector<16xi32>
        %add3A_1160 = arith.addi %add3A_135, %add3A_1159 : vector<16xi32>
        %gather3A_1161 = tpu.vector_load_idx %arg6[%add3A_1160] : memref<49184xf32, #tpu.memory_space<vmem>>[vector<16xi32>], vector<16xf32>,
        %mul3A_1162 = arith.mulf %gather3A_1161, %gather3A_1151 : vector<16xf32>
        %add3A_1163 = arith.addf %add3A_496, %mul3A_1162 : vector<16xf32>
        %add3A_1164 = arith.constant 24 : i32
        %add3A_1165 = arith.addi %mul3A_220, %add3A_1164 : i32
        %add3A_1166 = arith.constant 4 : i32
        %add3A_1167 = arith.addi %add3A_1165, %add3A_1166 : i32
        %add3A_1168 = arith.constant 1 : i32
        %add3A_1169 = arith.addi %add3A_1167, %add3A_1168 : i32
        %broadcast_in_dim3A_1170 = arith.constant 0 : i32
        %broadcast_in_dim3A_1171 = vector.broadcast %broadcast_in_dim3A_1170 : i32 to vector<16xi32>
        %add3A_1172 = vector.broadcast %add3A_1169 : i32 to vector<16xi32>
        %add3A_1173 = arith.addi %broadcast_in_dim3A_1171, %add3A_1172 : vector<16xi32>
        %gather3A_1174 = tpu.vector_load_idx %arg8[%add3A_1173] : memref<6144xf32, #tpu.memory_space<vmem>>[vector<16xi32>], vector<16xf32>,
        %add3A_1175 = arith.constant 9 : i32
        %add3A_1176 = vector.broadcast %add3A_1175 : i32 to vector<16xi32>
        %add3A_1177 = arith.addi %add3A_109, %add3A_1176 : vector<16xi32>
        %gather3A_1178 = tpu.vector_load_idx %arg6[%add3A_1177] : memref<49184xf32, #tpu.memory_space<vmem>>[vector<16xi32>], vector<16xf32>,
        %mul3A_1179 = arith.mulf %gather3A_1178, %gather3A_1174 : vector<16xf32>
        %add3A_1180 = arith.addf %add3A_1157, %mul3A_1179 : vector<16xf32>
        %add3A_1181 = arith.constant 9 : i32
        %add3A_1182 = vector.broadcast %add3A_1181 : i32 to vector<16xi32>
        %add3A_1183 = arith.addi %add3A_135, %add3A_1182 : vector<16xi32>
        %gather3A_1184 = tpu.vector_load_idx %arg6[%add3A_1183] : memref<49184xf32, #tpu.memory_space<vmem>>[vector<16xi32>], vector<16xf32>,
        %mul3A_1185 = arith.mulf %gather3A_1184, %gather3A_1174 : vector<16xf32>
        %add3A_1186 = arith.addf %add3A_1163, %mul3A_1185 : vector<16xf32>
        %add3A_1187 = arith.constant 24 : i32
        %add3A_1188 = arith.addi %mul3A_220, %add3A_1187 : i32
        %add3A_1189 = arith.constant 4 : i32
        %add3A_1190 = arith.addi %add3A_1188, %add3A_1189 : i32
        %add3A_1191 = arith.constant 2 : i32
        %add3A_1192 = arith.addi %add3A_1190, %add3A_1191 : i32
        %broadcast_in_dim3A_1193 = arith.constant 0 : i32
        %broadcast_in_dim3A_1194 = vector.broadcast %broadcast_in_dim3A_1193 : i32 to vector<16xi32>
        %add3A_1195 = vector.broadcast %add3A_1192 : i32 to vector<16xi32>
        %add3A_1196 = arith.addi %broadcast_in_dim3A_1194, %add3A_1195 : vector<16xi32>
        %gather3A_1197 = tpu.vector_load_idx %arg8[%add3A_1196] : memref<6144xf32, #tpu.memory_space<vmem>>[vector<16xi32>], vector<16xf32>,
        %add3A_1198 = arith.constant 10 : i32
        %add3A_1199 = vector.broadcast %add3A_1198 : i32 to vector<16xi32>
        %add3A_1200 = arith.addi %add3A_109, %add3A_1199 : vector<16xi32>
        %gather3A_1201 = tpu.vector_load_idx %arg6[%add3A_1200] : memref<49184xf32, #tpu.memory_space<vmem>>[vector<16xi32>], vector<16xf32>,
        %mul3A_1202 = arith.mulf %gather3A_1201, %gather3A_1197 : vector<16xf32>
        %add3A_1203 = arith.addf %add3A_1180, %mul3A_1202 : vector<16xf32>
        %add3A_1204 = arith.constant 10 : i32
        %add3A_1205 = vector.broadcast %add3A_1204 : i32 to vector<16xi32>
        %add3A_1206 = arith.addi %add3A_135, %add3A_1205 : vector<16xi32>
        %gather3A_1207 = tpu.vector_load_idx %arg6[%add3A_1206] : memref<49184xf32, #tpu.memory_space<vmem>>[vector<16xi32>], vector<16xf32>,
        %mul3A_1208 = arith.mulf %gather3A_1207, %gather3A_1197 : vector<16xf32>
        %add3A_1209 = arith.addf %add3A_1186, %mul3A_1208 : vector<16xf32>
        %add3A_1210 = arith.constant 24 : i32
        %add3A_1211 = arith.addi %mul3A_220, %add3A_1210 : i32
        %add3A_1212 = arith.constant 4 : i32
        %add3A_1213 = arith.addi %add3A_1211, %add3A_1212 : i32
        %add3A_1214 = arith.constant 3 : i32
        %add3A_1215 = arith.addi %add3A_1213, %add3A_1214 : i32
        %broadcast_in_dim3A_1216 = arith.constant 0 : i32
        %broadcast_in_dim3A_1217 = vector.broadcast %broadcast_in_dim3A_1216 : i32 to vector<16xi32>
        %add3A_1218 = vector.broadcast %add3A_1215 : i32 to vector<16xi32>
        %add3A_1219 = arith.addi %broadcast_in_dim3A_1217, %add3A_1218 : vector<16xi32>
        %gather3A_1220 = tpu.vector_load_idx %arg8[%add3A_1219] : memref<6144xf32, #tpu.memory_space<vmem>>[vector<16xi32>], vector<16xf32>,
        %add3A_1221 = arith.constant 11 : i32
        %add3A_1222 = vector.broadcast %add3A_1221 : i32 to vector<16xi32>
        %add3A_1223 = arith.addi %add3A_109, %add3A_1222 : vector<16xi32>
        %gather3A_1224 = tpu.vector_load_idx %arg6[%add3A_1223] : memref<49184xf32, #tpu.memory_space<vmem>>[vector<16xi32>], vector<16xf32>,
        %mul3A_1225 = arith.mulf %gather3A_1224, %gather3A_1220 : vector<16xf32>
        %add3A_1226 = arith.addf %add3A_1203, %mul3A_1225 : vector<16xf32>
        %add3A_1227 = arith.constant 11 : i32
        %add3A_1228 = vector.broadcast %add3A_1227 : i32 to vector<16xi32>
        %add3A_1229 = arith.addi %add3A_135, %add3A_1228 : vector<16xi32>
        %gather3A_1230 = tpu.vector_load_idx %arg6[%add3A_1229] : memref<49184xf32, #tpu.memory_space<vmem>>[vector<16xi32>], vector<16xf32>,
        %mul3A_1231 = arith.mulf %gather3A_1230, %gather3A_1220 : vector<16xf32>
        %add3A_1232 = arith.addf %add3A_1209, %mul3A_1231 : vector<16xf32>
        %add3A_1233 = arith.constant 36 : i32
        %add3A_1234 = arith.addi %mul3A_220, %add3A_1233 : i32
        %add3A_1235 = arith.constant 4 : i32
        %add3A_1236 = arith.addi %add3A_1234, %add3A_1235 : i32
        %add3A_1237 = arith.constant 0 : i32
        %add3A_1238 = arith.addi %add3A_1236, %add3A_1237 : i32
        %broadcast_in_dim3A_1239 = arith.constant 0 : i32
        %broadcast_in_dim3A_1240 = vector.broadcast %broadcast_in_dim3A_1239 : i32 to vector<16xi32>
        %add3A_1241 = vector.broadcast %add3A_1238 : i32 to vector<16xi32>
        %add3A_1242 = arith.addi %broadcast_in_dim3A_1240, %add3A_1241 : vector<16xi32>
        %gather3A_1243 = tpu.vector_load_idx %arg8[%add3A_1242] : memref<6144xf32, #tpu.memory_space<vmem>>[vector<16xi32>], vector<16xf32>,
        %add3A_1244 = arith.constant 12 : i32
        %add3A_1245 = vector.broadcast %add3A_1244 : i32 to vector<16xi32>
        %add3A_1246 = arith.addi %add3A_109, %add3A_1245 : vector<16xi32>
        %gather3A_1247 = tpu.vector_load_idx %arg6[%add3A_1246] : memref<49184xf32, #tpu.memory_space<vmem>>[vector<16xi32>], vector<16xf32>,
        %mul3A_1248 = arith.mulf %gather3A_1247, %gather3A_1243 : vector<16xf32>
        %add3A_1249 = arith.addf %add3A_582, %mul3A_1248 : vector<16xf32>
        %add3A_1250 = arith.constant 12 : i32
        %add3A_1251 = vector.broadcast %add3A_1250 : i32 to vector<16xi32>
        %add3A_1252 = arith.addi %add3A_135, %add3A_1251 : vector<16xi32>
        %gather3A_1253 = tpu.vector_load_idx %arg6[%add3A_1252] : memref<49184xf32, #tpu.memory_space<vmem>>[vector<16xi32>], vector<16xf32>,
        %mul3A_1254 = arith.mulf %gather3A_1253, %gather3A_1243 : vector<16xf32>
        %add3A_1255 = arith.addf %add3A_588, %mul3A_1254 : vector<16xf32>
        %add3A_1256 = arith.constant 36 : i32
        %add3A_1257 = arith.addi %mul3A_220, %add3A_1256 : i32
        %add3A_1258 = arith.constant 4 : i32
        %add3A_1259 = arith.addi %add3A_1257, %add3A_1258 : i32
        %add3A_1260 = arith.constant 1 : i32
        %add3A_1261 = arith.addi %add3A_1259, %add3A_1260 : i32
        %broadcast_in_dim3A_1262 = arith.constant 0 : i32
        %broadcast_in_dim3A_1263 = vector.broadcast %broadcast_in_dim3A_1262 : i32 to vector<16xi32>
        %add3A_1264 = vector.broadcast %add3A_1261 : i32 to vector<16xi32>
        %add3A_1265 = arith.addi %broadcast_in_dim3A_1263, %add3A_1264 : vector<16xi32>
        %gather3A_1266 = tpu.vector_load_idx %arg8[%add3A_1265] : memref<6144xf32, #tpu.memory_space<vmem>>[vector<16xi32>], vector<16xf32>,
        %add3A_1267 = arith.constant 13 : i32
        %add3A_1268 = vector.broadcast %add3A_1267 : i32 to vector<16xi32>
        %add3A_1269 = arith.addi %add3A_109, %add3A_1268 : vector<16xi32>
        %gather3A_1270 = tpu.vector_load_idx %arg6[%add3A_1269] : memref<49184xf32, #tpu.memory_space<vmem>>[vector<16xi32>], vector<16xf32>,
        %mul3A_1271 = arith.mulf %gather3A_1270, %gather3A_1266 : vector<16xf32>
        %add3A_1272 = arith.addf %add3A_1249, %mul3A_1271 : vector<16xf32>
        %add3A_1273 = arith.constant 13 : i32
        %add3A_1274 = vector.broadcast %add3A_1273 : i32 to vector<16xi32>
        %add3A_1275 = arith.addi %add3A_135, %add3A_1274 : vector<16xi32>
        %gather3A_1276 = tpu.vector_load_idx %arg6[%add3A_1275] : memref<49184xf32, #tpu.memory_space<vmem>>[vector<16xi32>], vector<16xf32>,
        %mul3A_1277 = arith.mulf %gather3A_1276, %gather3A_1266 : vector<16xf32>
        %add3A_1278 = arith.addf %add3A_1255, %mul3A_1277 : vector<16xf32>
        %add3A_1279 = arith.constant 36 : i32
        %add3A_1280 = arith.addi %mul3A_220, %add3A_1279 : i32
        %add3A_1281 = arith.constant 4 : i32
        %add3A_1282 = arith.addi %add3A_1280, %add3A_1281 : i32
        %add3A_1283 = arith.constant 2 : i32
        %add3A_1284 = arith.addi %add3A_1282, %add3A_1283 : i32
        %broadcast_in_dim3A_1285 = arith.constant 0 : i32
        %broadcast_in_dim3A_1286 = vector.broadcast %broadcast_in_dim3A_1285 : i32 to vector<16xi32>
        %add3A_1287 = vector.broadcast %add3A_1284 : i32 to vector<16xi32>
        %add3A_1288 = arith.addi %broadcast_in_dim3A_1286, %add3A_1287 : vector<16xi32>
        %gather3A_1289 = tpu.vector_load_idx %arg8[%add3A_1288] : memref<6144xf32, #tpu.memory_space<vmem>>[vector<16xi32>], vector<16xf32>,
        %add3A_1290 = arith.constant 14 : i32
        %add3A_1291 = vector.broadcast %add3A_1290 : i32 to vector<16xi32>
        %add3A_1292 = arith.addi %add3A_109, %add3A_1291 : vector<16xi32>
        %gather3A_1293 = tpu.vector_load_idx %arg6[%add3A_1292] : memref<49184xf32, #tpu.memory_space<vmem>>[vector<16xi32>], vector<16xf32>,
        %mul3A_1294 = arith.mulf %gather3A_1293, %gather3A_1289 : vector<16xf32>
        %add3A_1295 = arith.addf %add3A_1272, %mul3A_1294 : vector<16xf32>
        %add3A_1296 = arith.constant 14 : i32
        %add3A_1297 = vector.broadcast %add3A_1296 : i32 to vector<16xi32>
        %add3A_1298 = arith.addi %add3A_135, %add3A_1297 : vector<16xi32>
        %gather3A_1299 = tpu.vector_load_idx %arg6[%add3A_1298] : memref<49184xf32, #tpu.memory_space<vmem>>[vector<16xi32>], vector<16xf32>,
        %mul3A_1300 = arith.mulf %gather3A_1299, %gather3A_1289 : vector<16xf32>
        %add3A_1301 = arith.addf %add3A_1278, %mul3A_1300 : vector<16xf32>
        %add3A_1302 = arith.constant 36 : i32
        %add3A_1303 = arith.addi %mul3A_220, %add3A_1302 : i32
        %add3A_1304 = arith.constant 4 : i32
        %add3A_1305 = arith.addi %add3A_1303, %add3A_1304 : i32
        %add3A_1306 = arith.constant 3 : i32
        %add3A_1307 = arith.addi %add3A_1305, %add3A_1306 : i32
        %broadcast_in_dim3A_1308 = arith.constant 0 : i32
        %broadcast_in_dim3A_1309 = vector.broadcast %broadcast_in_dim3A_1308 : i32 to vector<16xi32>
        %add3A_1310 = vector.broadcast %add3A_1307 : i32 to vector<16xi32>
        %add3A_1311 = arith.addi %broadcast_in_dim3A_1309, %add3A_1310 : vector<16xi32>
        %gather3A_1312 = tpu.vector_load_idx %arg8[%add3A_1311] : memref<6144xf32, #tpu.memory_space<vmem>>[vector<16xi32>], vector<16xf32>,
        %add3A_1313 = arith.constant 15 : i32
        %add3A_1314 = vector.broadcast %add3A_1313 : i32 to vector<16xi32>
        %add3A_1315 = arith.addi %add3A_109, %add3A_1314 : vector<16xi32>
        %gather3A_1316 = tpu.vector_load_idx %arg6[%add3A_1315] : memref<49184xf32, #tpu.memory_space<vmem>>[vector<16xi32>], vector<16xf32>,
        %mul3A_1317 = arith.mulf %gather3A_1316, %gather3A_1312 : vector<16xf32>
        %add3A_1318 = arith.addf %add3A_1295, %mul3A_1317 : vector<16xf32>
        %add3A_1319 = arith.constant 15 : i32
        %add3A_1320 = vector.broadcast %add3A_1319 : i32 to vector<16xi32>
        %add3A_1321 = arith.addi %add3A_135, %add3A_1320 : vector<16xi32>
        %gather3A_1322 = tpu.vector_load_idx %arg6[%add3A_1321] : memref<49184xf32, #tpu.memory_space<vmem>>[vector<16xi32>], vector<16xf32>,
        %mul3A_1323 = arith.mulf %gather3A_1322, %gather3A_1312 : vector<16xf32>
        %add3A_1324 = arith.addf %add3A_1301, %mul3A_1323 : vector<16xf32>
        %add3A_1325 = arith.constant 48 : i32
        %add3A_1326 = arith.addi %mul3A_220, %add3A_1325 : i32
        %add3A_1327 = arith.constant 4 : i32
        %add3A_1328 = arith.addi %add3A_1326, %add3A_1327 : i32
        %add3A_1329 = arith.constant 0 : i32
        %add3A_1330 = arith.addi %add3A_1328, %add3A_1329 : i32
        %broadcast_in_dim3A_1331 = arith.constant 0 : i32
        %broadcast_in_dim3A_1332 = vector.broadcast %broadcast_in_dim3A_1331 : i32 to vector<16xi32>
        %add3A_1333 = vector.broadcast %add3A_1330 : i32 to vector<16xi32>
        %add3A_1334 = arith.addi %broadcast_in_dim3A_1332, %add3A_1333 : vector<16xi32>
        %gather3A_1335 = tpu.vector_load_idx %arg8[%add3A_1334] : memref<6144xf32, #tpu.memory_space<vmem>>[vector<16xi32>], vector<16xf32>,
        %add3A_1336 = arith.constant 16 : i32
        %add3A_1337 = vector.broadcast %add3A_1336 : i32 to vector<16xi32>
        %add3A_1338 = arith.addi %add3A_109, %add3A_1337 : vector<16xi32>
        %gather3A_1339 = tpu.vector_load_idx %arg6[%add3A_1338] : memref<49184xf32, #tpu.memory_space<vmem>>[vector<16xi32>], vector<16xf32>,
        %mul3A_1340 = arith.mulf %gather3A_1339, %gather3A_1335 : vector<16xf32>
        %add3A_1341 = arith.addf %add3A_674, %mul3A_1340 : vector<16xf32>
        %add3A_1342 = arith.constant 16 : i32
        %add3A_1343 = vector.broadcast %add3A_1342 : i32 to vector<16xi32>
        %add3A_1344 = arith.addi %add3A_135, %add3A_1343 : vector<16xi32>
        %gather3A_1345 = tpu.vector_load_idx %arg6[%add3A_1344] : memref<49184xf32, #tpu.memory_space<vmem>>[vector<16xi32>], vector<16xf32>,
        %mul3A_1346 = arith.mulf %gather3A_1345, %gather3A_1335 : vector<16xf32>
        %add3A_1347 = arith.addf %add3A_680, %mul3A_1346 : vector<16xf32>
        %add3A_1348 = arith.constant 48 : i32
        %add3A_1349 = arith.addi %mul3A_220, %add3A_1348 : i32
        %add3A_1350 = arith.constant 4 : i32
        %add3A_1351 = arith.addi %add3A_1349, %add3A_1350 : i32
        %add3A_1352 = arith.constant 1 : i32
        %add3A_1353 = arith.addi %add3A_1351, %add3A_1352 : i32
        %broadcast_in_dim3A_1354 = arith.constant 0 : i32
        %broadcast_in_dim3A_1355 = vector.broadcast %broadcast_in_dim3A_1354 : i32 to vector<16xi32>
        %add3A_1356 = vector.broadcast %add3A_1353 : i32 to vector<16xi32>
        %add3A_1357 = arith.addi %broadcast_in_dim3A_1355, %add3A_1356 : vector<16xi32>
        %gather3A_1358 = tpu.vector_load_idx %arg8[%add3A_1357] : memref<6144xf32, #tpu.memory_space<vmem>>[vector<16xi32>], vector<16xf32>,
        %add3A_1359 = arith.constant 17 : i32
        %add3A_1360 = vector.broadcast %add3A_1359 : i32 to vector<16xi32>
        %add3A_1361 = arith.addi %add3A_109, %add3A_1360 : vector<16xi32>
        %gather3A_1362 = tpu.vector_load_idx %arg6[%add3A_1361] : memref<49184xf32, #tpu.memory_space<vmem>>[vector<16xi32>], vector<16xf32>,
        %mul3A_1363 = arith.mulf %gather3A_1362, %gather3A_1358 : vector<16xf32>
        %add3A_1364 = arith.addf %add3A_1341, %mul3A_1363 : vector<16xf32>
        %add3A_1365 = arith.constant 17 : i32
        %add3A_1366 = vector.broadcast %add3A_1365 : i32 to vector<16xi32>
        %add3A_1367 = arith.addi %add3A_135, %add3A_1366 : vector<16xi32>
        %gather3A_1368 = tpu.vector_load_idx %arg6[%add3A_1367] : memref<49184xf32, #tpu.memory_space<vmem>>[vector<16xi32>], vector<16xf32>,
        %mul3A_1369 = arith.mulf %gather3A_1368, %gather3A_1358 : vector<16xf32>
        %add3A_1370 = arith.addf %add3A_1347, %mul3A_1369 : vector<16xf32>
        %add3A_1371 = arith.constant 48 : i32
        %add3A_1372 = arith.addi %mul3A_220, %add3A_1371 : i32
        %add3A_1373 = arith.constant 4 : i32
        %add3A_1374 = arith.addi %add3A_1372, %add3A_1373 : i32
        %add3A_1375 = arith.constant 2 : i32
        %add3A_1376 = arith.addi %add3A_1374, %add3A_1375 : i32
        %broadcast_in_dim3A_1377 = arith.constant 0 : i32
        %broadcast_in_dim3A_1378 = vector.broadcast %broadcast_in_dim3A_1377 : i32 to vector<16xi32>
        %add3A_1379 = vector.broadcast %add3A_1376 : i32 to vector<16xi32>
        %add3A_1380 = arith.addi %broadcast_in_dim3A_1378, %add3A_1379 : vector<16xi32>
        %gather3A_1381 = tpu.vector_load_idx %arg8[%add3A_1380] : memref<6144xf32, #tpu.memory_space<vmem>>[vector<16xi32>], vector<16xf32>,
        %add3A_1382 = arith.constant 18 : i32
        %add3A_1383 = vector.broadcast %add3A_1382 : i32 to vector<16xi32>
        %add3A_1384 = arith.addi %add3A_109, %add3A_1383 : vector<16xi32>
        %gather3A_1385 = tpu.vector_load_idx %arg6[%add3A_1384] : memref<49184xf32, #tpu.memory_space<vmem>>[vector<16xi32>], vector<16xf32>,
        %mul3A_1386 = arith.mulf %gather3A_1385, %gather3A_1381 : vector<16xf32>
        %add3A_1387 = arith.addf %add3A_1364, %mul3A_1386 : vector<16xf32>
        %add3A_1388 = arith.constant 18 : i32
        %add3A_1389 = vector.broadcast %add3A_1388 : i32 to vector<16xi32>
        %add3A_1390 = arith.addi %add3A_135, %add3A_1389 : vector<16xi32>
        %gather3A_1391 = tpu.vector_load_idx %arg6[%add3A_1390] : memref<49184xf32, #tpu.memory_space<vmem>>[vector<16xi32>], vector<16xf32>,
        %mul3A_1392 = arith.mulf %gather3A_1391, %gather3A_1381 : vector<16xf32>
        %add3A_1393 = arith.addf %add3A_1370, %mul3A_1392 : vector<16xf32>
        %add3A_1394 = arith.constant 48 : i32
        %add3A_1395 = arith.addi %mul3A_220, %add3A_1394 : i32
        %add3A_1396 = arith.constant 4 : i32
        %add3A_1397 = arith.addi %add3A_1395, %add3A_1396 : i32
        %add3A_1398 = arith.constant 3 : i32
        %add3A_1399 = arith.addi %add3A_1397, %add3A_1398 : i32
        %broadcast_in_dim3A_1400 = arith.constant 0 : i32
        %broadcast_in_dim3A_1401 = vector.broadcast %broadcast_in_dim3A_1400 : i32 to vector<16xi32>
        %add3A_1402 = vector.broadcast %add3A_1399 : i32 to vector<16xi32>
        %add3A_1403 = arith.addi %broadcast_in_dim3A_1401, %add3A_1402 : vector<16xi32>
        %gather3A_1404 = tpu.vector_load_idx %arg8[%add3A_1403] : memref<6144xf32, #tpu.memory_space<vmem>>[vector<16xi32>], vector<16xf32>,
        %add3A_1405 = arith.constant 19 : i32
        %add3A_1406 = vector.broadcast %add3A_1405 : i32 to vector<16xi32>
        %add3A_1407 = arith.addi %add3A_109, %add3A_1406 : vector<16xi32>
        %gather3A_1408 = tpu.vector_load_idx %arg6[%add3A_1407] : memref<49184xf32, #tpu.memory_space<vmem>>[vector<16xi32>], vector<16xf32>,
        %mul3A_1409 = arith.mulf %gather3A_1408, %gather3A_1404 : vector<16xf32>
        %add3A_1410 = arith.addf %add3A_1387, %mul3A_1409 : vector<16xf32>
        %add3A_1411 = arith.constant 19 : i32
        %add3A_1412 = vector.broadcast %add3A_1411 : i32 to vector<16xi32>
        %add3A_1413 = arith.addi %add3A_135, %add3A_1412 : vector<16xi32>
        %gather3A_1414 = tpu.vector_load_idx %arg6[%add3A_1413] : memref<49184xf32, #tpu.memory_space<vmem>>[vector<16xi32>], vector<16xf32>,
        %mul3A_1415 = arith.mulf %gather3A_1414, %gather3A_1404 : vector<16xf32>
        %add3A_1416 = arith.addf %add3A_1393, %mul3A_1415 : vector<16xf32>
        %add3A_1417 = arith.constant 60 : i32
        %add3A_1418 = arith.addi %mul3A_220, %add3A_1417 : i32
        %add3A_1419 = arith.constant 4 : i32
        %add3A_1420 = arith.addi %add3A_1418, %add3A_1419 : i32
        %add3A_1421 = arith.constant 0 : i32
        %add3A_1422 = arith.addi %add3A_1420, %add3A_1421 : i32
        %broadcast_in_dim3A_1423 = arith.constant 0 : i32
        %broadcast_in_dim3A_1424 = vector.broadcast %broadcast_in_dim3A_1423 : i32 to vector<16xi32>
        %add3A_1425 = vector.broadcast %add3A_1422 : i32 to vector<16xi32>
        %add3A_1426 = arith.addi %broadcast_in_dim3A_1424, %add3A_1425 : vector<16xi32>
        %gather3A_1427 = tpu.vector_load_idx %arg8[%add3A_1426] : memref<6144xf32, #tpu.memory_space<vmem>>[vector<16xi32>], vector<16xf32>,
        %add3A_1428 = arith.constant 20 : i32
        %add3A_1429 = vector.broadcast %add3A_1428 : i32 to vector<16xi32>
        %add3A_1430 = arith.addi %add3A_109, %add3A_1429 : vector<16xi32>
        %gather3A_1431 = tpu.vector_load_idx %arg6[%add3A_1430] : memref<49184xf32, #tpu.memory_space<vmem>>[vector<16xi32>], vector<16xf32>,
        %mul3A_1432 = arith.mulf %gather3A_1431, %gather3A_1427 : vector<16xf32>
        %add3A_1433 = arith.addf %add3A_766, %mul3A_1432 : vector<16xf32>
        %add3A_1434 = arith.constant 20 : i32
        %add3A_1435 = vector.broadcast %add3A_1434 : i32 to vector<16xi32>
        %add3A_1436 = arith.addi %add3A_135, %add3A_1435 : vector<16xi32>
        %gather3A_1437 = tpu.vector_load_idx %arg6[%add3A_1436] : memref<49184xf32, #tpu.memory_space<vmem>>[vector<16xi32>], vector<16xf32>,
        %mul3A_1438 = arith.mulf %gather3A_1437, %gather3A_1427 : vector<16xf32>
        %add3A_1439 = arith.addf %add3A_772, %mul3A_1438 : vector<16xf32>
        %add3A_1440 = arith.constant 60 : i32
        %add3A_1441 = arith.addi %mul3A_220, %add3A_1440 : i32
        %add3A_1442 = arith.constant 4 : i32
        %add3A_1443 = arith.addi %add3A_1441, %add3A_1442 : i32
        %add3A_1444 = arith.constant 1 : i32
        %add3A_1445 = arith.addi %add3A_1443, %add3A_1444 : i32
        %broadcast_in_dim3A_1446 = arith.constant 0 : i32
        %broadcast_in_dim3A_1447 = vector.broadcast %broadcast_in_dim3A_1446 : i32 to vector<16xi32>
        %add3A_1448 = vector.broadcast %add3A_1445 : i32 to vector<16xi32>
        %add3A_1449 = arith.addi %broadcast_in_dim3A_1447, %add3A_1448 : vector<16xi32>
        %gather3A_1450 = tpu.vector_load_idx %arg8[%add3A_1449] : memref<6144xf32, #tpu.memory_space<vmem>>[vector<16xi32>], vector<16xf32>,
        %add3A_1451 = arith.constant 21 : i32
        %add3A_1452 = vector.broadcast %add3A_1451 : i32 to vector<16xi32>
        %add3A_1453 = arith.addi %add3A_109, %add3A_1452 : vector<16xi32>
        %gather3A_1454 = tpu.vector_load_idx %arg6[%add3A_1453] : memref<49184xf32, #tpu.memory_space<vmem>>[vector<16xi32>], vector<16xf32>,
        %mul3A_1455 = arith.mulf %gather3A_1454, %gather3A_1450 : vector<16xf32>
        %add3A_1456 = arith.addf %add3A_1433, %mul3A_1455 : vector<16xf32>
        %add3A_1457 = arith.constant 21 : i32
        %add3A_1458 = vector.broadcast %add3A_1457 : i32 to vector<16xi32>
        %add3A_1459 = arith.addi %add3A_135, %add3A_1458 : vector<16xi32>
        %gather3A_1460 = tpu.vector_load_idx %arg6[%add3A_1459] : memref<49184xf32, #tpu.memory_space<vmem>>[vector<16xi32>], vector<16xf32>,
        %mul3A_1461 = arith.mulf %gather3A_1460, %gather3A_1450 : vector<16xf32>
        %add3A_1462 = arith.addf %add3A_1439, %mul3A_1461 : vector<16xf32>
        %add3A_1463 = arith.constant 60 : i32
        %add3A_1464 = arith.addi %mul3A_220, %add3A_1463 : i32
        %add3A_1465 = arith.constant 4 : i32
        %add3A_1466 = arith.addi %add3A_1464, %add3A_1465 : i32
        %add3A_1467 = arith.constant 2 : i32
        %add3A_1468 = arith.addi %add3A_1466, %add3A_1467 : i32
        %broadcast_in_dim3A_1469 = arith.constant 0 : i32
        %broadcast_in_dim3A_1470 = vector.broadcast %broadcast_in_dim3A_1469 : i32 to vector<16xi32>
        %add3A_1471 = vector.broadcast %add3A_1468 : i32 to vector<16xi32>
        %add3A_1472 = arith.addi %broadcast_in_dim3A_1470, %add3A_1471 : vector<16xi32>
        %gather3A_1473 = tpu.vector_load_idx %arg8[%add3A_1472] : memref<6144xf32, #tpu.memory_space<vmem>>[vector<16xi32>], vector<16xf32>,
        %add3A_1474 = arith.constant 22 : i32
        %add3A_1475 = vector.broadcast %add3A_1474 : i32 to vector<16xi32>
        %add3A_1476 = arith.addi %add3A_109, %add3A_1475 : vector<16xi32>
        %gather3A_1477 = tpu.vector_load_idx %arg6[%add3A_1476] : memref<49184xf32, #tpu.memory_space<vmem>>[vector<16xi32>], vector<16xf32>,
        %mul3A_1478 = arith.mulf %gather3A_1477, %gather3A_1473 : vector<16xf32>
        %add3A_1479 = arith.addf %add3A_1456, %mul3A_1478 : vector<16xf32>
        %add3A_1480 = arith.constant 22 : i32
        %add3A_1481 = vector.broadcast %add3A_1480 : i32 to vector<16xi32>
        %add3A_1482 = arith.addi %add3A_135, %add3A_1481 : vector<16xi32>
        %gather3A_1483 = tpu.vector_load_idx %arg6[%add3A_1482] : memref<49184xf32, #tpu.memory_space<vmem>>[vector<16xi32>], vector<16xf32>,
        %mul3A_1484 = arith.mulf %gather3A_1483, %gather3A_1473 : vector<16xf32>
        %add3A_1485 = arith.addf %add3A_1462, %mul3A_1484 : vector<16xf32>
        %add3A_1486 = arith.constant 60 : i32
        %add3A_1487 = arith.addi %mul3A_220, %add3A_1486 : i32
        %add3A_1488 = arith.constant 4 : i32
        %add3A_1489 = arith.addi %add3A_1487, %add3A_1488 : i32
        %add3A_1490 = arith.constant 3 : i32
        %add3A_1491 = arith.addi %add3A_1489, %add3A_1490 : i32
        %broadcast_in_dim3A_1492 = arith.constant 0 : i32
        %broadcast_in_dim3A_1493 = vector.broadcast %broadcast_in_dim3A_1492 : i32 to vector<16xi32>
        %add3A_1494 = vector.broadcast %add3A_1491 : i32 to vector<16xi32>
        %add3A_1495 = arith.addi %broadcast_in_dim3A_1493, %add3A_1494 : vector<16xi32>
        %gather3A_1496 = tpu.vector_load_idx %arg8[%add3A_1495] : memref<6144xf32, #tpu.memory_space<vmem>>[vector<16xi32>], vector<16xf32>,
        %add3A_1497 = arith.constant 23 : i32
        %add3A_1498 = vector.broadcast %add3A_1497 : i32 to vector<16xi32>
        %add3A_1499 = arith.addi %add3A_109, %add3A_1498 : vector<16xi32>
        %gather3A_1500 = tpu.vector_load_idx %arg6[%add3A_1499] : memref<49184xf32, #tpu.memory_space<vmem>>[vector<16xi32>], vector<16xf32>,
        %mul3A_1501 = arith.mulf %gather3A_1500, %gather3A_1496 : vector<16xf32>
        %add3A_1502 = arith.addf %add3A_1479, %mul3A_1501 : vector<16xf32>
        %add3A_1503 = arith.constant 23 : i32
        %add3A_1504 = vector.broadcast %add3A_1503 : i32 to vector<16xi32>
        %add3A_1505 = arith.addi %add3A_135, %add3A_1504 : vector<16xi32>
        %gather3A_1506 = tpu.vector_load_idx %arg6[%add3A_1505] : memref<49184xf32, #tpu.memory_space<vmem>>[vector<16xi32>], vector<16xf32>,
        %mul3A_1507 = arith.mulf %gather3A_1506, %gather3A_1496 : vector<16xf32>
        %add3A_1508 = arith.addf %add3A_1485, %mul3A_1507 : vector<16xf32>
        %add3A_1509 = arith.constant 72 : i32
        %add3A_1510 = arith.addi %mul3A_220, %add3A_1509 : i32
        %add3A_1511 = arith.constant 4 : i32
        %add3A_1512 = arith.addi %add3A_1510, %add3A_1511 : i32
        %add3A_1513 = arith.constant 0 : i32
        %add3A_1514 = arith.addi %add3A_1512, %add3A_1513 : i32
        %broadcast_in_dim3A_1515 = arith.constant 0 : i32
        %broadcast_in_dim3A_1516 = vector.broadcast %broadcast_in_dim3A_1515 : i32 to vector<16xi32>
        %add3A_1517 = vector.broadcast %add3A_1514 : i32 to vector<16xi32>
        %add3A_1518 = arith.addi %broadcast_in_dim3A_1516, %add3A_1517 : vector<16xi32>
        %gather3A_1519 = tpu.vector_load_idx %arg8[%add3A_1518] : memref<6144xf32, #tpu.memory_space<vmem>>[vector<16xi32>], vector<16xf32>,
        %add3A_1520 = arith.constant 24 : i32
        %add3A_1521 = vector.broadcast %add3A_1520 : i32 to vector<16xi32>
        %add3A_1522 = arith.addi %add3A_109, %add3A_1521 : vector<16xi32>
        %gather3A_1523 = tpu.vector_load_idx %arg6[%add3A_1522] : memref<49184xf32, #tpu.memory_space<vmem>>[vector<16xi32>], vector<16xf32>,
        %mul3A_1524 = arith.mulf %gather3A_1523, %gather3A_1519 : vector<16xf32>
        %add3A_1525 = arith.addf %add3A_858, %mul3A_1524 : vector<16xf32>
        %add3A_1526 = arith.constant 24 : i32
        %add3A_1527 = vector.broadcast %add3A_1526 : i32 to vector<16xi32>
        %add3A_1528 = arith.addi %add3A_135, %add3A_1527 : vector<16xi32>
        %gather3A_1529 = tpu.vector_load_idx %arg6[%add3A_1528] : memref<49184xf32, #tpu.memory_space<vmem>>[vector<16xi32>], vector<16xf32>,
        %mul3A_1530 = arith.mulf %gather3A_1529, %gather3A_1519 : vector<16xf32>
        %add3A_1531 = arith.addf %add3A_864, %mul3A_1530 : vector<16xf32>
        %add3A_1532 = arith.constant 72 : i32
        %add3A_1533 = arith.addi %mul3A_220, %add3A_1532 : i32
        %add3A_1534 = arith.constant 4 : i32
        %add3A_1535 = arith.addi %add3A_1533, %add3A_1534 : i32
        %add3A_1536 = arith.constant 1 : i32
        %add3A_1537 = arith.addi %add3A_1535, %add3A_1536 : i32
        %broadcast_in_dim3A_1538 = arith.constant 0 : i32
        %broadcast_in_dim3A_1539 = vector.broadcast %broadcast_in_dim3A_1538 : i32 to vector<16xi32>
        %add3A_1540 = vector.broadcast %add3A_1537 : i32 to vector<16xi32>
        %add3A_1541 = arith.addi %broadcast_in_dim3A_1539, %add3A_1540 : vector<16xi32>
        %gather3A_1542 = tpu.vector_load_idx %arg8[%add3A_1541] : memref<6144xf32, #tpu.memory_space<vmem>>[vector<16xi32>], vector<16xf32>,
        %add3A_1543 = arith.constant 25 : i32
        %add3A_1544 = vector.broadcast %add3A_1543 : i32 to vector<16xi32>
        %add3A_1545 = arith.addi %add3A_109, %add3A_1544 : vector<16xi32>
        %gather3A_1546 = tpu.vector_load_idx %arg6[%add3A_1545] : memref<49184xf32, #tpu.memory_space<vmem>>[vector<16xi32>], vector<16xf32>,
        %mul3A_1547 = arith.mulf %gather3A_1546, %gather3A_1542 : vector<16xf32>
        %add3A_1548 = arith.addf %add3A_1525, %mul3A_1547 : vector<16xf32>
        %add3A_1549 = arith.constant 25 : i32
        %add3A_1550 = vector.broadcast %add3A_1549 : i32 to vector<16xi32>
        %add3A_1551 = arith.addi %add3A_135, %add3A_1550 : vector<16xi32>
        %gather3A_1552 = tpu.vector_load_idx %arg6[%add3A_1551] : memref<49184xf32, #tpu.memory_space<vmem>>[vector<16xi32>], vector<16xf32>,
        %mul3A_1553 = arith.mulf %gather3A_1552, %gather3A_1542 : vector<16xf32>
        %add3A_1554 = arith.addf %add3A_1531, %mul3A_1553 : vector<16xf32>
        %add3A_1555 = arith.constant 72 : i32
        %add3A_1556 = arith.addi %mul3A_220, %add3A_1555 : i32
        %add3A_1557 = arith.constant 4 : i32
        %add3A_1558 = arith.addi %add3A_1556, %add3A_1557 : i32
        %add3A_1559 = arith.constant 2 : i32
        %add3A_1560 = arith.addi %add3A_1558, %add3A_1559 : i32
        %broadcast_in_dim3A_1561 = arith.constant 0 : i32
        %broadcast_in_dim3A_1562 = vector.broadcast %broadcast_in_dim3A_1561 : i32 to vector<16xi32>
        %add3A_1563 = vector.broadcast %add3A_1560 : i32 to vector<16xi32>
        %add3A_1564 = arith.addi %broadcast_in_dim3A_1562, %add3A_1563 : vector<16xi32>
        %gather3A_1565 = tpu.vector_load_idx %arg8[%add3A_1564] : memref<6144xf32, #tpu.memory_space<vmem>>[vector<16xi32>], vector<16xf32>,
        %add3A_1566 = arith.constant 26 : i32
        %add3A_1567 = vector.broadcast %add3A_1566 : i32 to vector<16xi32>
        %add3A_1568 = arith.addi %add3A_109, %add3A_1567 : vector<16xi32>
        %gather3A_1569 = tpu.vector_load_idx %arg6[%add3A_1568] : memref<49184xf32, #tpu.memory_space<vmem>>[vector<16xi32>], vector<16xf32>,
        %mul3A_1570 = arith.mulf %gather3A_1569, %gather3A_1565 : vector<16xf32>
        %add3A_1571 = arith.addf %add3A_1548, %mul3A_1570 : vector<16xf32>
        %add3A_1572 = arith.constant 26 : i32
        %add3A_1573 = vector.broadcast %add3A_1572 : i32 to vector<16xi32>
        %add3A_1574 = arith.addi %add3A_135, %add3A_1573 : vector<16xi32>
        %gather3A_1575 = tpu.vector_load_idx %arg6[%add3A_1574] : memref<49184xf32, #tpu.memory_space<vmem>>[vector<16xi32>], vector<16xf32>,
        %mul3A_1576 = arith.mulf %gather3A_1575, %gather3A_1565 : vector<16xf32>
        %add3A_1577 = arith.addf %add3A_1554, %mul3A_1576 : vector<16xf32>
        %add3A_1578 = arith.constant 72 : i32
        %add3A_1579 = arith.addi %mul3A_220, %add3A_1578 : i32
        %add3A_1580 = arith.constant 4 : i32
        %add3A_1581 = arith.addi %add3A_1579, %add3A_1580 : i32
        %add3A_1582 = arith.constant 3 : i32
        %add3A_1583 = arith.addi %add3A_1581, %add3A_1582 : i32
        %broadcast_in_dim3A_1584 = arith.constant 0 : i32
        %broadcast_in_dim3A_1585 = vector.broadcast %broadcast_in_dim3A_1584 : i32 to vector<16xi32>
        %add3A_1586 = vector.broadcast %add3A_1583 : i32 to vector<16xi32>
        %add3A_1587 = arith.addi %broadcast_in_dim3A_1585, %add3A_1586 : vector<16xi32>
        %gather3A_1588 = tpu.vector_load_idx %arg8[%add3A_1587] : memref<6144xf32, #tpu.memory_space<vmem>>[vector<16xi32>], vector<16xf32>,
        %add3A_1589 = arith.constant 27 : i32
        %add3A_1590 = vector.broadcast %add3A_1589 : i32 to vector<16xi32>
        %add3A_1591 = arith.addi %add3A_109, %add3A_1590 : vector<16xi32>
        %gather3A_1592 = tpu.vector_load_idx %arg6[%add3A_1591] : memref<49184xf32, #tpu.memory_space<vmem>>[vector<16xi32>], vector<16xf32>,
        %mul3A_1593 = arith.mulf %gather3A_1592, %gather3A_1588 : vector<16xf32>
        %add3A_1594 = arith.addf %add3A_1571, %mul3A_1593 : vector<16xf32>
        %add3A_1595 = arith.constant 27 : i32
        %add3A_1596 = vector.broadcast %add3A_1595 : i32 to vector<16xi32>
        %add3A_1597 = arith.addi %add3A_135, %add3A_1596 : vector<16xi32>
        %gather3A_1598 = tpu.vector_load_idx %arg6[%add3A_1597] : memref<49184xf32, #tpu.memory_space<vmem>>[vector<16xi32>], vector<16xf32>,
        %mul3A_1599 = arith.mulf %gather3A_1598, %gather3A_1588 : vector<16xf32>
        %add3A_1600 = arith.addf %add3A_1577, %mul3A_1599 : vector<16xf32>
        %add3A_1601 = arith.constant 84 : i32
        %add3A_1602 = arith.addi %mul3A_220, %add3A_1601 : i32
        %add3A_1603 = arith.constant 4 : i32
        %add3A_1604 = arith.addi %add3A_1602, %add3A_1603 : i32
        %add3A_1605 = arith.constant 0 : i32
        %add3A_1606 = arith.addi %add3A_1604, %add3A_1605 : i32
        %broadcast_in_dim3A_1607 = arith.constant 0 : i32
        %broadcast_in_dim3A_1608 = vector.broadcast %broadcast_in_dim3A_1607 : i32 to vector<16xi32>
        %add3A_1609 = vector.broadcast %add3A_1606 : i32 to vector<16xi32>
        %add3A_1610 = arith.addi %broadcast_in_dim3A_1608, %add3A_1609 : vector<16xi32>
        %gather3A_1611 = tpu.vector_load_idx %arg8[%add3A_1610] : memref<6144xf32, #tpu.memory_space<vmem>>[vector<16xi32>], vector<16xf32>,
        %add3A_1612 = arith.constant 28 : i32
        %add3A_1613 = vector.broadcast %add3A_1612 : i32 to vector<16xi32>
        %add3A_1614 = arith.addi %add3A_109, %add3A_1613 : vector<16xi32>
        %gather3A_1615 = tpu.vector_load_idx %arg6[%add3A_1614] : memref<49184xf32, #tpu.memory_space<vmem>>[vector<16xi32>], vector<16xf32>,
        %mul3A_1616 = arith.mulf %gather3A_1615, %gather3A_1611 : vector<16xf32>
        %add3A_1617 = arith.addf %add3A_950, %mul3A_1616 : vector<16xf32>
        %add3A_1618 = arith.constant 28 : i32
        %add3A_1619 = vector.broadcast %add3A_1618 : i32 to vector<16xi32>
        %add3A_1620 = arith.addi %add3A_135, %add3A_1619 : vector<16xi32>
        %gather3A_1621 = tpu.vector_load_idx %arg6[%add3A_1620] : memref<49184xf32, #tpu.memory_space<vmem>>[vector<16xi32>], vector<16xf32>,
        %mul3A_1622 = arith.mulf %gather3A_1621, %gather3A_1611 : vector<16xf32>
        %add3A_1623 = arith.addf %add3A_956, %mul3A_1622 : vector<16xf32>
        %add3A_1624 = arith.constant 84 : i32
        %add3A_1625 = arith.addi %mul3A_220, %add3A_1624 : i32
        %add3A_1626 = arith.constant 4 : i32
        %add3A_1627 = arith.addi %add3A_1625, %add3A_1626 : i32
        %add3A_1628 = arith.constant 1 : i32
        %add3A_1629 = arith.addi %add3A_1627, %add3A_1628 : i32
        %broadcast_in_dim3A_1630 = arith.constant 0 : i32
        %broadcast_in_dim3A_1631 = vector.broadcast %broadcast_in_dim3A_1630 : i32 to vector<16xi32>
        %add3A_1632 = vector.broadcast %add3A_1629 : i32 to vector<16xi32>
        %add3A_1633 = arith.addi %broadcast_in_dim3A_1631, %add3A_1632 : vector<16xi32>
        %gather3A_1634 = tpu.vector_load_idx %arg8[%add3A_1633] : memref<6144xf32, #tpu.memory_space<vmem>>[vector<16xi32>], vector<16xf32>,
        %add3A_1635 = arith.constant 29 : i32
        %add3A_1636 = vector.broadcast %add3A_1635 : i32 to vector<16xi32>
        %add3A_1637 = arith.addi %add3A_109, %add3A_1636 : vector<16xi32>
        %gather3A_1638 = tpu.vector_load_idx %arg6[%add3A_1637] : memref<49184xf32, #tpu.memory_space<vmem>>[vector<16xi32>], vector<16xf32>,
        %mul3A_1639 = arith.mulf %gather3A_1638, %gather3A_1634 : vector<16xf32>
        %add3A_1640 = arith.addf %add3A_1617, %mul3A_1639 : vector<16xf32>
        %add3A_1641 = arith.constant 29 : i32
        %add3A_1642 = vector.broadcast %add3A_1641 : i32 to vector<16xi32>
        %add3A_1643 = arith.addi %add3A_135, %add3A_1642 : vector<16xi32>
        %gather3A_1644 = tpu.vector_load_idx %arg6[%add3A_1643] : memref<49184xf32, #tpu.memory_space<vmem>>[vector<16xi32>], vector<16xf32>,
        %mul3A_1645 = arith.mulf %gather3A_1644, %gather3A_1634 : vector<16xf32>
        %add3A_1646 = arith.addf %add3A_1623, %mul3A_1645 : vector<16xf32>
        %add3A_1647 = arith.constant 84 : i32
        %add3A_1648 = arith.addi %mul3A_220, %add3A_1647 : i32
        %add3A_1649 = arith.constant 4 : i32
        %add3A_1650 = arith.addi %add3A_1648, %add3A_1649 : i32
        %add3A_1651 = arith.constant 2 : i32
        %add3A_1652 = arith.addi %add3A_1650, %add3A_1651 : i32
        %broadcast_in_dim3A_1653 = arith.constant 0 : i32
        %broadcast_in_dim3A_1654 = vector.broadcast %broadcast_in_dim3A_1653 : i32 to vector<16xi32>
        %add3A_1655 = vector.broadcast %add3A_1652 : i32 to vector<16xi32>
        %add3A_1656 = arith.addi %broadcast_in_dim3A_1654, %add3A_1655 : vector<16xi32>
        %gather3A_1657 = tpu.vector_load_idx %arg8[%add3A_1656] : memref<6144xf32, #tpu.memory_space<vmem>>[vector<16xi32>], vector<16xf32>,
        %add3A_1658 = arith.constant 30 : i32
        %add3A_1659 = vector.broadcast %add3A_1658 : i32 to vector<16xi32>
        %add3A_1660 = arith.addi %add3A_109, %add3A_1659 : vector<16xi32>
        %gather3A_1661 = tpu.vector_load_idx %arg6[%add3A_1660] : memref<49184xf32, #tpu.memory_space<vmem>>[vector<16xi32>], vector<16xf32>,
        %mul3A_1662 = arith.mulf %gather3A_1661, %gather3A_1657 : vector<16xf32>
        %add3A_1663 = arith.addf %add3A_1640, %mul3A_1662 : vector<16xf32>
        %add3A_1664 = arith.constant 30 : i32
        %add3A_1665 = vector.broadcast %add3A_1664 : i32 to vector<16xi32>
        %add3A_1666 = arith.addi %add3A_135, %add3A_1665 : vector<16xi32>
        %gather3A_1667 = tpu.vector_load_idx %arg6[%add3A_1666] : memref<49184xf32, #tpu.memory_space<vmem>>[vector<16xi32>], vector<16xf32>,
        %mul3A_1668 = arith.mulf %gather3A_1667, %gather3A_1657 : vector<16xf32>
        %add3A_1669 = arith.addf %add3A_1646, %mul3A_1668 : vector<16xf32>
        %add3A_1670 = arith.constant 84 : i32
        %add3A_1671 = arith.addi %mul3A_220, %add3A_1670 : i32
        %add3A_1672 = arith.constant 4 : i32
        %add3A_1673 = arith.addi %add3A_1671, %add3A_1672 : i32
        %add3A_1674 = arith.constant 3 : i32
        %add3A_1675 = arith.addi %add3A_1673, %add3A_1674 : i32
        %broadcast_in_dim3A_1676 = arith.constant 0 : i32
        %broadcast_in_dim3A_1677 = vector.broadcast %broadcast_in_dim3A_1676 : i32 to vector<16xi32>
        %add3A_1678 = vector.broadcast %add3A_1675 : i32 to vector<16xi32>
        %add3A_1679 = arith.addi %broadcast_in_dim3A_1677, %add3A_1678 : vector<16xi32>
        %gather3A_1680 = tpu.vector_load_idx %arg8[%add3A_1679] : memref<6144xf32, #tpu.memory_space<vmem>>[vector<16xi32>], vector<16xf32>,
        %add3A_1681 = arith.constant 31 : i32
        %add3A_1682 = vector.broadcast %add3A_1681 : i32 to vector<16xi32>
        %add3A_1683 = arith.addi %add3A_109, %add3A_1682 : vector<16xi32>
        %gather3A_1684 = tpu.vector_load_idx %arg6[%add3A_1683] : memref<49184xf32, #tpu.memory_space<vmem>>[vector<16xi32>], vector<16xf32>,
        %mul3A_1685 = arith.mulf %gather3A_1684, %gather3A_1680 : vector<16xf32>
        %add3A_1686 = arith.addf %add3A_1663, %mul3A_1685 : vector<16xf32>
        %add3A_1687 = arith.constant 31 : i32
        %add3A_1688 = vector.broadcast %add3A_1687 : i32 to vector<16xi32>
        %add3A_1689 = arith.addi %add3A_135, %add3A_1688 : vector<16xi32>
        %gather3A_1690 = tpu.vector_load_idx %arg6[%add3A_1689] : memref<49184xf32, #tpu.memory_space<vmem>>[vector<16xi32>], vector<16xf32>,
        %mul3A_1691 = arith.mulf %gather3A_1690, %gather3A_1680 : vector<16xf32>
        %add3A_1692 = arith.addf %add3A_1669, %mul3A_1691 : vector<16xf32>
        %add3A_1693 = arith.constant 0 : i32
        %add3A_1694 = arith.addi %mul3A_220, %add3A_1693 : i32
        %add3A_1695 = arith.constant 8 : i32
        %add3A_1696 = arith.addi %add3A_1694, %add3A_1695 : i32
        %add3A_1697 = arith.constant 0 : i32
        %add3A_1698 = arith.addi %add3A_1696, %add3A_1697 : i32
        %broadcast_in_dim3A_1699 = arith.constant 0 : i32
        %broadcast_in_dim3A_1700 = vector.broadcast %broadcast_in_dim3A_1699 : i32 to vector<16xi32>
        %add3A_1701 = vector.broadcast %add3A_1698 : i32 to vector<16xi32>
        %add3A_1702 = arith.addi %broadcast_in_dim3A_1700, %add3A_1701 : vector<16xi32>
        %gather3A_1703 = tpu.vector_load_idx %arg8[%add3A_1702] : memref<6144xf32, #tpu.memory_space<vmem>>[vector<16xi32>], vector<16xf32>,
        %add3A_1704 = arith.constant 0 : i32
        %add3A_1705 = vector.broadcast %add3A_1704 : i32 to vector<16xi32>
        %add3A_1706 = arith.addi %add3A_161, %add3A_1705 : vector<16xi32>
        %gather3A_1707 = tpu.vector_load_idx %arg6[%add3A_1706] : memref<49184xf32, #tpu.memory_space<vmem>>[vector<16xi32>], vector<16xf32>,
        %mul3A_1708 = arith.mulf %gather3A_1707, %gather3A_1703 : vector<16xf32>
        %add3A_1709 = arith.addf %add3A_1042, %mul3A_1708 : vector<16xf32>
        %add3A_1710 = arith.constant 0 : i32
        %add3A_1711 = vector.broadcast %add3A_1710 : i32 to vector<16xi32>
        %add3A_1712 = arith.addi %add3A_187, %add3A_1711 : vector<16xi32>
        %gather3A_1713 = tpu.vector_load_idx %arg6[%add3A_1712] : memref<49184xf32, #tpu.memory_space<vmem>>[vector<16xi32>], vector<16xf32>,
        %mul3A_1714 = arith.mulf %gather3A_1713, %gather3A_1703 : vector<16xf32>
        %add3A_1715 = arith.addf %add3A_1048, %mul3A_1714 : vector<16xf32>
        %add3A_1716 = arith.constant 0 : i32
        %add3A_1717 = arith.addi %mul3A_220, %add3A_1716 : i32
        %add3A_1718 = arith.constant 8 : i32
        %add3A_1719 = arith.addi %add3A_1717, %add3A_1718 : i32
        %add3A_1720 = arith.constant 1 : i32
        %add3A_1721 = arith.addi %add3A_1719, %add3A_1720 : i32
        %broadcast_in_dim3A_1722 = arith.constant 0 : i32
        %broadcast_in_dim3A_1723 = vector.broadcast %broadcast_in_dim3A_1722 : i32 to vector<16xi32>
        %add3A_1724 = vector.broadcast %add3A_1721 : i32 to vector<16xi32>
        %add3A_1725 = arith.addi %broadcast_in_dim3A_1723, %add3A_1724 : vector<16xi32>
        %gather3A_1726 = tpu.vector_load_idx %arg8[%add3A_1725] : memref<6144xf32, #tpu.memory_space<vmem>>[vector<16xi32>], vector<16xf32>,
        %add3A_1727 = arith.constant 1 : i32
        %add3A_1728 = vector.broadcast %add3A_1727 : i32 to vector<16xi32>
        %add3A_1729 = arith.addi %add3A_161, %add3A_1728 : vector<16xi32>
        %gather3A_1730 = tpu.vector_load_idx %arg6[%add3A_1729] : memref<49184xf32, #tpu.memory_space<vmem>>[vector<16xi32>], vector<16xf32>,
        %mul3A_1731 = arith.mulf %gather3A_1730, %gather3A_1726 : vector<16xf32>
        %add3A_1732 = arith.addf %add3A_1709, %mul3A_1731 : vector<16xf32>
        %add3A_1733 = arith.constant 1 : i32
        %add3A_1734 = vector.broadcast %add3A_1733 : i32 to vector<16xi32>
        %add3A_1735 = arith.addi %add3A_187, %add3A_1734 : vector<16xi32>
        %gather3A_1736 = tpu.vector_load_idx %arg6[%add3A_1735] : memref<49184xf32, #tpu.memory_space<vmem>>[vector<16xi32>], vector<16xf32>,
        %mul3A_1737 = arith.mulf %gather3A_1736, %gather3A_1726 : vector<16xf32>
        %add3A_1738 = arith.addf %add3A_1715, %mul3A_1737 : vector<16xf32>
        %add3A_1739 = arith.constant 0 : i32
        %add3A_1740 = arith.addi %mul3A_220, %add3A_1739 : i32
        %add3A_1741 = arith.constant 8 : i32
        %add3A_1742 = arith.addi %add3A_1740, %add3A_1741 : i32
        %add3A_1743 = arith.constant 2 : i32
        %add3A_1744 = arith.addi %add3A_1742, %add3A_1743 : i32
        %broadcast_in_dim3A_1745 = arith.constant 0 : i32
        %broadcast_in_dim3A_1746 = vector.broadcast %broadcast_in_dim3A_1745 : i32 to vector<16xi32>
        %add3A_1747 = vector.broadcast %add3A_1744 : i32 to vector<16xi32>
        %add3A_1748 = arith.addi %broadcast_in_dim3A_1746, %add3A_1747 : vector<16xi32>
        %gather3A_1749 = tpu.vector_load_idx %arg8[%add3A_1748] : memref<6144xf32, #tpu.memory_space<vmem>>[vector<16xi32>], vector<16xf32>,
        %add3A_1750 = arith.constant 2 : i32
        %add3A_1751 = vector.broadcast %add3A_1750 : i32 to vector<16xi32>
        %add3A_1752 = arith.addi %add3A_161, %add3A_1751 : vector<16xi32>
        %gather3A_1753 = tpu.vector_load_idx %arg6[%add3A_1752] : memref<49184xf32, #tpu.memory_space<vmem>>[vector<16xi32>], vector<16xf32>,
        %mul3A_1754 = arith.mulf %gather3A_1753, %gather3A_1749 : vector<16xf32>
        %add3A_1755 = arith.addf %add3A_1732, %mul3A_1754 : vector<16xf32>
        %add3A_1756 = arith.constant 2 : i32
        %add3A_1757 = vector.broadcast %add3A_1756 : i32 to vector<16xi32>
        %add3A_1758 = arith.addi %add3A_187, %add3A_1757 : vector<16xi32>
        %gather3A_1759 = tpu.vector_load_idx %arg6[%add3A_1758] : memref<49184xf32, #tpu.memory_space<vmem>>[vector<16xi32>], vector<16xf32>,
        %mul3A_1760 = arith.mulf %gather3A_1759, %gather3A_1749 : vector<16xf32>
        %add3A_1761 = arith.addf %add3A_1738, %mul3A_1760 : vector<16xf32>
        %add3A_1762 = arith.constant 0 : i32
        %add3A_1763 = arith.addi %mul3A_220, %add3A_1762 : i32
        %add3A_1764 = arith.constant 8 : i32
        %add3A_1765 = arith.addi %add3A_1763, %add3A_1764 : i32
        %add3A_1766 = arith.constant 3 : i32
        %add3A_1767 = arith.addi %add3A_1765, %add3A_1766 : i32
        %broadcast_in_dim3A_1768 = arith.constant 0 : i32
        %broadcast_in_dim3A_1769 = vector.broadcast %broadcast_in_dim3A_1768 : i32 to vector<16xi32>
        %add3A_1770 = vector.broadcast %add3A_1767 : i32 to vector<16xi32>
        %add3A_1771 = arith.addi %broadcast_in_dim3A_1769, %add3A_1770 : vector<16xi32>
        %gather3A_1772 = tpu.vector_load_idx %arg8[%add3A_1771] : memref<6144xf32, #tpu.memory_space<vmem>>[vector<16xi32>], vector<16xf32>,
        %add3A_1773 = arith.constant 3 : i32
        %add3A_1774 = vector.broadcast %add3A_1773 : i32 to vector<16xi32>
        %add3A_1775 = arith.addi %add3A_161, %add3A_1774 : vector<16xi32>
        %gather3A_1776 = tpu.vector_load_idx %arg6[%add3A_1775] : memref<49184xf32, #tpu.memory_space<vmem>>[vector<16xi32>], vector<16xf32>,
        %mul3A_1777 = arith.mulf %gather3A_1776, %gather3A_1772 : vector<16xf32>
        %add3A_1778 = arith.addf %add3A_1755, %mul3A_1777 : vector<16xf32>
        %add3A_1779 = arith.constant 3 : i32
        %add3A_1780 = vector.broadcast %add3A_1779 : i32 to vector<16xi32>
        %add3A_1781 = arith.addi %add3A_187, %add3A_1780 : vector<16xi32>
        %gather3A_1782 = tpu.vector_load_idx %arg6[%add3A_1781] : memref<49184xf32, #tpu.memory_space<vmem>>[vector<16xi32>], vector<16xf32>,
        %mul3A_1783 = arith.mulf %gather3A_1782, %gather3A_1772 : vector<16xf32>
        %add3A_1784 = arith.addf %add3A_1761, %mul3A_1783 : vector<16xf32>
        %add3A_1785 = arith.constant 12 : i32
        %add3A_1786 = arith.addi %mul3A_220, %add3A_1785 : i32
        %add3A_1787 = arith.constant 8 : i32
        %add3A_1788 = arith.addi %add3A_1786, %add3A_1787 : i32
        %add3A_1789 = arith.constant 0 : i32
        %add3A_1790 = arith.addi %add3A_1788, %add3A_1789 : i32
        %broadcast_in_dim3A_1791 = arith.constant 0 : i32
        %broadcast_in_dim3A_1792 = vector.broadcast %broadcast_in_dim3A_1791 : i32 to vector<16xi32>
        %add3A_1793 = vector.broadcast %add3A_1790 : i32 to vector<16xi32>
        %add3A_1794 = arith.addi %broadcast_in_dim3A_1792, %add3A_1793 : vector<16xi32>
        %gather3A_1795 = tpu.vector_load_idx %arg8[%add3A_1794] : memref<6144xf32, #tpu.memory_space<vmem>>[vector<16xi32>], vector<16xf32>,
        %add3A_1796 = arith.constant 4 : i32
        %add3A_1797 = vector.broadcast %add3A_1796 : i32 to vector<16xi32>
        %add3A_1798 = arith.addi %add3A_161, %add3A_1797 : vector<16xi32>
        %gather3A_1799 = tpu.vector_load_idx %arg6[%add3A_1798] : memref<49184xf32, #tpu.memory_space<vmem>>[vector<16xi32>], vector<16xf32>,
        %mul3A_1800 = arith.mulf %gather3A_1799, %gather3A_1795 : vector<16xf32>
        %add3A_1801 = arith.addf %add3A_1134, %mul3A_1800 : vector<16xf32>
        %add3A_1802 = arith.constant 4 : i32
        %add3A_1803 = vector.broadcast %add3A_1802 : i32 to vector<16xi32>
        %add3A_1804 = arith.addi %add3A_187, %add3A_1803 : vector<16xi32>
        %gather3A_1805 = tpu.vector_load_idx %arg6[%add3A_1804] : memref<49184xf32, #tpu.memory_space<vmem>>[vector<16xi32>], vector<16xf32>,
        %mul3A_1806 = arith.mulf %gather3A_1805, %gather3A_1795 : vector<16xf32>
        %add3A_1807 = arith.addf %add3A_1140, %mul3A_1806 : vector<16xf32>
        %add3A_1808 = arith.constant 12 : i32
        %add3A_1809 = arith.addi %mul3A_220, %add3A_1808 : i32
        %add3A_1810 = arith.constant 8 : i32
        %add3A_1811 = arith.addi %add3A_1809, %add3A_1810 : i32
        %add3A_1812 = arith.constant 1 : i32
        %add3A_1813 = arith.addi %add3A_1811, %add3A_1812 : i32
        %broadcast_in_dim3A_1814 = arith.constant 0 : i32
        %broadcast_in_dim3A_1815 = vector.broadcast %broadcast_in_dim3A_1814 : i32 to vector<16xi32>
        %add3A_1816 = vector.broadcast %add3A_1813 : i32 to vector<16xi32>
        %add3A_1817 = arith.addi %broadcast_in_dim3A_1815, %add3A_1816 : vector<16xi32>
        %gather3A_1818 = tpu.vector_load_idx %arg8[%add3A_1817] : memref<6144xf32, #tpu.memory_space<vmem>>[vector<16xi32>], vector<16xf32>,
        %add3A_1819 = arith.constant 5 : i32
        %add3A_1820 = vector.broadcast %add3A_1819 : i32 to vector<16xi32>
        %add3A_1821 = arith.addi %add3A_161, %add3A_1820 : vector<16xi32>
        %gather3A_1822 = tpu.vector_load_idx %arg6[%add3A_1821] : memref<49184xf32, #tpu.memory_space<vmem>>[vector<16xi32>], vector<16xf32>,
        %mul3A_1823 = arith.mulf %gather3A_1822, %gather3A_1818 : vector<16xf32>
        %add3A_1824 = arith.addf %add3A_1801, %mul3A_1823 : vector<16xf32>
        %add3A_1825 = arith.constant 5 : i32
        %add3A_1826 = vector.broadcast %add3A_1825 : i32 to vector<16xi32>
        %add3A_1827 = arith.addi %add3A_187, %add3A_1826 : vector<16xi32>
        %gather3A_1828 = tpu.vector_load_idx %arg6[%add3A_1827] : memref<49184xf32, #tpu.memory_space<vmem>>[vector<16xi32>], vector<16xf32>,
        %mul3A_1829 = arith.mulf %gather3A_1828, %gather3A_1818 : vector<16xf32>
        %add3A_1830 = arith.addf %add3A_1807, %mul3A_1829 : vector<16xf32>
        %add3A_1831 = arith.constant 12 : i32
        %add3A_1832 = arith.addi %mul3A_220, %add3A_1831 : i32
        %add3A_1833 = arith.constant 8 : i32
        %add3A_1834 = arith.addi %add3A_1832, %add3A_1833 : i32
        %add3A_1835 = arith.constant 2 : i32
        %add3A_1836 = arith.addi %add3A_1834, %add3A_1835 : i32
        %broadcast_in_dim3A_1837 = arith.constant 0 : i32
        %broadcast_in_dim3A_1838 = vector.broadcast %broadcast_in_dim3A_1837 : i32 to vector<16xi32>
        %add3A_1839 = vector.broadcast %add3A_1836 : i32 to vector<16xi32>
        %add3A_1840 = arith.addi %broadcast_in_dim3A_1838, %add3A_1839 : vector<16xi32>
        %gather3A_1841 = tpu.vector_load_idx %arg8[%add3A_1840] : memref<6144xf32, #tpu.memory_space<vmem>>[vector<16xi32>], vector<16xf32>,
        %add3A_1842 = arith.constant 6 : i32
        %add3A_1843 = vector.broadcast %add3A_1842 : i32 to vector<16xi32>
        %add3A_1844 = arith.addi %add3A_161, %add3A_1843 : vector<16xi32>
        %gather3A_1845 = tpu.vector_load_idx %arg6[%add3A_1844] : memref<49184xf32, #tpu.memory_space<vmem>>[vector<16xi32>], vector<16xf32>,
        %mul3A_1846 = arith.mulf %gather3A_1845, %gather3A_1841 : vector<16xf32>
        %add3A_1847 = arith.addf %add3A_1824, %mul3A_1846 : vector<16xf32>
        %add3A_1848 = arith.constant 6 : i32
        %add3A_1849 = vector.broadcast %add3A_1848 : i32 to vector<16xi32>
        %add3A_1850 = arith.addi %add3A_187, %add3A_1849 : vector<16xi32>
        %gather3A_1851 = tpu.vector_load_idx %arg6[%add3A_1850] : memref<49184xf32, #tpu.memory_space<vmem>>[vector<16xi32>], vector<16xf32>,
        %mul3A_1852 = arith.mulf %gather3A_1851, %gather3A_1841 : vector<16xf32>
        %add3A_1853 = arith.addf %add3A_1830, %mul3A_1852 : vector<16xf32>
        %add3A_1854 = arith.constant 12 : i32
        %add3A_1855 = arith.addi %mul3A_220, %add3A_1854 : i32
        %add3A_1856 = arith.constant 8 : i32
        %add3A_1857 = arith.addi %add3A_1855, %add3A_1856 : i32
        %add3A_1858 = arith.constant 3 : i32
        %add3A_1859 = arith.addi %add3A_1857, %add3A_1858 : i32
        %broadcast_in_dim3A_1860 = arith.constant 0 : i32
        %broadcast_in_dim3A_1861 = vector.broadcast %broadcast_in_dim3A_1860 : i32 to vector<16xi32>
        %add3A_1862 = vector.broadcast %add3A_1859 : i32 to vector<16xi32>
        %add3A_1863 = arith.addi %broadcast_in_dim3A_1861, %add3A_1862 : vector<16xi32>
        %gather3A_1864 = tpu.vector_load_idx %arg8[%add3A_1863] : memref<6144xf32, #tpu.memory_space<vmem>>[vector<16xi32>], vector<16xf32>,
        %add3A_1865 = arith.constant 7 : i32
        %add3A_1866 = vector.broadcast %add3A_1865 : i32 to vector<16xi32>
        %add3A_1867 = arith.addi %add3A_161, %add3A_1866 : vector<16xi32>
        %gather3A_1868 = tpu.vector_load_idx %arg6[%add3A_1867] : memref<49184xf32, #tpu.memory_space<vmem>>[vector<16xi32>], vector<16xf32>,
        %mul3A_1869 = arith.mulf %gather3A_1868, %gather3A_1864 : vector<16xf32>
        %add3A_1870 = arith.addf %add3A_1847, %mul3A_1869 : vector<16xf32>
        %add3A_1871 = arith.constant 7 : i32
        %add3A_1872 = vector.broadcast %add3A_1871 : i32 to vector<16xi32>
        %add3A_1873 = arith.addi %add3A_187, %add3A_1872 : vector<16xi32>
        %gather3A_1874 = tpu.vector_load_idx %arg6[%add3A_1873] : memref<49184xf32, #tpu.memory_space<vmem>>[vector<16xi32>], vector<16xf32>,
        %mul3A_1875 = arith.mulf %gather3A_1874, %gather3A_1864 : vector<16xf32>
        %add3A_1876 = arith.addf %add3A_1853, %mul3A_1875 : vector<16xf32>
        %add3A_1877 = arith.constant 24 : i32
        %add3A_1878 = arith.addi %mul3A_220, %add3A_1877 : i32
        %add3A_1879 = arith.constant 8 : i32
        %add3A_1880 = arith.addi %add3A_1878, %add3A_1879 : i32
        %add3A_1881 = arith.constant 0 : i32
        %add3A_1882 = arith.addi %add3A_1880, %add3A_1881 : i32
        %broadcast_in_dim3A_1883 = arith.constant 0 : i32
        %broadcast_in_dim3A_1884 = vector.broadcast %broadcast_in_dim3A_1883 : i32 to vector<16xi32>
        %add3A_1885 = vector.broadcast %add3A_1882 : i32 to vector<16xi32>
        %add3A_1886 = arith.addi %broadcast_in_dim3A_1884, %add3A_1885 : vector<16xi32>
        %gather3A_1887 = tpu.vector_load_idx %arg8[%add3A_1886] : memref<6144xf32, #tpu.memory_space<vmem>>[vector<16xi32>], vector<16xf32>,
        %add3A_1888 = arith.constant 8 : i32
        %add3A_1889 = vector.broadcast %add3A_1888 : i32 to vector<16xi32>
        %add3A_1890 = arith.addi %add3A_161, %add3A_1889 : vector<16xi32>
        %gather3A_1891 = tpu.vector_load_idx %arg6[%add3A_1890] : memref<49184xf32, #tpu.memory_space<vmem>>[vector<16xi32>], vector<16xf32>,
        %mul3A_1892 = arith.mulf %gather3A_1891, %gather3A_1887 : vector<16xf32>
        %add3A_1893 = arith.addf %add3A_1226, %mul3A_1892 : vector<16xf32>
        %add3A_1894 = arith.constant 8 : i32
        %add3A_1895 = vector.broadcast %add3A_1894 : i32 to vector<16xi32>
        %add3A_1896 = arith.addi %add3A_187, %add3A_1895 : vector<16xi32>
        %gather3A_1897 = tpu.vector_load_idx %arg6[%add3A_1896] : memref<49184xf32, #tpu.memory_space<vmem>>[vector<16xi32>], vector<16xf32>,
        %mul3A_1898 = arith.mulf %gather3A_1897, %gather3A_1887 : vector<16xf32>
        %add3A_1899 = arith.addf %add3A_1232, %mul3A_1898 : vector<16xf32>
        %add3A_1900 = arith.constant 24 : i32
        %add3A_1901 = arith.addi %mul3A_220, %add3A_1900 : i32
        %add3A_1902 = arith.constant 8 : i32
        %add3A_1903 = arith.addi %add3A_1901, %add3A_1902 : i32
        %add3A_1904 = arith.constant 1 : i32
        %add3A_1905 = arith.addi %add3A_1903, %add3A_1904 : i32
        %broadcast_in_dim3A_1906 = arith.constant 0 : i32
        %broadcast_in_dim3A_1907 = vector.broadcast %broadcast_in_dim3A_1906 : i32 to vector<16xi32>
        %add3A_1908 = vector.broadcast %add3A_1905 : i32 to vector<16xi32>
        %add3A_1909 = arith.addi %broadcast_in_dim3A_1907, %add3A_1908 : vector<16xi32>
        %gather3A_1910 = tpu.vector_load_idx %arg8[%add3A_1909] : memref<6144xf32, #tpu.memory_space<vmem>>[vector<16xi32>], vector<16xf32>,
        %add3A_1911 = arith.constant 9 : i32
        %add3A_1912 = vector.broadcast %add3A_1911 : i32 to vector<16xi32>
        %add3A_1913 = arith.addi %add3A_161, %add3A_1912 : vector<16xi32>
        %gather3A_1914 = tpu.vector_load_idx %arg6[%add3A_1913] : memref<49184xf32, #tpu.memory_space<vmem>>[vector<16xi32>], vector<16xf32>,
        %mul3A_1915 = arith.mulf %gather3A_1914, %gather3A_1910 : vector<16xf32>
        %add3A_1916 = arith.addf %add3A_1893, %mul3A_1915 : vector<16xf32>
        %add3A_1917 = arith.constant 9 : i32
        %add3A_1918 = vector.broadcast %add3A_1917 : i32 to vector<16xi32>
        %add3A_1919 = arith.addi %add3A_187, %add3A_1918 : vector<16xi32>
        %gather3A_1920 = tpu.vector_load_idx %arg6[%add3A_1919] : memref<49184xf32, #tpu.memory_space<vmem>>[vector<16xi32>], vector<16xf32>,
        %mul3A_1921 = arith.mulf %gather3A_1920, %gather3A_1910 : vector<16xf32>
        %add3A_1922 = arith.addf %add3A_1899, %mul3A_1921 : vector<16xf32>
        %add3A_1923 = arith.constant 24 : i32
        %add3A_1924 = arith.addi %mul3A_220, %add3A_1923 : i32
        %add3A_1925 = arith.constant 8 : i32
        %add3A_1926 = arith.addi %add3A_1924, %add3A_1925 : i32
        %add3A_1927 = arith.constant 2 : i32
        %add3A_1928 = arith.addi %add3A_1926, %add3A_1927 : i32
        %broadcast_in_dim3A_1929 = arith.constant 0 : i32
        %broadcast_in_dim3A_1930 = vector.broadcast %broadcast_in_dim3A_1929 : i32 to vector<16xi32>
        %add3A_1931 = vector.broadcast %add3A_1928 : i32 to vector<16xi32>
        %add3A_1932 = arith.addi %broadcast_in_dim3A_1930, %add3A_1931 : vector<16xi32>
        %gather3A_1933 = tpu.vector_load_idx %arg8[%add3A_1932] : memref<6144xf32, #tpu.memory_space<vmem>>[vector<16xi32>], vector<16xf32>,
        %add3A_1934 = arith.constant 10 : i32
        %add3A_1935 = vector.broadcast %add3A_1934 : i32 to vector<16xi32>
        %add3A_1936 = arith.addi %add3A_161, %add3A_1935 : vector<16xi32>
        %gather3A_1937 = tpu.vector_load_idx %arg6[%add3A_1936] : memref<49184xf32, #tpu.memory_space<vmem>>[vector<16xi32>], vector<16xf32>,
        %mul3A_1938 = arith.mulf %gather3A_1937, %gather3A_1933 : vector<16xf32>
        %add3A_1939 = arith.addf %add3A_1916, %mul3A_1938 : vector<16xf32>
        %add3A_1940 = arith.constant 10 : i32
        %add3A_1941 = vector.broadcast %add3A_1940 : i32 to vector<16xi32>
        %add3A_1942 = arith.addi %add3A_187, %add3A_1941 : vector<16xi32>
        %gather3A_1943 = tpu.vector_load_idx %arg6[%add3A_1942] : memref<49184xf32, #tpu.memory_space<vmem>>[vector<16xi32>], vector<16xf32>,
        %mul3A_1944 = arith.mulf %gather3A_1943, %gather3A_1933 : vector<16xf32>
        %add3A_1945 = arith.addf %add3A_1922, %mul3A_1944 : vector<16xf32>
        %add3A_1946 = arith.constant 24 : i32
        %add3A_1947 = arith.addi %mul3A_220, %add3A_1946 : i32
        %add3A_1948 = arith.constant 8 : i32
        %add3A_1949 = arith.addi %add3A_1947, %add3A_1948 : i32
        %add3A_1950 = arith.constant 3 : i32
        %add3A_1951 = arith.addi %add3A_1949, %add3A_1950 : i32
        %broadcast_in_dim3A_1952 = arith.constant 0 : i32
        %broadcast_in_dim3A_1953 = vector.broadcast %broadcast_in_dim3A_1952 : i32 to vector<16xi32>
        %add3A_1954 = vector.broadcast %add3A_1951 : i32 to vector<16xi32>
        %add3A_1955 = arith.addi %broadcast_in_dim3A_1953, %add3A_1954 : vector<16xi32>
        %gather3A_1956 = tpu.vector_load_idx %arg8[%add3A_1955] : memref<6144xf32, #tpu.memory_space<vmem>>[vector<16xi32>], vector<16xf32>,
        %add3A_1957 = arith.constant 11 : i32
        %add3A_1958 = vector.broadcast %add3A_1957 : i32 to vector<16xi32>
        %add3A_1959 = arith.addi %add3A_161, %add3A_1958 : vector<16xi32>
        %gather3A_1960 = tpu.vector_load_idx %arg6[%add3A_1959] : memref<49184xf32, #tpu.memory_space<vmem>>[vector<16xi32>], vector<16xf32>,
        %mul3A_1961 = arith.mulf %gather3A_1960, %gather3A_1956 : vector<16xf32>
        %add3A_1962 = arith.addf %add3A_1939, %mul3A_1961 : vector<16xf32>
        %add3A_1963 = arith.constant 11 : i32
        %add3A_1964 = vector.broadcast %add3A_1963 : i32 to vector<16xi32>
        %add3A_1965 = arith.addi %add3A_187, %add3A_1964 : vector<16xi32>
        %gather3A_1966 = tpu.vector_load_idx %arg6[%add3A_1965] : memref<49184xf32, #tpu.memory_space<vmem>>[vector<16xi32>], vector<16xf32>,
        %mul3A_1967 = arith.mulf %gather3A_1966, %gather3A_1956 : vector<16xf32>
        %add3A_1968 = arith.addf %add3A_1945, %mul3A_1967 : vector<16xf32>
        %add3A_1969 = arith.constant 36 : i32
        %add3A_1970 = arith.addi %mul3A_220, %add3A_1969 : i32
        %add3A_1971 = arith.constant 8 : i32
        %add3A_1972 = arith.addi %add3A_1970, %add3A_1971 : i32
        %add3A_1973 = arith.constant 0 : i32
        %add3A_1974 = arith.addi %add3A_1972, %add3A_1973 : i32
        %broadcast_in_dim3A_1975 = arith.constant 0 : i32
        %broadcast_in_dim3A_1976 = vector.broadcast %broadcast_in_dim3A_1975 : i32 to vector<16xi32>
        %add3A_1977 = vector.broadcast %add3A_1974 : i32 to vector<16xi32>
        %add3A_1978 = arith.addi %broadcast_in_dim3A_1976, %add3A_1977 : vector<16xi32>
        %gather3A_1979 = tpu.vector_load_idx %arg8[%add3A_1978] : memref<6144xf32, #tpu.memory_space<vmem>>[vector<16xi32>], vector<16xf32>,
        %add3A_1980 = arith.constant 12 : i32
        %add3A_1981 = vector.broadcast %add3A_1980 : i32 to vector<16xi32>
        %add3A_1982 = arith.addi %add3A_161, %add3A_1981 : vector<16xi32>
        %gather3A_1983 = tpu.vector_load_idx %arg6[%add3A_1982] : memref<49184xf32, #tpu.memory_space<vmem>>[vector<16xi32>], vector<16xf32>,
        %mul3A_1984 = arith.mulf %gather3A_1983, %gather3A_1979 : vector<16xf32>
        %add3A_1985 = arith.addf %add3A_1318, %mul3A_1984 : vector<16xf32>
        %add3A_1986 = arith.constant 12 : i32
        %add3A_1987 = vector.broadcast %add3A_1986 : i32 to vector<16xi32>
        %add3A_1988 = arith.addi %add3A_187, %add3A_1987 : vector<16xi32>
        %gather3A_1989 = tpu.vector_load_idx %arg6[%add3A_1988] : memref<49184xf32, #tpu.memory_space<vmem>>[vector<16xi32>], vector<16xf32>,
        %mul3A_1990 = arith.mulf %gather3A_1989, %gather3A_1979 : vector<16xf32>
        %add3A_1991 = arith.addf %add3A_1324, %mul3A_1990 : vector<16xf32>
        %add3A_1992 = arith.constant 36 : i32
        %add3A_1993 = arith.addi %mul3A_220, %add3A_1992 : i32
        %add3A_1994 = arith.constant 8 : i32
        %add3A_1995 = arith.addi %add3A_1993, %add3A_1994 : i32
        %add3A_1996 = arith.constant 1 : i32
        %add3A_1997 = arith.addi %add3A_1995, %add3A_1996 : i32
        %broadcast_in_dim3A_1998 = arith.constant 0 : i32
        %broadcast_in_dim3A_1999 = vector.broadcast %broadcast_in_dim3A_1998 : i32 to vector<16xi32>
        %add3A_2000 = vector.broadcast %add3A_1997 : i32 to vector<16xi32>
        %add3A_2001 = arith.addi %broadcast_in_dim3A_1999, %add3A_2000 : vector<16xi32>
        %gather3A_2002 = tpu.vector_load_idx %arg8[%add3A_2001] : memref<6144xf32, #tpu.memory_space<vmem>>[vector<16xi32>], vector<16xf32>,
        %add3A_2003 = arith.constant 13 : i32
        %add3A_2004 = vector.broadcast %add3A_2003 : i32 to vector<16xi32>
        %add3A_2005 = arith.addi %add3A_161, %add3A_2004 : vector<16xi32>
        %gather3A_2006 = tpu.vector_load_idx %arg6[%add3A_2005] : memref<49184xf32, #tpu.memory_space<vmem>>[vector<16xi32>], vector<16xf32>,
        %mul3A_2007 = arith.mulf %gather3A_2006, %gather3A_2002 : vector<16xf32>
        %add3A_2008 = arith.addf %add3A_1985, %mul3A_2007 : vector<16xf32>
        %add3A_2009 = arith.constant 13 : i32
        %add3A_2010 = vector.broadcast %add3A_2009 : i32 to vector<16xi32>
        %add3A_2011 = arith.addi %add3A_187, %add3A_2010 : vector<16xi32>
        %gather3A_2012 = tpu.vector_load_idx %arg6[%add3A_2011] : memref<49184xf32, #tpu.memory_space<vmem>>[vector<16xi32>], vector<16xf32>,
        %mul3A_2013 = arith.mulf %gather3A_2012, %gather3A_2002 : vector<16xf32>
        %add3A_2014 = arith.addf %add3A_1991, %mul3A_2013 : vector<16xf32>
        %add3A_2015 = arith.constant 36 : i32
        %add3A_2016 = arith.addi %mul3A_220, %add3A_2015 : i32
        %add3A_2017 = arith.constant 8 : i32
        %add3A_2018 = arith.addi %add3A_2016, %add3A_2017 : i32
        %add3A_2019 = arith.constant 2 : i32
        %add3A_2020 = arith.addi %add3A_2018, %add3A_2019 : i32
        %broadcast_in_dim3A_2021 = arith.constant 0 : i32
        %broadcast_in_dim3A_2022 = vector.broadcast %broadcast_in_dim3A_2021 : i32 to vector<16xi32>
        %add3A_2023 = vector.broadcast %add3A_2020 : i32 to vector<16xi32>
        %add3A_2024 = arith.addi %broadcast_in_dim3A_2022, %add3A_2023 : vector<16xi32>
        %gather3A_2025 = tpu.vector_load_idx %arg8[%add3A_2024] : memref<6144xf32, #tpu.memory_space<vmem>>[vector<16xi32>], vector<16xf32>,
        %add3A_2026 = arith.constant 14 : i32
        %add3A_2027 = vector.broadcast %add3A_2026 : i32 to vector<16xi32>
        %add3A_2028 = arith.addi %add3A_161, %add3A_2027 : vector<16xi32>
        %gather3A_2029 = tpu.vector_load_idx %arg6[%add3A_2028] : memref<49184xf32, #tpu.memory_space<vmem>>[vector<16xi32>], vector<16xf32>,
        %mul3A_2030 = arith.mulf %gather3A_2029, %gather3A_2025 : vector<16xf32>
        %add3A_2031 = arith.addf %add3A_2008, %mul3A_2030 : vector<16xf32>
        %add3A_2032 = arith.constant 14 : i32
        %add3A_2033 = vector.broadcast %add3A_2032 : i32 to vector<16xi32>
        %add3A_2034 = arith.addi %add3A_187, %add3A_2033 : vector<16xi32>
        %gather3A_2035 = tpu.vector_load_idx %arg6[%add3A_2034] : memref<49184xf32, #tpu.memory_space<vmem>>[vector<16xi32>], vector<16xf32>,
        %mul3A_2036 = arith.mulf %gather3A_2035, %gather3A_2025 : vector<16xf32>
        %add3A_2037 = arith.addf %add3A_2014, %mul3A_2036 : vector<16xf32>
        %add3A_2038 = arith.constant 36 : i32
        %add3A_2039 = arith.addi %mul3A_220, %add3A_2038 : i32
        %add3A_2040 = arith.constant 8 : i32
        %add3A_2041 = arith.addi %add3A_2039, %add3A_2040 : i32
        %add3A_2042 = arith.constant 3 : i32
        %add3A_2043 = arith.addi %add3A_2041, %add3A_2042 : i32
        %broadcast_in_dim3A_2044 = arith.constant 0 : i32
        %broadcast_in_dim3A_2045 = vector.broadcast %broadcast_in_dim3A_2044 : i32 to vector<16xi32>
        %add3A_2046 = vector.broadcast %add3A_2043 : i32 to vector<16xi32>
        %add3A_2047 = arith.addi %broadcast_in_dim3A_2045, %add3A_2046 : vector<16xi32>
        %gather3A_2048 = tpu.vector_load_idx %arg8[%add3A_2047] : memref<6144xf32, #tpu.memory_space<vmem>>[vector<16xi32>], vector<16xf32>,
        %add3A_2049 = arith.constant 15 : i32
        %add3A_2050 = vector.broadcast %add3A_2049 : i32 to vector<16xi32>
        %add3A_2051 = arith.addi %add3A_161, %add3A_2050 : vector<16xi32>
        %gather3A_2052 = tpu.vector_load_idx %arg6[%add3A_2051] : memref<49184xf32, #tpu.memory_space<vmem>>[vector<16xi32>], vector<16xf32>,
        %mul3A_2053 = arith.mulf %gather3A_2052, %gather3A_2048 : vector<16xf32>
        %add3A_2054 = arith.addf %add3A_2031, %mul3A_2053 : vector<16xf32>
        %add3A_2055 = arith.constant 15 : i32
        %add3A_2056 = vector.broadcast %add3A_2055 : i32 to vector<16xi32>
        %add3A_2057 = arith.addi %add3A_187, %add3A_2056 : vector<16xi32>
        %gather3A_2058 = tpu.vector_load_idx %arg6[%add3A_2057] : memref<49184xf32, #tpu.memory_space<vmem>>[vector<16xi32>], vector<16xf32>,
        %mul3A_2059 = arith.mulf %gather3A_2058, %gather3A_2048 : vector<16xf32>
        %add3A_2060 = arith.addf %add3A_2037, %mul3A_2059 : vector<16xf32>
        %add3A_2061 = arith.constant 48 : i32
        %add3A_2062 = arith.addi %mul3A_220, %add3A_2061 : i32
        %add3A_2063 = arith.constant 8 : i32
        %add3A_2064 = arith.addi %add3A_2062, %add3A_2063 : i32
        %add3A_2065 = arith.constant 0 : i32
        %add3A_2066 = arith.addi %add3A_2064, %add3A_2065 : i32
        %broadcast_in_dim3A_2067 = arith.constant 0 : i32
        %broadcast_in_dim3A_2068 = vector.broadcast %broadcast_in_dim3A_2067 : i32 to vector<16xi32>
        %add3A_2069 = vector.broadcast %add3A_2066 : i32 to vector<16xi32>
        %add3A_2070 = arith.addi %broadcast_in_dim3A_2068, %add3A_2069 : vector<16xi32>
        %gather3A_2071 = tpu.vector_load_idx %arg8[%add3A_2070] : memref<6144xf32, #tpu.memory_space<vmem>>[vector<16xi32>], vector<16xf32>,
        %add3A_2072 = arith.constant 16 : i32
        %add3A_2073 = vector.broadcast %add3A_2072 : i32 to vector<16xi32>
        %add3A_2074 = arith.addi %add3A_161, %add3A_2073 : vector<16xi32>
        %gather3A_2075 = tpu.vector_load_idx %arg6[%add3A_2074] : memref<49184xf32, #tpu.memory_space<vmem>>[vector<16xi32>], vector<16xf32>,
        %mul3A_2076 = arith.mulf %gather3A_2075, %gather3A_2071 : vector<16xf32>
        %add3A_2077 = arith.addf %add3A_1410, %mul3A_2076 : vector<16xf32>
        %add3A_2078 = arith.constant 16 : i32
        %add3A_2079 = vector.broadcast %add3A_2078 : i32 to vector<16xi32>
        %add3A_2080 = arith.addi %add3A_187, %add3A_2079 : vector<16xi32>
        %gather3A_2081 = tpu.vector_load_idx %arg6[%add3A_2080] : memref<49184xf32, #tpu.memory_space<vmem>>[vector<16xi32>], vector<16xf32>,
        %mul3A_2082 = arith.mulf %gather3A_2081, %gather3A_2071 : vector<16xf32>
        %add3A_2083 = arith.addf %add3A_1416, %mul3A_2082 : vector<16xf32>
        %add3A_2084 = arith.constant 48 : i32
        %add3A_2085 = arith.addi %mul3A_220, %add3A_2084 : i32
        %add3A_2086 = arith.constant 8 : i32
        %add3A_2087 = arith.addi %add3A_2085, %add3A_2086 : i32
        %add3A_2088 = arith.constant 1 : i32
        %add3A_2089 = arith.addi %add3A_2087, %add3A_2088 : i32
        %broadcast_in_dim3A_2090 = arith.constant 0 : i32
        %broadcast_in_dim3A_2091 = vector.broadcast %broadcast_in_dim3A_2090 : i32 to vector<16xi32>
        %add3A_2092 = vector.broadcast %add3A_2089 : i32 to vector<16xi32>
        %add3A_2093 = arith.addi %broadcast_in_dim3A_2091, %add3A_2092 : vector<16xi32>
        %gather3A_2094 = tpu.vector_load_idx %arg8[%add3A_2093] : memref<6144xf32, #tpu.memory_space<vmem>>[vector<16xi32>], vector<16xf32>,
        %add3A_2095 = arith.constant 17 : i32
        %add3A_2096 = vector.broadcast %add3A_2095 : i32 to vector<16xi32>
        %add3A_2097 = arith.addi %add3A_161, %add3A_2096 : vector<16xi32>
        %gather3A_2098 = tpu.vector_load_idx %arg6[%add3A_2097] : memref<49184xf32, #tpu.memory_space<vmem>>[vector<16xi32>], vector<16xf32>,
        %mul3A_2099 = arith.mulf %gather3A_2098, %gather3A_2094 : vector<16xf32>
        %add3A_2100 = arith.addf %add3A_2077, %mul3A_2099 : vector<16xf32>
        %add3A_2101 = arith.constant 17 : i32
        %add3A_2102 = vector.broadcast %add3A_2101 : i32 to vector<16xi32>
        %add3A_2103 = arith.addi %add3A_187, %add3A_2102 : vector<16xi32>
        %gather3A_2104 = tpu.vector_load_idx %arg6[%add3A_2103] : memref<49184xf32, #tpu.memory_space<vmem>>[vector<16xi32>], vector<16xf32>,
        %mul3A_2105 = arith.mulf %gather3A_2104, %gather3A_2094 : vector<16xf32>
        %add3A_2106 = arith.addf %add3A_2083, %mul3A_2105 : vector<16xf32>
        %add3A_2107 = arith.constant 48 : i32
        %add3A_2108 = arith.addi %mul3A_220, %add3A_2107 : i32
        %add3A_2109 = arith.constant 8 : i32
        %add3A_2110 = arith.addi %add3A_2108, %add3A_2109 : i32
        %add3A_2111 = arith.constant 2 : i32
        %add3A_2112 = arith.addi %add3A_2110, %add3A_2111 : i32
        %broadcast_in_dim3A_2113 = arith.constant 0 : i32
        %broadcast_in_dim3A_2114 = vector.broadcast %broadcast_in_dim3A_2113 : i32 to vector<16xi32>
        %add3A_2115 = vector.broadcast %add3A_2112 : i32 to vector<16xi32>
        %add3A_2116 = arith.addi %broadcast_in_dim3A_2114, %add3A_2115 : vector<16xi32>
        %gather3A_2117 = tpu.vector_load_idx %arg8[%add3A_2116] : memref<6144xf32, #tpu.memory_space<vmem>>[vector<16xi32>], vector<16xf32>,
        %add3A_2118 = arith.constant 18 : i32
        %add3A_2119 = vector.broadcast %add3A_2118 : i32 to vector<16xi32>
        %add3A_2120 = arith.addi %add3A_161, %add3A_2119 : vector<16xi32>
        %gather3A_2121 = tpu.vector_load_idx %arg6[%add3A_2120] : memref<49184xf32, #tpu.memory_space<vmem>>[vector<16xi32>], vector<16xf32>,
        %mul3A_2122 = arith.mulf %gather3A_2121, %gather3A_2117 : vector<16xf32>
        %add3A_2123 = arith.addf %add3A_2100, %mul3A_2122 : vector<16xf32>
        %add3A_2124 = arith.constant 18 : i32
        %add3A_2125 = vector.broadcast %add3A_2124 : i32 to vector<16xi32>
        %add3A_2126 = arith.addi %add3A_187, %add3A_2125 : vector<16xi32>
        %gather3A_2127 = tpu.vector_load_idx %arg6[%add3A_2126] : memref<49184xf32, #tpu.memory_space<vmem>>[vector<16xi32>], vector<16xf32>,
        %mul3A_2128 = arith.mulf %gather3A_2127, %gather3A_2117 : vector<16xf32>
        %add3A_2129 = arith.addf %add3A_2106, %mul3A_2128 : vector<16xf32>
        %add3A_2130 = arith.constant 48 : i32
        %add3A_2131 = arith.addi %mul3A_220, %add3A_2130 : i32
        %add3A_2132 = arith.constant 8 : i32
        %add3A_2133 = arith.addi %add3A_2131, %add3A_2132 : i32
        %add3A_2134 = arith.constant 3 : i32
        %add3A_2135 = arith.addi %add3A_2133, %add3A_2134 : i32
        %broadcast_in_dim3A_2136 = arith.constant 0 : i32
        %broadcast_in_dim3A_2137 = vector.broadcast %broadcast_in_dim3A_2136 : i32 to vector<16xi32>
        %add3A_2138 = vector.broadcast %add3A_2135 : i32 to vector<16xi32>
        %add3A_2139 = arith.addi %broadcast_in_dim3A_2137, %add3A_2138 : vector<16xi32>
        %gather3A_2140 = tpu.vector_load_idx %arg8[%add3A_2139] : memref<6144xf32, #tpu.memory_space<vmem>>[vector<16xi32>], vector<16xf32>,
        %add3A_2141 = arith.constant 19 : i32
        %add3A_2142 = vector.broadcast %add3A_2141 : i32 to vector<16xi32>
        %add3A_2143 = arith.addi %add3A_161, %add3A_2142 : vector<16xi32>
        %gather3A_2144 = tpu.vector_load_idx %arg6[%add3A_2143] : memref<49184xf32, #tpu.memory_space<vmem>>[vector<16xi32>], vector<16xf32>,
        %mul3A_2145 = arith.mulf %gather3A_2144, %gather3A_2140 : vector<16xf32>
        %add3A_2146 = arith.addf %add3A_2123, %mul3A_2145 : vector<16xf32>
        %add3A_2147 = arith.constant 19 : i32
        %add3A_2148 = vector.broadcast %add3A_2147 : i32 to vector<16xi32>
        %add3A_2149 = arith.addi %add3A_187, %add3A_2148 : vector<16xi32>
        %gather3A_2150 = tpu.vector_load_idx %arg6[%add3A_2149] : memref<49184xf32, #tpu.memory_space<vmem>>[vector<16xi32>], vector<16xf32>,
        %mul3A_2151 = arith.mulf %gather3A_2150, %gather3A_2140 : vector<16xf32>
        %add3A_2152 = arith.addf %add3A_2129, %mul3A_2151 : vector<16xf32>
        %add3A_2153 = arith.constant 60 : i32
        %add3A_2154 = arith.addi %mul3A_220, %add3A_2153 : i32
        %add3A_2155 = arith.constant 8 : i32
        %add3A_2156 = arith.addi %add3A_2154, %add3A_2155 : i32
        %add3A_2157 = arith.constant 0 : i32
        %add3A_2158 = arith.addi %add3A_2156, %add3A_2157 : i32
        %broadcast_in_dim3A_2159 = arith.constant 0 : i32
        %broadcast_in_dim3A_2160 = vector.broadcast %broadcast_in_dim3A_2159 : i32 to vector<16xi32>
        %add3A_2161 = vector.broadcast %add3A_2158 : i32 to vector<16xi32>
        %add3A_2162 = arith.addi %broadcast_in_dim3A_2160, %add3A_2161 : vector<16xi32>
        %gather3A_2163 = tpu.vector_load_idx %arg8[%add3A_2162] : memref<6144xf32, #tpu.memory_space<vmem>>[vector<16xi32>], vector<16xf32>,
        %add3A_2164 = arith.constant 20 : i32
        %add3A_2165 = vector.broadcast %add3A_2164 : i32 to vector<16xi32>
        %add3A_2166 = arith.addi %add3A_161, %add3A_2165 : vector<16xi32>
        %gather3A_2167 = tpu.vector_load_idx %arg6[%add3A_2166] : memref<49184xf32, #tpu.memory_space<vmem>>[vector<16xi32>], vector<16xf32>,
        %mul3A_2168 = arith.mulf %gather3A_2167, %gather3A_2163 : vector<16xf32>
        %add3A_2169 = arith.addf %add3A_1502, %mul3A_2168 : vector<16xf32>
        %add3A_2170 = arith.constant 20 : i32
        %add3A_2171 = vector.broadcast %add3A_2170 : i32 to vector<16xi32>
        %add3A_2172 = arith.addi %add3A_187, %add3A_2171 : vector<16xi32>
        %gather3A_2173 = tpu.vector_load_idx %arg6[%add3A_2172] : memref<49184xf32, #tpu.memory_space<vmem>>[vector<16xi32>], vector<16xf32>,
        %mul3A_2174 = arith.mulf %gather3A_2173, %gather3A_2163 : vector<16xf32>
        %add3A_2175 = arith.addf %add3A_1508, %mul3A_2174 : vector<16xf32>
        %add3A_2176 = arith.constant 60 : i32
        %add3A_2177 = arith.addi %mul3A_220, %add3A_2176 : i32
        %add3A_2178 = arith.constant 8 : i32
        %add3A_2179 = arith.addi %add3A_2177, %add3A_2178 : i32
        %add3A_2180 = arith.constant 1 : i32
        %add3A_2181 = arith.addi %add3A_2179, %add3A_2180 : i32
        %broadcast_in_dim3A_2182 = arith.constant 0 : i32
        %broadcast_in_dim3A_2183 = vector.broadcast %broadcast_in_dim3A_2182 : i32 to vector<16xi32>
        %add3A_2184 = vector.broadcast %add3A_2181 : i32 to vector<16xi32>
        %add3A_2185 = arith.addi %broadcast_in_dim3A_2183, %add3A_2184 : vector<16xi32>
        %gather3A_2186 = tpu.vector_load_idx %arg8[%add3A_2185] : memref<6144xf32, #tpu.memory_space<vmem>>[vector<16xi32>], vector<16xf32>,
        %add3A_2187 = arith.constant 21 : i32
        %add3A_2188 = vector.broadcast %add3A_2187 : i32 to vector<16xi32>
        %add3A_2189 = arith.addi %add3A_161, %add3A_2188 : vector<16xi32>
        %gather3A_2190 = tpu.vector_load_idx %arg6[%add3A_2189] : memref<49184xf32, #tpu.memory_space<vmem>>[vector<16xi32>], vector<16xf32>,
        %mul3A_2191 = arith.mulf %gather3A_2190, %gather3A_2186 : vector<16xf32>
        %add3A_2192 = arith.addf %add3A_2169, %mul3A_2191 : vector<16xf32>
        %add3A_2193 = arith.constant 21 : i32
        %add3A_2194 = vector.broadcast %add3A_2193 : i32 to vector<16xi32>
        %add3A_2195 = arith.addi %add3A_187, %add3A_2194 : vector<16xi32>
        %gather3A_2196 = tpu.vector_load_idx %arg6[%add3A_2195] : memref<49184xf32, #tpu.memory_space<vmem>>[vector<16xi32>], vector<16xf32>,
        %mul3A_2197 = arith.mulf %gather3A_2196, %gather3A_2186 : vector<16xf32>
        %add3A_2198 = arith.addf %add3A_2175, %mul3A_2197 : vector<16xf32>
        %add3A_2199 = arith.constant 60 : i32
        %add3A_2200 = arith.addi %mul3A_220, %add3A_2199 : i32
        %add3A_2201 = arith.constant 8 : i32
        %add3A_2202 = arith.addi %add3A_2200, %add3A_2201 : i32
        %add3A_2203 = arith.constant 2 : i32
        %add3A_2204 = arith.addi %add3A_2202, %add3A_2203 : i32
        %broadcast_in_dim3A_2205 = arith.constant 0 : i32
        %broadcast_in_dim3A_2206 = vector.broadcast %broadcast_in_dim3A_2205 : i32 to vector<16xi32>
        %add3A_2207 = vector.broadcast %add3A_2204 : i32 to vector<16xi32>
        %add3A_2208 = arith.addi %broadcast_in_dim3A_2206, %add3A_2207 : vector<16xi32>
        %gather3A_2209 = tpu.vector_load_idx %arg8[%add3A_2208] : memref<6144xf32, #tpu.memory_space<vmem>>[vector<16xi32>], vector<16xf32>,
        %add3A_2210 = arith.constant 22 : i32
        %add3A_2211 = vector.broadcast %add3A_2210 : i32 to vector<16xi32>
        %add3A_2212 = arith.addi %add3A_161, %add3A_2211 : vector<16xi32>
        %gather3A_2213 = tpu.vector_load_idx %arg6[%add3A_2212] : memref<49184xf32, #tpu.memory_space<vmem>>[vector<16xi32>], vector<16xf32>,
        %mul3A_2214 = arith.mulf %gather3A_2213, %gather3A_2209 : vector<16xf32>
        %add3A_2215 = arith.addf %add3A_2192, %mul3A_2214 : vector<16xf32>
        %add3A_2216 = arith.constant 22 : i32
        %add3A_2217 = vector.broadcast %add3A_2216 : i32 to vector<16xi32>
        %add3A_2218 = arith.addi %add3A_187, %add3A_2217 : vector<16xi32>
        %gather3A_2219 = tpu.vector_load_idx %arg6[%add3A_2218] : memref<49184xf32, #tpu.memory_space<vmem>>[vector<16xi32>], vector<16xf32>,
        %mul3A_2220 = arith.mulf %gather3A_2219, %gather3A_2209 : vector<16xf32>
        %add3A_2221 = arith.addf %add3A_2198, %mul3A_2220 : vector<16xf32>
        %add3A_2222 = arith.constant 60 : i32
        %add3A_2223 = arith.addi %mul3A_220, %add3A_2222 : i32
        %add3A_2224 = arith.constant 8 : i32
        %add3A_2225 = arith.addi %add3A_2223, %add3A_2224 : i32
        %add3A_2226 = arith.constant 3 : i32
        %add3A_2227 = arith.addi %add3A_2225, %add3A_2226 : i32
        %broadcast_in_dim3A_2228 = arith.constant 0 : i32
        %broadcast_in_dim3A_2229 = vector.broadcast %broadcast_in_dim3A_2228 : i32 to vector<16xi32>
        %add3A_2230 = vector.broadcast %add3A_2227 : i32 to vector<16xi32>
        %add3A_2231 = arith.addi %broadcast_in_dim3A_2229, %add3A_2230 : vector<16xi32>
        %gather3A_2232 = tpu.vector_load_idx %arg8[%add3A_2231] : memref<6144xf32, #tpu.memory_space<vmem>>[vector<16xi32>], vector<16xf32>,
        %add3A_2233 = arith.constant 23 : i32
        %add3A_2234 = vector.broadcast %add3A_2233 : i32 to vector<16xi32>
        %add3A_2235 = arith.addi %add3A_161, %add3A_2234 : vector<16xi32>
        %gather3A_2236 = tpu.vector_load_idx %arg6[%add3A_2235] : memref<49184xf32, #tpu.memory_space<vmem>>[vector<16xi32>], vector<16xf32>,
        %mul3A_2237 = arith.mulf %gather3A_2236, %gather3A_2232 : vector<16xf32>
        %add3A_2238 = arith.addf %add3A_2215, %mul3A_2237 : vector<16xf32>
        %add3A_2239 = arith.constant 23 : i32
        %add3A_2240 = vector.broadcast %add3A_2239 : i32 to vector<16xi32>
        %add3A_2241 = arith.addi %add3A_187, %add3A_2240 : vector<16xi32>
        %gather3A_2242 = tpu.vector_load_idx %arg6[%add3A_2241] : memref<49184xf32, #tpu.memory_space<vmem>>[vector<16xi32>], vector<16xf32>,
        %mul3A_2243 = arith.mulf %gather3A_2242, %gather3A_2232 : vector<16xf32>
        %add3A_2244 = arith.addf %add3A_2221, %mul3A_2243 : vector<16xf32>
        %add3A_2245 = arith.constant 72 : i32
        %add3A_2246 = arith.addi %mul3A_220, %add3A_2245 : i32
        %add3A_2247 = arith.constant 8 : i32
        %add3A_2248 = arith.addi %add3A_2246, %add3A_2247 : i32
        %add3A_2249 = arith.constant 0 : i32
        %add3A_2250 = arith.addi %add3A_2248, %add3A_2249 : i32
        %broadcast_in_dim3A_2251 = arith.constant 0 : i32
        %broadcast_in_dim3A_2252 = vector.broadcast %broadcast_in_dim3A_2251 : i32 to vector<16xi32>
        %add3A_2253 = vector.broadcast %add3A_2250 : i32 to vector<16xi32>
        %add3A_2254 = arith.addi %broadcast_in_dim3A_2252, %add3A_2253 : vector<16xi32>
        %gather3A_2255 = tpu.vector_load_idx %arg8[%add3A_2254] : memref<6144xf32, #tpu.memory_space<vmem>>[vector<16xi32>], vector<16xf32>,
        %add3A_2256 = arith.constant 24 : i32
        %add3A_2257 = vector.broadcast %add3A_2256 : i32 to vector<16xi32>
        %add3A_2258 = arith.addi %add3A_161, %add3A_2257 : vector<16xi32>
        %gather3A_2259 = tpu.vector_load_idx %arg6[%add3A_2258] : memref<49184xf32, #tpu.memory_space<vmem>>[vector<16xi32>], vector<16xf32>,
        %mul3A_2260 = arith.mulf %gather3A_2259, %gather3A_2255 : vector<16xf32>
        %add3A_2261 = arith.addf %add3A_1594, %mul3A_2260 : vector<16xf32>
        %add3A_2262 = arith.constant 24 : i32
        %add3A_2263 = vector.broadcast %add3A_2262 : i32 to vector<16xi32>
        %add3A_2264 = arith.addi %add3A_187, %add3A_2263 : vector<16xi32>
        %gather3A_2265 = tpu.vector_load_idx %arg6[%add3A_2264] : memref<49184xf32, #tpu.memory_space<vmem>>[vector<16xi32>], vector<16xf32>,
        %mul3A_2266 = arith.mulf %gather3A_2265, %gather3A_2255 : vector<16xf32>
        %add3A_2267 = arith.addf %add3A_1600, %mul3A_2266 : vector<16xf32>
        %add3A_2268 = arith.constant 72 : i32
        %add3A_2269 = arith.addi %mul3A_220, %add3A_2268 : i32
        %add3A_2270 = arith.constant 8 : i32
        %add3A_2271 = arith.addi %add3A_2269, %add3A_2270 : i32
        %add3A_2272 = arith.constant 1 : i32
        %add3A_2273 = arith.addi %add3A_2271, %add3A_2272 : i32
        %broadcast_in_dim3A_2274 = arith.constant 0 : i32
        %broadcast_in_dim3A_2275 = vector.broadcast %broadcast_in_dim3A_2274 : i32 to vector<16xi32>
        %add3A_2276 = vector.broadcast %add3A_2273 : i32 to vector<16xi32>
        %add3A_2277 = arith.addi %broadcast_in_dim3A_2275, %add3A_2276 : vector<16xi32>
        %gather3A_2278 = tpu.vector_load_idx %arg8[%add3A_2277] : memref<6144xf32, #tpu.memory_space<vmem>>[vector<16xi32>], vector<16xf32>,
        %add3A_2279 = arith.constant 25 : i32
        %add3A_2280 = vector.broadcast %add3A_2279 : i32 to vector<16xi32>
        %add3A_2281 = arith.addi %add3A_161, %add3A_2280 : vector<16xi32>
        %gather3A_2282 = tpu.vector_load_idx %arg6[%add3A_2281] : memref<49184xf32, #tpu.memory_space<vmem>>[vector<16xi32>], vector<16xf32>,
        %mul3A_2283 = arith.mulf %gather3A_2282, %gather3A_2278 : vector<16xf32>
        %add3A_2284 = arith.addf %add3A_2261, %mul3A_2283 : vector<16xf32>
        %add3A_2285 = arith.constant 25 : i32
        %add3A_2286 = vector.broadcast %add3A_2285 : i32 to vector<16xi32>
        %add3A_2287 = arith.addi %add3A_187, %add3A_2286 : vector<16xi32>
        %gather3A_2288 = tpu.vector_load_idx %arg6[%add3A_2287] : memref<49184xf32, #tpu.memory_space<vmem>>[vector<16xi32>], vector<16xf32>,
        %mul3A_2289 = arith.mulf %gather3A_2288, %gather3A_2278 : vector<16xf32>
        %add3A_2290 = arith.addf %add3A_2267, %mul3A_2289 : vector<16xf32>
        %add3A_2291 = arith.constant 72 : i32
        %add3A_2292 = arith.addi %mul3A_220, %add3A_2291 : i32
        %add3A_2293 = arith.constant 8 : i32
        %add3A_2294 = arith.addi %add3A_2292, %add3A_2293 : i32
        %add3A_2295 = arith.constant 2 : i32
        %add3A_2296 = arith.addi %add3A_2294, %add3A_2295 : i32
        %broadcast_in_dim3A_2297 = arith.constant 0 : i32
        %broadcast_in_dim3A_2298 = vector.broadcast %broadcast_in_dim3A_2297 : i32 to vector<16xi32>
        %add3A_2299 = vector.broadcast %add3A_2296 : i32 to vector<16xi32>
        %add3A_2300 = arith.addi %broadcast_in_dim3A_2298, %add3A_2299 : vector<16xi32>
        %gather3A_2301 = tpu.vector_load_idx %arg8[%add3A_2300] : memref<6144xf32, #tpu.memory_space<vmem>>[vector<16xi32>], vector<16xf32>,
        %add3A_2302 = arith.constant 26 : i32
        %add3A_2303 = vector.broadcast %add3A_2302 : i32 to vector<16xi32>
        %add3A_2304 = arith.addi %add3A_161, %add3A_2303 : vector<16xi32>
        %gather3A_2305 = tpu.vector_load_idx %arg6[%add3A_2304] : memref<49184xf32, #tpu.memory_space<vmem>>[vector<16xi32>], vector<16xf32>,
        %mul3A_2306 = arith.mulf %gather3A_2305, %gather3A_2301 : vector<16xf32>
        %add3A_2307 = arith.addf %add3A_2284, %mul3A_2306 : vector<16xf32>
        %add3A_2308 = arith.constant 26 : i32
        %add3A_2309 = vector.broadcast %add3A_2308 : i32 to vector<16xi32>
        %add3A_2310 = arith.addi %add3A_187, %add3A_2309 : vector<16xi32>
        %gather3A_2311 = tpu.vector_load_idx %arg6[%add3A_2310] : memref<49184xf32, #tpu.memory_space<vmem>>[vector<16xi32>], vector<16xf32>,
        %mul3A_2312 = arith.mulf %gather3A_2311, %gather3A_2301 : vector<16xf32>
        %add3A_2313 = arith.addf %add3A_2290, %mul3A_2312 : vector<16xf32>
        %add3A_2314 = arith.constant 72 : i32
        %add3A_2315 = arith.addi %mul3A_220, %add3A_2314 : i32
        %add3A_2316 = arith.constant 8 : i32
        %add3A_2317 = arith.addi %add3A_2315, %add3A_2316 : i32
        %add3A_2318 = arith.constant 3 : i32
        %add3A_2319 = arith.addi %add3A_2317, %add3A_2318 : i32
        %broadcast_in_dim3A_2320 = arith.constant 0 : i32
        %broadcast_in_dim3A_2321 = vector.broadcast %broadcast_in_dim3A_2320 : i32 to vector<16xi32>
        %add3A_2322 = vector.broadcast %add3A_2319 : i32 to vector<16xi32>
        %add3A_2323 = arith.addi %broadcast_in_dim3A_2321, %add3A_2322 : vector<16xi32>
        %gather3A_2324 = tpu.vector_load_idx %arg8[%add3A_2323] : memref<6144xf32, #tpu.memory_space<vmem>>[vector<16xi32>], vector<16xf32>,
        %add3A_2325 = arith.constant 27 : i32
        %add3A_2326 = vector.broadcast %add3A_2325 : i32 to vector<16xi32>
        %add3A_2327 = arith.addi %add3A_161, %add3A_2326 : vector<16xi32>
        %gather3A_2328 = tpu.vector_load_idx %arg6[%add3A_2327] : memref<49184xf32, #tpu.memory_space<vmem>>[vector<16xi32>], vector<16xf32>,
        %mul3A_2329 = arith.mulf %gather3A_2328, %gather3A_2324 : vector<16xf32>
        %add3A_2330 = arith.addf %add3A_2307, %mul3A_2329 : vector<16xf32>
        %add3A_2331 = arith.constant 27 : i32
        %add3A_2332 = vector.broadcast %add3A_2331 : i32 to vector<16xi32>
        %add3A_2333 = arith.addi %add3A_187, %add3A_2332 : vector<16xi32>
        %gather3A_2334 = tpu.vector_load_idx %arg6[%add3A_2333] : memref<49184xf32, #tpu.memory_space<vmem>>[vector<16xi32>], vector<16xf32>,
        %mul3A_2335 = arith.mulf %gather3A_2334, %gather3A_2324 : vector<16xf32>
        %add3A_2336 = arith.addf %add3A_2313, %mul3A_2335 : vector<16xf32>
        %add3A_2337 = arith.constant 84 : i32
        %add3A_2338 = arith.addi %mul3A_220, %add3A_2337 : i32
        %add3A_2339 = arith.constant 8 : i32
        %add3A_2340 = arith.addi %add3A_2338, %add3A_2339 : i32
        %add3A_2341 = arith.constant 0 : i32
        %add3A_2342 = arith.addi %add3A_2340, %add3A_2341 : i32
        %broadcast_in_dim3A_2343 = arith.constant 0 : i32
        %broadcast_in_dim3A_2344 = vector.broadcast %broadcast_in_dim3A_2343 : i32 to vector<16xi32>
        %add3A_2345 = vector.broadcast %add3A_2342 : i32 to vector<16xi32>
        %add3A_2346 = arith.addi %broadcast_in_dim3A_2344, %add3A_2345 : vector<16xi32>
        %gather3A_2347 = tpu.vector_load_idx %arg8[%add3A_2346] : memref<6144xf32, #tpu.memory_space<vmem>>[vector<16xi32>], vector<16xf32>,
        %add3A_2348 = arith.constant 28 : i32
        %add3A_2349 = vector.broadcast %add3A_2348 : i32 to vector<16xi32>
        %add3A_2350 = arith.addi %add3A_161, %add3A_2349 : vector<16xi32>
        %gather3A_2351 = tpu.vector_load_idx %arg6[%add3A_2350] : memref<49184xf32, #tpu.memory_space<vmem>>[vector<16xi32>], vector<16xf32>,
        %mul3A_2352 = arith.mulf %gather3A_2351, %gather3A_2347 : vector<16xf32>
        %add3A_2353 = arith.addf %add3A_1686, %mul3A_2352 : vector<16xf32>
        %add3A_2354 = arith.constant 28 : i32
        %add3A_2355 = vector.broadcast %add3A_2354 : i32 to vector<16xi32>
        %add3A_2356 = arith.addi %add3A_187, %add3A_2355 : vector<16xi32>
        %gather3A_2357 = tpu.vector_load_idx %arg6[%add3A_2356] : memref<49184xf32, #tpu.memory_space<vmem>>[vector<16xi32>], vector<16xf32>,
        %mul3A_2358 = arith.mulf %gather3A_2357, %gather3A_2347 : vector<16xf32>
        %add3A_2359 = arith.addf %add3A_1692, %mul3A_2358 : vector<16xf32>
        %add3A_2360 = arith.constant 84 : i32
        %add3A_2361 = arith.addi %mul3A_220, %add3A_2360 : i32
        %add3A_2362 = arith.constant 8 : i32
        %add3A_2363 = arith.addi %add3A_2361, %add3A_2362 : i32
        %add3A_2364 = arith.constant 1 : i32
        %add3A_2365 = arith.addi %add3A_2363, %add3A_2364 : i32
        %broadcast_in_dim3A_2366 = arith.constant 0 : i32
        %broadcast_in_dim3A_2367 = vector.broadcast %broadcast_in_dim3A_2366 : i32 to vector<16xi32>
        %add3A_2368 = vector.broadcast %add3A_2365 : i32 to vector<16xi32>
        %add3A_2369 = arith.addi %broadcast_in_dim3A_2367, %add3A_2368 : vector<16xi32>
        %gather3A_2370 = tpu.vector_load_idx %arg8[%add3A_2369] : memref<6144xf32, #tpu.memory_space<vmem>>[vector<16xi32>], vector<16xf32>,
        %add3A_2371 = arith.constant 29 : i32
        %add3A_2372 = vector.broadcast %add3A_2371 : i32 to vector<16xi32>
        %add3A_2373 = arith.addi %add3A_161, %add3A_2372 : vector<16xi32>
        %gather3A_2374 = tpu.vector_load_idx %arg6[%add3A_2373] : memref<49184xf32, #tpu.memory_space<vmem>>[vector<16xi32>], vector<16xf32>,
        %mul3A_2375 = arith.mulf %gather3A_2374, %gather3A_2370 : vector<16xf32>
        %add3A_2376 = arith.addf %add3A_2353, %mul3A_2375 : vector<16xf32>
        %add3A_2377 = arith.constant 29 : i32
        %add3A_2378 = vector.broadcast %add3A_2377 : i32 to vector<16xi32>
        %add3A_2379 = arith.addi %add3A_187, %add3A_2378 : vector<16xi32>
        %gather3A_2380 = tpu.vector_load_idx %arg6[%add3A_2379] : memref<49184xf32, #tpu.memory_space<vmem>>[vector<16xi32>], vector<16xf32>,
        %mul3A_2381 = arith.mulf %gather3A_2380, %gather3A_2370 : vector<16xf32>
        %add3A_2382 = arith.addf %add3A_2359, %mul3A_2381 : vector<16xf32>
        %add3A_2383 = arith.constant 84 : i32
        %add3A_2384 = arith.addi %mul3A_220, %add3A_2383 : i32
        %add3A_2385 = arith.constant 8 : i32
        %add3A_2386 = arith.addi %add3A_2384, %add3A_2385 : i32
        %add3A_2387 = arith.constant 2 : i32
        %add3A_2388 = arith.addi %add3A_2386, %add3A_2387 : i32
        %broadcast_in_dim3A_2389 = arith.constant 0 : i32
        %broadcast_in_dim3A_2390 = vector.broadcast %broadcast_in_dim3A_2389 : i32 to vector<16xi32>
        %add3A_2391 = vector.broadcast %add3A_2388 : i32 to vector<16xi32>
        %add3A_2392 = arith.addi %broadcast_in_dim3A_2390, %add3A_2391 : vector<16xi32>
        %gather3A_2393 = tpu.vector_load_idx %arg8[%add3A_2392] : memref<6144xf32, #tpu.memory_space<vmem>>[vector<16xi32>], vector<16xf32>,
        %add3A_2394 = arith.constant 30 : i32
        %add3A_2395 = vector.broadcast %add3A_2394 : i32 to vector<16xi32>
        %add3A_2396 = arith.addi %add3A_161, %add3A_2395 : vector<16xi32>
        %gather3A_2397 = tpu.vector_load_idx %arg6[%add3A_2396] : memref<49184xf32, #tpu.memory_space<vmem>>[vector<16xi32>], vector<16xf32>,
        %mul3A_2398 = arith.mulf %gather3A_2397, %gather3A_2393 : vector<16xf32>
        %add3A_2399 = arith.addf %add3A_2376, %mul3A_2398 : vector<16xf32>
        %add3A_2400 = arith.constant 30 : i32
        %add3A_2401 = vector.broadcast %add3A_2400 : i32 to vector<16xi32>
        %add3A_2402 = arith.addi %add3A_187, %add3A_2401 : vector<16xi32>
        %gather3A_2403 = tpu.vector_load_idx %arg6[%add3A_2402] : memref<49184xf32, #tpu.memory_space<vmem>>[vector<16xi32>], vector<16xf32>,
        %mul3A_2404 = arith.mulf %gather3A_2403, %gather3A_2393 : vector<16xf32>
        %add3A_2405 = arith.addf %add3A_2382, %mul3A_2404 : vector<16xf32>
        %add3A_2406 = arith.constant 84 : i32
        %add3A_2407 = arith.addi %mul3A_220, %add3A_2406 : i32
        %add3A_2408 = arith.constant 8 : i32
        %add3A_2409 = arith.addi %add3A_2407, %add3A_2408 : i32
        %add3A_2410 = arith.constant 3 : i32
        %add3A_2411 = arith.addi %add3A_2409, %add3A_2410 : i32
        %broadcast_in_dim3A_2412 = arith.constant 0 : i32
        %broadcast_in_dim3A_2413 = vector.broadcast %broadcast_in_dim3A_2412 : i32 to vector<16xi32>
        %add3A_2414 = vector.broadcast %add3A_2411 : i32 to vector<16xi32>
        %add3A_2415 = arith.addi %broadcast_in_dim3A_2413, %add3A_2414 : vector<16xi32>
        %gather3A_2416 = tpu.vector_load_idx %arg8[%add3A_2415] : memref<6144xf32, #tpu.memory_space<vmem>>[vector<16xi32>], vector<16xf32>,
        %add3A_2417 = arith.constant 31 : i32
        %add3A_2418 = vector.broadcast %add3A_2417 : i32 to vector<16xi32>
        %add3A_2419 = arith.addi %add3A_161, %add3A_2418 : vector<16xi32>
        %gather3A_2420 = tpu.vector_load_idx %arg6[%add3A_2419] : memref<49184xf32, #tpu.memory_space<vmem>>[vector<16xi32>], vector<16xf32>,
        %mul3A_2421 = arith.mulf %gather3A_2420, %gather3A_2416 : vector<16xf32>
        %add3A_2422 = arith.addf %add3A_2399, %mul3A_2421 : vector<16xf32>
        %add3A_2423 = arith.constant 31 : i32
        %add3A_2424 = vector.broadcast %add3A_2423 : i32 to vector<16xi32>
        %add3A_2425 = arith.addi %add3A_187, %add3A_2424 : vector<16xi32>
        %gather3A_2426 = tpu.vector_load_idx %arg6[%add3A_2425] : memref<49184xf32, #tpu.memory_space<vmem>>[vector<16xi32>], vector<16xf32>,
        %mul3A_2427 = arith.mulf %gather3A_2426, %gather3A_2416 : vector<16xf32>
        %add3A_2428 = arith.addf %add3A_2405, %mul3A_2427 : vector<16xf32>
        %mul3A_2429 = arith.constant 256 : i32
        %mul3A_2430 = arith.muli %scan3A_34, %mul3A_2429 : i32
        %add3A_2431 = arith.constant 0 : i32
        %add3A_2432 = arith.addi %mul3A_2430, %add3A_2431 : i32
        %add3A_2433 = arith.constant 0 : i32
        %add3A_2434 = arith.addi %add3A_2432, %add3A_2433 : i32
        %add3A_2435 = vector.broadcast %add3A_2434 : i32 to vector<16xi32>
        %add3A_2436 = arith.addi %mul3A_6, %add3A_2435 : vector<16xi32>
        tpu.vector_store_idx %arg9[%add3A_2436], %add3A_1778 : memref<16384xf32, #tpu.memory_space<vmem>>[vector<16xi32>], vector<16xf32>,
        %add3A_2437 = arith.constant 128 : i32
        %add3A_2438 = arith.addi %mul3A_2430, %add3A_2437 : i32
        %add3A_2439 = arith.constant 0 : i32
        %add3A_2440 = arith.addi %add3A_2438, %add3A_2439 : i32
        %add3A_2441 = vector.broadcast %add3A_2440 : i32 to vector<16xi32>
        %add3A_2442 = arith.addi %mul3A_6, %add3A_2441 : vector<16xi32>
        tpu.vector_store_idx %arg9[%add3A_2442], %add3A_1784 : memref<16384xf32, #tpu.memory_space<vmem>>[vector<16xi32>], vector<16xf32>,
        %add3A_2443 = arith.constant 0 : i32
        %add3A_2444 = arith.addi %mul3A_2430, %add3A_2443 : i32
        %add3A_2445 = arith.constant 1 : i32
        %add3A_2446 = arith.addi %add3A_2444, %add3A_2445 : i32
        %add3A_2447 = vector.broadcast %add3A_2446 : i32 to vector<16xi32>
        %add3A_2448 = arith.addi %mul3A_6, %add3A_2447 : vector<16xi32>
        tpu.vector_store_idx %arg9[%add3A_2448], %add3A_1870 : memref<16384xf32, #tpu.memory_space<vmem>>[vector<16xi32>], vector<16xf32>,
        %add3A_2449 = arith.constant 128 : i32
        %add3A_2450 = arith.addi %mul3A_2430, %add3A_2449 : i32
        %add3A_2451 = arith.constant 1 : i32
        %add3A_2452 = arith.addi %add3A_2450, %add3A_2451 : i32
        %add3A_2453 = vector.broadcast %add3A_2452 : i32 to vector<16xi32>
        %add3A_2454 = arith.addi %mul3A_6, %add3A_2453 : vector<16xi32>
        tpu.vector_store_idx %arg9[%add3A_2454], %add3A_1876 : memref<16384xf32, #tpu.memory_space<vmem>>[vector<16xi32>], vector<16xf32>,
        %add3A_2455 = arith.constant 0 : i32
        %add3A_2456 = arith.addi %mul3A_2430, %add3A_2455 : i32
        %add3A_2457 = arith.constant 2 : i32
        %add3A_2458 = arith.addi %add3A_2456, %add3A_2457 : i32
        %add3A_2459 = vector.broadcast %add3A_2458 : i32 to vector<16xi32>
        %add3A_2460 = arith.addi %mul3A_6, %add3A_2459 : vector<16xi32>
        tpu.vector_store_idx %arg9[%add3A_2460], %add3A_1962 : memref<16384xf32, #tpu.memory_space<vmem>>[vector<16xi32>], vector<16xf32>,
        %add3A_2461 = arith.constant 128 : i32
        %add3A_2462 = arith.addi %mul3A_2430, %add3A_2461 : i32
        %add3A_2463 = arith.constant 2 : i32
        %add3A_2464 = arith.addi %add3A_2462, %add3A_2463 : i32
        %add3A_2465 = vector.broadcast %add3A_2464 : i32 to vector<16xi32>
        %add3A_2466 = arith.addi %mul3A_6, %add3A_2465 : vector<16xi32>
        tpu.vector_store_idx %arg9[%add3A_2466], %add3A_1968 : memref<16384xf32, #tpu.memory_space<vmem>>[vector<16xi32>], vector<16xf32>,
        %add3A_2467 = arith.constant 0 : i32
        %add3A_2468 = arith.addi %mul3A_2430, %add3A_2467 : i32
        %add3A_2469 = arith.constant 3 : i32
        %add3A_2470 = arith.addi %add3A_2468, %add3A_2469 : i32
        %add3A_2471 = vector.broadcast %add3A_2470 : i32 to vector<16xi32>
        %add3A_2472 = arith.addi %mul3A_6, %add3A_2471 : vector<16xi32>
        tpu.vector_store_idx %arg9[%add3A_2472], %add3A_2054 : memref<16384xf32, #tpu.memory_space<vmem>>[vector<16xi32>], vector<16xf32>,
        %add3A_2473 = arith.constant 128 : i32
        %add3A_2474 = arith.addi %mul3A_2430, %add3A_2473 : i32
        %add3A_2475 = arith.constant 3 : i32
        %add3A_2476 = arith.addi %add3A_2474, %add3A_2475 : i32
        %add3A_2477 = vector.broadcast %add3A_2476 : i32 to vector<16xi32>
        %add3A_2478 = arith.addi %mul3A_6, %add3A_2477 : vector<16xi32>
        tpu.vector_store_idx %arg9[%add3A_2478], %add3A_2060 : memref<16384xf32, #tpu.memory_space<vmem>>[vector<16xi32>], vector<16xf32>,
        %add3A_2479 = arith.constant 0 : i32
        %add3A_2480 = arith.addi %mul3A_2430, %add3A_2479 : i32
        %add3A_2481 = arith.constant 4 : i32
        %add3A_2482 = arith.addi %add3A_2480, %add3A_2481 : i32
        %add3A_2483 = vector.broadcast %add3A_2482 : i32 to vector<16xi32>
        %add3A_2484 = arith.addi %mul3A_6, %add3A_2483 : vector<16xi32>
        tpu.vector_store_idx %arg9[%add3A_2484], %add3A_2146 : memref<16384xf32, #tpu.memory_space<vmem>>[vector<16xi32>], vector<16xf32>,
        %add3A_2485 = arith.constant 128 : i32
        %add3A_2486 = arith.addi %mul3A_2430, %add3A_2485 : i32
        %add3A_2487 = arith.constant 4 : i32
        %add3A_2488 = arith.addi %add3A_2486, %add3A_2487 : i32
        %add3A_2489 = vector.broadcast %add3A_2488 : i32 to vector<16xi32>
        %add3A_2490 = arith.addi %mul3A_6, %add3A_2489 : vector<16xi32>
        tpu.vector_store_idx %arg9[%add3A_2490], %add3A_2152 : memref<16384xf32, #tpu.memory_space<vmem>>[vector<16xi32>], vector<16xf32>,
        %add3A_2491 = arith.constant 0 : i32
        %add3A_2492 = arith.addi %mul3A_2430, %add3A_2491 : i32
        %add3A_2493 = arith.constant 5 : i32
        %add3A_2494 = arith.addi %add3A_2492, %add3A_2493 : i32
        %add3A_2495 = vector.broadcast %add3A_2494 : i32 to vector<16xi32>
        %add3A_2496 = arith.addi %mul3A_6, %add3A_2495 : vector<16xi32>
        tpu.vector_store_idx %arg9[%add3A_2496], %add3A_2238 : memref<16384xf32, #tpu.memory_space<vmem>>[vector<16xi32>], vector<16xf32>,
        %add3A_2497 = arith.constant 128 : i32
        %add3A_2498 = arith.addi %mul3A_2430, %add3A_2497 : i32
        %add3A_2499 = arith.constant 5 : i32
        %add3A_2500 = arith.addi %add3A_2498, %add3A_2499 : i32
        %add3A_2501 = vector.broadcast %add3A_2500 : i32 to vector<16xi32>
        %add3A_2502 = arith.addi %mul3A_6, %add3A_2501 : vector<16xi32>
        tpu.vector_store_idx %arg9[%add3A_2502], %add3A_2244 : memref<16384xf32, #tpu.memory_space<vmem>>[vector<16xi32>], vector<16xf32>,
        %add3A_2503 = arith.constant 0 : i32
        %add3A_2504 = arith.addi %mul3A_2430, %add3A_2503 : i32
        %add3A_2505 = arith.constant 6 : i32
        %add3A_2506 = arith.addi %add3A_2504, %add3A_2505 : i32
        %add3A_2507 = vector.broadcast %add3A_2506 : i32 to vector<16xi32>
        %add3A_2508 = arith.addi %mul3A_6, %add3A_2507 : vector<16xi32>
        tpu.vector_store_idx %arg9[%add3A_2508], %add3A_2330 : memref<16384xf32, #tpu.memory_space<vmem>>[vector<16xi32>], vector<16xf32>,
        %add3A_2509 = arith.constant 128 : i32
        %add3A_2510 = arith.addi %mul3A_2430, %add3A_2509 : i32
        %add3A_2511 = arith.constant 6 : i32
        %add3A_2512 = arith.addi %add3A_2510, %add3A_2511 : i32
        %add3A_2513 = vector.broadcast %add3A_2512 : i32 to vector<16xi32>
        %add3A_2514 = arith.addi %mul3A_6, %add3A_2513 : vector<16xi32>
        tpu.vector_store_idx %arg9[%add3A_2514], %add3A_2336 : memref<16384xf32, #tpu.memory_space<vmem>>[vector<16xi32>], vector<16xf32>,
        %add3A_2515 = arith.constant 0 : i32
        %add3A_2516 = arith.addi %mul3A_2430, %add3A_2515 : i32
        %add3A_2517 = arith.constant 7 : i32
        %add3A_2518 = arith.addi %add3A_2516, %add3A_2517 : i32
        %add3A_2519 = vector.broadcast %add3A_2518 : i32 to vector<16xi32>
        %add3A_2520 = arith.addi %mul3A_6, %add3A_2519 : vector<16xi32>
        tpu.vector_store_idx %arg9[%add3A_2520], %add3A_2422 : memref<16384xf32, #tpu.memory_space<vmem>>[vector<16xi32>], vector<16xf32>,
        %add3A_2521 = arith.constant 128 : i32
        %add3A_2522 = arith.addi %mul3A_2430, %add3A_2521 : i32
        %add3A_2523 = arith.constant 7 : i32
        %add3A_2524 = arith.addi %add3A_2522, %add3A_2523 : i32
        %add3A_2525 = vector.broadcast %add3A_2524 : i32 to vector<16xi32>
        %add3A_2526 = arith.addi %mul3A_6, %add3A_2525 : vector<16xi32>
        tpu.vector_store_idx %arg9[%add3A_2526], %add3A_2428 : memref<16384xf32, #tpu.memory_space<vmem>>[vector<16xi32>], vector<16xf32>,
        %scan3A_2527 = arith.constant 0 : i32
        scf.yield %scan3A_2527 : i32
      }
      %scan3A_30 = arith.constant 64 : i32
      %mul3A_31 = arith.constant 256 : i32
      %mul3A_32 = arith.muli %add3A_19, %mul3A_31 : i32
      "tpu.region"() ({
        %run_scoped3A = tpu.sem_alloc : memref<!tpu.dma_semaphore, #tpu.memory_space<semaphore_mem>>
        %dma_start3A = tpu.memref_slice %arg5[%mul3A_32] : memref<16777216xf32, #tpu.memory_space<hbm>> -> memref<16384xf32, #tpu.memory_space<hbm>>
        %dma_start3A_34 = tpu.memref_slice %arg5[%mul3A_32] : memref<16777216xf32, #tpu.memory_space<hbm>> -> memref<16384xf32, #tpu.memory_space<hbm>>
        tpu.enqueue_dma source(%arg9 : memref<16384xf32, #tpu.memory_space<vmem>>) target(%dma_start3A_34 : memref<16384xf32, #tpu.memory_space<hbm>>) target_semaphore(%run_scoped3A : memref<!tpu.dma_semaphore, #tpu.memory_space<semaphore_mem>>)
        %dma_wait3A = tpu.memref_slice %arg5[%mul3A_32] : memref<16777216xf32, #tpu.memory_space<hbm>> -> memref<16384xf32, #tpu.memory_space<hbm>>
        %dma_wait3A_35 = tpu.memref_slice %arg5[%mul3A_32] : memref<16777216xf32, #tpu.memory_space<hbm>> -> memref<16384xf32, #tpu.memory_space<hbm>>
        tpu.wait_dma2 semaphore(%run_scoped3A : memref<!tpu.dma_semaphore, #tpu.memory_space<semaphore_mem>>) src(%arg9 : memref<16384xf32, #tpu.memory_space<vmem>>) dst(%dma_wait3A_35 : memref<16384xf32, #tpu.memory_space<hbm>>)
        tpu.yield
      }) : () -> ()
      %scan3A_33 = arith.constant 0 : i32
      scf.yield %scan3A_33 : i32
    }
    %scan3A_12 = arith.constant 32 : i32
    return
  }
}

</mosaic_0001>

<sc_bundles>
// kernel: _run.3.cloned.1.call-start
scs
__scs_entry_jumppad:
0x0: {  	(pc) =	sbr.rel $0x88, $3  }
0x1: {  	(tag) =	ssettag $0x0;
	lr =	simm.s32 $0x1  }
0x2: {  	[smem:$0x3F9E] =	sst lr;
	_ =	strace $0xD0000000  }
0x3: {  	_ = 	snop  }
0x4: {  	_ = 	snop  }
0x5: {  	_ = 	snop  }
0x6: {  	_ = 	snop  }
0x7: {  	_ = 	snop  }
__scs_overlays_trampoline_lowered:
0x8: {  	[smem:$0x3FAD] =	sst s0  }
0x9: {  	[smem:$0x3FAE] =	sst s1  }
0xa: {  	[smem:$0x3FAF] =	sst s2  }
0xb: {  	[smem:$0x3FB0] =	sst s3  }
0xc: {  	[smem:$0x3FB1] =	sst s4  }
0xd: {  	[smem:$0x3FB2] =	sst s5  }
0xe: {  	[smem:$0x3FB3] =	sst s6  }
0xf: {  	[smem:$0x3FB4] =	sst s7  }
0x10: {  	[smem:$0x3FB5] =	sst s8  }
0x11: {  	[smem:$0x3FB6] =	sst s9;
	s0 =	simm.s32 @!p0 $0x0  }
0x12: {  	s1 =	sld [smem:$0x3F9C];
	s0 =	simm.s32 @p0 $0x1  }
0x13: {  	[smem:$0x3FB7] =	sst s0;
	s0 =	simm.s32 @!p1 $0x0  }
0x14: {  	s2 =	sld [smem:$0x3F9B];
	s0 =	simm.s32 @p1 $0x1  }
0x15: {  	[smem:$0x3FB8] =	sst s0;
	s0 =	simm.s32 @!p2 $0x0  }
0x16: {  	s3 =	sld [smem:$0x3FDB];
	s0 =	simm.s32 @p2 $0x1  }
0x17: {  	s4 =	simm.s32 $0x1BF5;
	[smem:$0x3FBA] =	sst s0  }
0x18: {  	s0 =	sld [smem:$0x3F9D];
	_ =	swait.ge [sflag:s4], $0x0  }
0x19: {  	s7 =	sld [smem:$0x3F9E]  }
0x1a: {  	s8 =	sadd.s32 $0xFFFFE003, lr  }
0x1b: {  	s9 =	sadd.s32 $0xFFFFFEF7, lr;
	s5 =	simm.s32 $0xFFFFFFFF;
	p2 =	slt.u32 s8, $0xFFFFF086  }
0x1c: {  	p1 =	slt.u32 s9, $0xF7A;
	s5 =	simm.s32 @!p2 $0x0  }
0x1d: {  	s5 =	simm.s32 @p1 $0x1;
	p0 =	seq.s32 s7, s2  }
0x1e: {  	s7 =	smul.u32 @!p0 $0xF7A, s2;
	p2 =	seq.s32 @!p0 s5, $0x0  }
0x1f: {  	s9 =	smul.u32 $0xF7A, s1;
	s8 =	simm.s32 @!p0 $0x1BF5;
	p2 =	por !p2, p0  }
0x20: {  	[sflag:s8] =	ssyncset.s32 @!p0 $0xFFFFF086;
	s6 =	sadd.s32 @!p0 s3, s7;
	s7 =	simm.s32 @!p0 $0x108  }
0x21: {  	s3 =	sadd.s32 s3, s9;
	s6 =	sadd.s32 @!p0 $0x88, s6;
	s7 =	simm.s32 @p2 $0x1082  }
0x22: {  	[simem:s7], [sflag:s8] =	dma.local @!p0 [hbm:s6], $0xF7A  }
0x23: {  	s9 =	sor.u32 $0xD0000000, s2;
	s6 =	simm.s32 $0x108;
	_ =	swait.ge @!p0 [sflag:s8], $0x0  }
0x24: {  	s3 =	sadd.s32 $0x88, s3;
	s6 =	simm.s32 @!p1 $0x1082;
	[sflag:s4] =	ssyncset.s32 $0xFFFFF086  }
0x25: {  	[simem:s6], [sflag:s4] =	dma.local [hbm:s3], $0xF7A  }
0x26: {  	[smem:$0x3F9E] =	sst s1;
	(tag) =	ssettag s2;
	_ =	strace s9  }
0x27: {  	s1 =	sld [smem:$0x3FAE]  }
0x28: {  	s2 =	sld [smem:$0x3FAF]  }
0x29: {  	s4 =	sld [smem:$0x3FB1]  }
0x2a: {  	p0 =	seq.s32 s5, $0x0;
	s5 =	sld [smem:$0x3FB2]  }
0x2b: {  	s6 =	sld [smem:$0x3FB3]  }
0x2c: {  	s7 =	sld [smem:$0x3FB4]  }
0x2d: {  	s3 =	simm.s32 $0x108;
	s8 =	sld [smem:$0x3FB5]  }
0x2e: {  	s3 =	simm.s32 @!p0 $0x1082;
	s9 =	sld [smem:$0x3FB6]  }
0x2f: {  	lr =	sadd.s32 s0, s3;
	s0 =	sld [smem:$0x3FAD]  }
0x30: {  	s3 =	sld [smem:$0x3FB0]  }
0x31: {  	[smem:$0x3FB9] =	sst s10  }
0x32: {  	s10 =	sld [smem:$0x3FB7];
	_ =	sdelay $0x3  }
0x33: {  	p0 =	seq.s32 s10, $0x1;
	s10 =	sld [smem:$0x3FB9];
	_ =	sdelay $0x3  }
0x34: {  	[smem:$0x3FB9] =	sst s10  }
0x35: {  	s10 =	sld [smem:$0x3FB8];
	_ =	sdelay $0x3  }
0x36: {  	p1 =	seq.s32 s10, $0x1;
	s10 =	sld [smem:$0x3FB9];
	_ =	sdelay $0x3  }
0x37: {  	[smem:$0x3FB9] =	sst s10  }
0x38: {  	s10 =	sld [smem:$0x3FBA]  }
0x39: {  	_ = 	snop;
	(pc) =	sbr.ind lr, $3  }
0x3a: {  	_ = 	snop  }
0x3b: {  	_ = 	snop  }
0x3c: {  	p2 =	seq.s32 s10, $0x1;
	s10 =	sld [smem:$0x3FB9]  }
0x3d: {  	_ =	shalt  }
0x3e: {  	_ =	shalt  }
0x3f: {  	_ =	shalt  }
0x40: {  	_ =	shalt  }
0x41: {  	_ =	shalt  }
0x42: {  	_ =	shalt  }
0x43: {  	_ =	shalt  }
0x44: {  	_ =	shalt  }
0x45: {  	_ =	shalt  }
0x46: {  	_ =	shalt  }
0x47: {  	_ =	shalt  }
0x48: {  	_ =	shalt  }
0x49: {  	_ =	shalt  }
0x4a: {  	_ =	shalt  }
0x4b: {  	_ =	shalt  }
0x4c: {  	_ =	shalt  }
0x4d: {  	_ =	shalt  }
0x4e: {  	_ =	shalt  }
0x4f: {  	_ =	shalt  }
0x50: {  	_ =	shalt  }
0x51: {  	_ =	shalt  }
0x52: {  	_ =	shalt  }
0x53: {  	_ =	shalt  }
0x54: {  	_ =	shalt  }
0x55: {  	_ =	shalt  }
0x56: {  	_ =	shalt  }
0x57: {  	_ =	shalt  }
0x58: {  	_ =	shalt  }
0x59: {  	_ =	shalt  }
0x5a: {  	_ =	shalt  }
0x5b: {  	_ =	shalt  }
0x5c: {  	_ =	shalt  }
0x5d: {  	_ =	shalt  }
0x5e: {  	_ =	shalt  }
0x5f: {  	_ =	shalt  }
0x60: {  	_ =	shalt  }
0x61: {  	_ =	shalt  }
0x62: {  	_ =	shalt  }
0x63: {  	_ =	shalt  }
0x64: {  	_ =	shalt  }
0x65: {  	_ =	shalt  }
0x66: {  	_ =	shalt  }
0x67: {  	_ =	shalt  }
0x68: {  	_ =	shalt  }
0x69: {  	_ =	shalt  }
0x6a: {  	_ =	shalt  }
0x6b: {  	_ =	shalt  }
0x6c: {  	_ =	shalt  }
0x6d: {  	_ =	shalt  }
0x6e: {  	_ =	shalt  }
0x6f: {  	_ =	shalt  }
0x70: {  	_ =	shalt  }
0x71: {  	_ =	shalt  }
0x72: {  	_ =	shalt  }
0x73: {  	_ =	shalt  }
0x74: {  	_ =	shalt  }
0x75: {  	_ =	shalt  }
0x76: {  	_ =	shalt  }
0x77: {  	_ =	shalt  }
0x78: {  	_ =	shalt  }
0x79: {  	_ =	shalt  }
0x7a: {  	_ =	shalt  }
0x7b: {  	_ =	shalt  }
0x7c: {  	_ =	shalt  }
0x7d: {  	_ =	shalt  }
0x7e: {  	_ =	shalt  }
0x7f: {  	_ =	shalt  }
0x80: {  	_ =	shalt  }
0x81: {  	_ =	shalt  }
0x82: {  	_ =	shalt  }
0x83: {  	_ =	shalt  }
0x84: {  	_ =	shalt  }
0x85: {  	_ =	shalt  }
0x86: {  	_ =	shalt  }
0x87: {  	_ =	shalt  }
.Lfunc_end0:
.L_simem_size_0:
called_computation_lowered:
.L_overlay_start_0:
0x88: {  	s2 =	sld [smem:$0x3FD9]  }
0x89: {  	s3 =	sld [smem:$0x3FFE];
	_ =	sdelay $0x1  }
0x8a: {  	s1 =	srdreg.scid  }
0x8b: {  	s0 =	sand.u32 $0x1, s1  }
0x8c: {  	s18 =	sshll.u32 s0, $0xA;
	s2 =	sadd.s32 s3, s2  }
0x8d: {  	s2 =	sadd.s32 s2, s18  }
0x8e: {  	[smem:$0x3FC5] =	sst s2  }
0x8f: {  	_ = 	snop  }
0x90: {  	s2 =	sld [smem:$0x3FC9]  }
0x91: {  	s19 =	sld [smem:$0x3FC8]  }
0x92: {  	s4 =	sld [smem:$0x3FC7]  }
0x93: {  	s5 =	sld [smem:$0x3FD0];
	(tm) =	ssettm $0x1  }
0x94: {  	s6 =	sld [smem:$0x3FFB];
	_ =	sdelay $0x3  }
0x95: {  	_ =	strace s6  }
0x96: {  	s6 =	sld [smem:$0x3FFC];
	_ =	sdelay $0x3  }
0x97: {  	_ =	strace s6  }
0x98: {  	s6 =	sld [smem:$0x3FFD];
	_ =	sdelay $0x3  }
0x99: {  	_ =	strace s6  }
0x9a: {  	_ =	strace $0x8FFFFFFF  }
0x9b: {  	s20 =	sld [smem:$0x3FDB];
	_ =	sdelay $0x1  }
0x9c: {  	s7 =	simm.s32 $_scs_section_size  }
0x9d: {  	s8 =	simm.s32 $_size__tile_overlayer_lowered;
	s9 =	simm.s32 $_tile_overlayer_lowered  }
0x9e: {  	s23 =	simm.s32 $0x1BFF;
	s22 =	sshll.u32 s9, $0x1;
	s6 =	sadd.s32 s7, s20  }
0x9f: {  	s10 =	simm.s32 $0x0;
	s21 =	sshll.u32 s8, $0x1;
	s8 =	sadd.s32 s22, s6  }
0xa0: {  	[timem:s10], [sflag:s23] =	dma.local [hbm:s8], s21  }
0xa1: {  	_ =	swait.ge [sflag:s23], s21  }
0xa2: {  	s7 =	ssub.s32 $0x0, s21;
	[sflag:s23] =	ssyncset.done $0x0  }
0xa3: {  	[sflag:s23] =	ssyncadd.s32 s7;
	_ =	sdelay $0x1  }
0xa4: {  	s24 =	simm.s32 $0x1B8B  }
0xa5: {  	_ =	swait.ge [sflag:s24], $0x1  }
0xa6: {  	[sflag:s24] =	ssyncset.done $0x0  }
0xa7: {  	s25 =	simm.s32 $0x1B8E;
	[sflag:s24] =	ssyncadd.s32 $0xFFFFFFFF  }
0xa8: {  	s26 =	simm.s32 $execute0_lowered;
	[smem:$0x3FD2] =	sst s25  }
0xa9: {  	s7 =	sshll.u32 s26, $0x1;
	_ =	strace $0x80000046;
	[dreg:$0x1] =	wrdreg $0xFFFFFFFF  }
0xaa: {  	s28 =	simm.s32 $_size_execute0_lowered;
	s6 =	sadd.s32 s6, s7;
	[dreg:$0x0] =	wrdreg $0x0  }
0xab: {  	s7 =	sshll.u32 s28, $0x1;
	[dreg:$0x2] =	wrdreg s6  }
0xac: {  	[dreg:$0x3] =	wrdreg s7  }
0xad: {  	[dreg:$0x4] =	wrdreg $0xC0  }
0xae: {  	_ =	task [dreg:s10], $0x5FFFF  }
0xaf: {  	[dreg:$0x1] =	wrdreg $0xFFFFFFFF  }
0xb0: {  	[dreg:$0x0] =	wrdreg $0x60  }
0xb1: {  	[dreg:$0x2] =	wrdreg s2  }
0xb2: {  	[dreg:$0x3] =	wrdreg s19  }
0xb3: {  	[dreg:$0x4] =	wrdreg s4  }
0xb4: {  	[dreg:$0x5] =	wrdreg s5  }
0xb5: {  	[dreg:$0x6] =	wrdreg $0x9  }
0xb6: {  	_ =	task.clear_ibuf [dreg:s10], $0x7FFFF;
	_ =	strace $0x90000046  }
0xb7: {  	s29 =	simm.s32 $0x9;
	_ =	strace $0x80000048  }
0xb8: {  	_ =	swait.ge [sflag:s29], $0x1  }
0xb9: {  	[sflag:s29] =	ssyncadd.s32 $0xFFFFFFFF  }
0xba: {  	_ =	strace $0x90000048  }
0xbb: {  	_ =	sfence  }
0xbc: {  	s30 =	sld [smem:$0x0];
	_ =	sdelay $0x2  }
0xbd: {  	s31 =	sshll.u32 s1, $0xD;
	s1 =	sshrl.u32 s1, $0x2  }
0xbe: {  	s3 =	sand.u32 $0x4000, s31;
	s1 =	sadd.s32 s1, s30  }
0xbf: {  	s0 =	sor.u32 s3, s0;
	s1 =	sshll.u32 s1, $0x11  }
0xc0: {  	s0 =	sor.u32 s1, s0  }
0xc1: {  	s0 =	sadd.s32 $0x8F2B, s0  }
0xc2: {  	[sflag:s0] =	ssyncadd.remote.s32 $0x1  }
0xc3: {  	_ =	sfence.sel $0xFFFF  }
0xc4: {  	[dreg:$0x0] =	wrdreg $0xFFFFFFFF;
	(pc) =	sbr.abs _section_cstart, $3  }
0xc5: {  	[dreg:$0x1] =	wrdreg $0xFFFFFFFF  }
0xc6: {  	_ =	task.clear_ibuf [dreg:s10], $0x2FFFF;
	_ =	strace $0x9FFFFFFF  }
0xc7: {  	(tm) =	ssettm $0x7FFFFFFF  }
tec
execute0_lowered:
.L_overlay_start_1:
0x0: {  	(tag) =	ssettag $0x1  }
0x1: {  	s1 =	rddreg [dreg:$0x0]  }
0x2: {  	s2 =	rddreg [dreg:$0x1]  }
0x3: {  	s3 =	rddreg [dreg:$0x2]  }
0x4: {  	s4 =	rddreg [dreg:$0x3];
	s5 =	simm.s32 $0x0  }
0x5: {  	[smem:$0x7FF] =	sst s5  }
0x6: {  	s0 =	rddreg [dreg:$0x4];
	v0 =	vimm.f32 $4.000000060e-01;
	_ =	strace $0x80000047  }
0x7: {  	(erf) = vrcp.f32 v0;
	_ =	sdelay $0x3  }
0x8: {  	s6 =	srdreg.scid;
	v1 =	vlaneseq.u32  }
0x9: {  	s11 =	simm.s32 $0xD880;
	s7 =	sand.u32 $0x1, s6;
	v0 =	vmul.u32 $0x8, v1  }
0xa: {  	v2 =	vimm.s32 $0x0;
	vm0 =	vcmask $0x300;
	s12 =	simm.s32 $0xF080;
	s6 =	stileid.u32;
	s8 =	ssub.s32 $0x2, s7  }
0xb: {  	v2 =	vsel vm0, $0x7, v2;
	s10 =	sshll.u32 s6, $0xC;
	s7 =	sshll.u32 s7, $0xB;
	s9 =	sshrl.u32 s8, $0x1;
	v1 =	vmul.u32 $0x3, v1;
	v3 =	vor.u32 $0x1, v0  }
0xc: {  	s13 =	simm.s32 $0x0;
	s7 =	sor.u32 s7, s10;
	s8 =	ssub.s32 s8, s9;
	v4 =	vor.u32 $0x2, v0;
	v5 =	vor.u32 $0x3, v0;
	v6 =	vor.u32 $0x4, v0  }
0xd: {  	s10 =	simm.s32 $0xC080;
	s9 =	simm.s32 $0x1;
	s8 =	smax.u32 s8, $0x1;
	v8 =	vor.u32 $0x5, v0;
	v9 =	vor.u32 $0x6, v0;
	v10 =	vor.u32 $0x7, v0;
	v7 =	vpop (erf)  }
.LBB2_1:
0xe: {  	[tilespmem:s5], [sflag:$0x1] =	stream.linear.gather [hbm4b:s3+s5], $0xC080, $0x38;
	[tilespmem:$0x13080] =	vst v63  }
0xf: {  	_ =	swait.ge [sflag:s9], $0xC080  }
0x10: {  	[sflag:s9] =	ssyncset.done $0x0  }
0x11: {  	s14 =	simm.s32 $0x0;
	[sflag:s9] =	ssyncadd.s32 $0xFFFF3F80  }
.LBB2_2:
0x12: {  	s15 =	sshll.u32 s14, $0x6  }
0x13: {  	s15 =	sadd.s32 s7, s15  }
0x14: {  	s16 =	smul.u32 $0xC, s15;
	_ =	sdelay $0x1  }
0x15: {  	s17 =	sadd.s32 s1, s16  }
0x16: {  	[tilespmem:s10], [sflag:$0x1] =	stream.linear.gather [hbm4b:s17+s5], $0x1800, $0x38;
	[tilespmem:$0x13080] =	vst v63  }
0x17: {  	_ =	swait.ge [sflag:s9], $0x1800  }
0x18: {  	[sflag:s9] =	ssyncset.done $0x0  }
0x19: {  	s16 =	sadd.s32 s2, s16;
	[sflag:s9] =	ssyncadd.s32 $0xFFFFE800  }
0x1a: {  	[tilespmem:s11], [sflag:$0x1] =	stream.linear.gather [hbm4b:s16+s5], $0x1800, $0x38;
	[tilespmem:$0x13080] =	vst v63  }
0x1b: {  	_ =	swait.ge [sflag:s9], $0x1800  }
0x1c: {  	[sflag:s9] =	ssyncset.done $0x0  }
0x1d: {  	s17 =	simm.s32 $0x87;
	s16 =	simm.s32 $0x5F;
	[sflag:s9] =	ssyncadd.s32 $0xFFFFE800  }
.LBB2_3:
0x1e: {  	s19 =	sadd.s32 $0xFFFFFFA1, s16  }
0x1f: {  	s20 =	sadd.s32 $0xFFFFFFD1, s16;
	v11 =	vadd.s32 s19, v1  }
0x20: {  	s21 =	sadd.s32 $0xFFFFFFA2, s16;
	v12 =	vadd.s32 s20, v1  }
0x21: {  	s22 =	sadd.s32 $0xFFFFFFD2, s16;
	s23 =	sadd.s32 $0xFFFFFFA3, s16;
	s18 =	sadd.s32 $0xFFFFFFD3, s16;
	v13 =	vadd.s32 s21, v1  }
0x22: {  	v14 =	vadd.s32 s22, v1;
	v17 =	vadd.s32 s23, v1;
	v18 =	vadd.s32 s18, v1  }
0x23: {  	s30 =	sadd.s32 $0xFFFFFFA4, s16;
	s31 =	sadd.s32 $0xFFFFFFAD, s16;
	s25 =	sadd.s32 $0xFFFFFFBB, s16;
	v19 =	vmov s19;
	v57 =	vmov s21;
	v23 =	vmov s23  }
0x24: {  	s28 =	sadd.s32 $0xFFFFFFC5, s16;
	s29 =	sadd.s32 $0xFFFFFFC6, s16;
	v60 =	vmov s30;
	v30 =	vmov s31;
	v38 =	vmov s25;
	v11 =	vld.idx.msk [tilespmem:v11+s10+$0x0], $0xffff  }
0x25: {  	s21 =	sadd.s32 $0xFFFFFFAF, s16;
	s23 =	sadd.s32 $0xFFFFFFB9, s16;
	v41 =	vmov s28;
	v43 =	vmov s29;
	v30 =	vand.u32 $0xFFFFFFEC, v30;
	v12 =	vld.idx.msk [tilespmem:v12+s10+$0x0], $0xffff  }
0x26: {  	v33 =	vmov s21;
	v35 =	vmov s23;
	v38 =	vand.u32 $0xFFFFFFFA, v38  }
0x27: {  	v41 =	vand.u32 $0xFFFFFFE4, v41;
	v43 =	vand.u32 $0xFFFFFFE5, v43;
	v30 =	vbroadcast v30, $0x0  }
0x28: {  	v33 =	vand.u32 $0xFFFFFFEE, v33;
	v35 =	vand.u32 $0xFFFFFFF8, v35;
	v38 =	vbroadcast v38, $0x0;
	v56 =	vld.idx.msk [tilespmem:v13+s10+$0x0], $0xffff  }
0x29: {  	v41 =	vbroadcast v41, $0x0;
	v43 =	vbroadcast v43, $0x0;
	v58 =	vld.idx.msk [tilespmem:v17+s10+$0x0], $0xffff;
	v11 =	vadd.f32 $1.503999940e+02, v11  }
0x2a: {  	v33 =	vbroadcast v33, $0x0;
	v35 =	vbroadcast v35, $0x0;
	v59 =	vld.idx.msk [tilespmem:v18+s10+$0x0], $0xffff;
	v12 =	vadd.f32 $1.503999940e+02, v12  }
0x2b: {  	v21 =	vld.idx.msk [tilespmem:v19+s11+$0x0], $0xffff;
	v19 =	vmov s20;
	v18 =	vand.u32 $0xFFFFFFE3, v60;
	v11 =	vmul.f32 v11, v7  }
0x2c: {  	v13 =	vld.idx.msk [tilespmem:v57+s11+$0x0], $0xffff;
	s20 =	sadd.s32 $0xFFFFFFAE, s16;
	v28 =	vbroadcast v18, $0x0;
	v18 =	vmov s22;
	s22 =	sadd.s32 $0xFFFFFFB0, s16;
	v12 =	vmul.f32 v12, v7  }
0x2d: {  	v23 =	vld.idx.msk [tilespmem:v23+s11+$0x0], $0xffff;
	v32 =	vmov s20;
	v34 =	vmov s22;
	v11 =	vtrunc.f32 v11  }
0x2e: {  	v32 =	vand.u32 $0xFFFFFFED, v32;
	v30 =	vld.idx.msk [tilespmem:v30+s11+$0x0], $0xffff;
	v12 =	vtrunc.f32 v12;
	v11 =	vcvt.f32.s32 v11  }
0x2f: {  	v32 =	vbroadcast v32, $0x0;
	v34 =	vand.u32 $0xFFFFFFEF, v34;
	v38 =	vld.idx.msk [tilespmem:v38+s11+$0x0], $0xffff;
	v12 =	vcvt.f32.s32 v12  }
0x30: {  	v41 =	vld.idx.msk [tilespmem:v41+s11+$0x0], $0xffff;
	v34 =	vbroadcast v34, $0x0;
	vm0 =	vgt.s32 v11, $0x0  }
0x31: {  	v43 =	vld.idx.msk [tilespmem:v43+s11+$0x0], $0xffff;
	vm11 =	vgt.s32 v12, $0x0;
	v11 =	vnsel vm0, $0x0, v11  }
0x32: {  	v33 =	vld.idx.msk [tilespmem:v33+s11+$0x0], $0xffff;
	v12 =	vnsel vm11, $0x0, v12;
	v11 =	vmin.u32 v11, $0x2F0  }
0x33: {  	v35 =	vld.idx.msk [tilespmem:v35+s11+$0x0], $0xffff;
	v16 =	vshll.u32 v11, $0x5;
	v11 =	vmin.u32 v12, $0x2F0  }
0x34: {  	s24 =	sadd.s32 $0xFFFFFFBA, s16;
	v28 =	vld.idx.msk [tilespmem:v28+s11+$0x0], $0xffff;
	v15 =	vshll.u32 v11, $0x5  }
0x35: {  	s26 =	sadd.s32 $0xFFFFFFBC, s16;
	v36 =	vmov s24;
	s30 =	sadd.s32 $0xFFFFFFC7, s16;
	v32 =	vld.idx.msk [tilespmem:v32+s11+$0x0], $0xffff;
	v20 =	vor.u32 $0x1, v16  }
0x36: {  	v40 =	vmov s26;
	s31 =	sadd.s32 $0xFFFFFFC8, s16;
	v45 =	vmov s30;
	v34 =	vld.idx.msk [tilespmem:v34+s11+$0x0], $0xffff;
	v26 =	vor.u32 $0x2, v16  }
0x37: {  	v46 =	vmov s31;
	v17 =	vadd.f32 $6.000000000e+00, v59;
	v11 =	vld.idx.msk [tilespmem:v14+s10+$0x0], $0xffff;
	v29 =	vor.u32 $0x3, v16  }
0x38: {  	v36 =	vand.u32 $0xFFFFFFF9, v36;
	v40 =	vand.u32 $0xFFFFFFFB, v40;
	v37 =	vor.u32 $0x4, v16;
	v24 =	vld.idx.msk [tilespmem:v16+s5+$0x0], $0xffff  }
0x39: {  	v36 =	vbroadcast v36, $0x0;
	v17 =	vmul.f32 v17, v7;
	v42 =	vor.u32 $0x5, v16;
	v25 =	vld.idx.msk [tilespmem:v15+s5+$0x0], $0xffff  }
0x3a: {  	v40 =	vbroadcast v40, $0x0;
	v45 =	vand.u32 $0xFFFFFFE6, v45;
	v47 =	vor.u32 $0x6, v16;
	v20 =	vld.idx.msk [tilespmem:v20+s5+$0x0], $0xffff  }
0x3b: {  	v45 =	vbroadcast v45, $0x0;
	v17 =	vtrunc.f32 v17;
	v22 =	vor.u32 $0x1, v15;
	v26 =	vld.idx.msk [tilespmem:v26+s5+$0x0], $0xffff  }
0x3c: {  	v12 =	vadd.f32 $1.503999940e+02, v56;
	v14 =	vadd.f32 $6.000000000e+00, v58;
	v27 =	vor.u32 $0x2, v15;
	v29 =	vld.idx.msk [tilespmem:v29+s5+$0x0], $0xffff  }
0x3d: {  	v49 =	vor.u32 $0x7, v16;
	v51 =	vor.u32 $0x8, v16;
	v31 =	vor.u32 $0x3, v15;
	v37 =	vld.idx.msk [tilespmem:v37+s5+$0x0], $0xffff  }
0x3e: {  	v61 =	vor.u32 $0x9, v16;
	v62 =	vor.u32 $0xA, v16;
	v39 =	vor.u32 $0x4, v15;
	v42 =	vld.idx.msk [tilespmem:v42+s5+$0x0], $0xffff  }
0x3f: {  	v57 =	vor.u32 $0xB, v16;
	v12 =	vmul.f32 v12, v7;
	v44 =	vor.u32 $0x5, v15;
	v47 =	vld.idx.msk [tilespmem:v47+s5+$0x0], $0xffff  }
0x40: {  	v59 =	vor.u32 $0xC, v16;
	v48 =	vor.u32 $0x6, v15;
	v50 =	vor.u32 $0x7, v15;
	v22 =	vld.idx.msk [tilespmem:v22+s5+$0x0], $0xffff  }
0x41: {  	v52 =	vor.u32 $0x8, v15;
	v14 =	vmul.f32 v14, v7;
	v12 =	vtrunc.f32 v12;
	v27 =	vld.idx.msk [tilespmem:v27+s5+$0x0], $0xffff  }
0x42: {  	v54 =	vor.u32 $0x9, v15;
	v63 =	vor.u32 $0xA, v15;
	v12 =	vcvt.f32.s32 v12;
	v31 =	vld.idx.msk [tilespmem:v31+s5+$0x0], $0xffff  }
0x43: {  	v58 =	vor.u32 $0xB, v15;
	v14 =	vtrunc.f32 v14;
	v11 =	vadd.f32 $1.503999940e+02, v11;
	v39 =	vld.idx.msk [tilespmem:v39+s5+$0x0], $0xffff  }
0x44: {  	v60 =	vor.u32 $0xC, v15;
	v14 =	vcvt.f32.s32 v14;
	vm12 =	vgt.s32 v12, $0x0;
	v44 =	vld.idx.msk [tilespmem:v44+s5+$0x0], $0xffff  }
0x45: {  	v55 =	vor.u32 $0xD, v15;
	v48 =	vld.idx.msk [tilespmem:v48+s5+$0x0], $0xffff;
	v11 =	vmul.f32 v11, v7;
	v12 =	vnsel vm12, $0x0, v12  }
0x46: {  	vm14 =	vgt.s32 v14, $0x0;
	v24 =	vmul.f32 v24, v21;
	v21 =	vmul.f32 v25, v21;
	v25 =	vld.idx.msk [tilespmem:v51+s5+$0x0], $0xffff  }
0x47: {  	v14 =	vnsel vm14, $0x0, v14;
	v12 =	vmin.u32 v12, $0x2F0;
	v11 =	vtrunc.f32 v11;
	v51 =	vld.idx.msk [tilespmem:v52+s5+$0x0], $0xffff  }
0x48: {  	v12 =	vshll.u32 v12, $0x5;
	v11 =	vcvt.f32.s32 v11;
	v20 =	vmul.f32 v20, v13;
	v52 =	vld.idx.msk [tilespmem:v62+s5+$0x0], $0xffff  }
0x49: {  	v14 =	vmin.u32 v14, $0x1E;
	v26 =	vmul.f32 v26, v23;
	v62 =	vmul.f32 v37, v30;
	v37 =	vld.idx.msk [tilespmem:v57+s5+$0x0], $0xffff  }
0x4a: {  	v56 =	vmul.f32 v42, v32;
	v57 =	vor.u32 $0xE, v16;
	v13 =	vmul.f32 v22, v13;
	v22 =	vld.idx.msk [tilespmem:v36+s11+$0x0], $0xffff  }
0x4b: {  	v14 =	vshll.u32 v14, $0x5;
	v24 =	vadd.f32 $0.0e+00, v24;
	v23 =	vmul.f32 v27, v23;
	v27 =	vld.idx.msk [tilespmem:v63+s5+$0x0], $0xffff  }
0x4c: {  	v30 =	vmul.f32 v39, v30;
	v39 =	vld.idx.msk [tilespmem:v58+s5+$0x0], $0xffff;
	v63 =	vor.u32 $0xD, v16;
	vm13 =	vgt.s32 v11, $0x0  }
0x4d: {  	v58 =	vand.u32 $0xFFFFFFE7, v46;
	v53 =	vnsel vm13, $0x0, v11;
	v11 =	vcvt.f32.s32 v17;
	v17 =	vld.idx.msk [tilespmem:v49+s5+$0x0], $0xffff  }
0x4e: {  	v32 =	vmul.f32 v44, v32;
	v21 =	vadd.f32 $0.0e+00, v21;
	v46 =	vbroadcast v58, $0x0;
	v49 =	vld.idx.msk [tilespmem:v50+s5+$0x0], $0xffff  }
0x4f: {  	v50 =	vld.idx.msk [tilespmem:v61+s5+$0x0], $0xffff;
	v20 =	vadd.f32 v20, v24;
	v61 =	vmul.f32 v29, v28;
	v28 =	vmul.f32 v31, v28  }
0x50: {  	v29 =	vadd.f32 $0.0e+00, v62;
	v30 =	vadd.f32 $0.0e+00, v30;
	v31 =	vld.idx.msk [tilespmem:v59+s5+$0x0], $0xffff;
	v59 =	vor.u32 $0xE, v15  }
0x51: {  	v24 =	vld.idx.msk [tilespmem:v54+s5+$0x0], $0xffff;
	v54 =	vmov s18;
	v62 =	vor.u32 $0xF, v15;
	v13 =	vadd.f32 v13, v21  }
0x52: {  	v53 =	vmin.u32 v53, $0x2F0;
	vm15 =	vgt.s32 v11, $0x0;
	v20 =	vadd.f32 v26, v20;
	v26 =	vld.idx.msk [tilespmem:v40+s11+$0x0], $0xffff  }
0x53: {  	v40 =	vld.idx.msk [tilespmem:v60+s5+$0x0], $0xffff;
	v29 =	vadd.f32 v56, v29;
	v30 =	vadd.f32 v32, v30;
	v60 =	vmul.f32 v47, v33  }
0x54: {  	v47 =	vld.idx.msk [tilespmem:v55+s5+$0x0], $0xffff;
	v33 =	vmul.f32 v48, v33;
	v25 =	vmul.f32 v25, v35;
	v55 =	vor.u32 $0x10, v16  }
0x55: {  	v45 =	vld.idx.msk [tilespmem:v45+s11+$0x0], $0xffff;
	v56 =	vmul.f32 v51, v35;
	v23 =	vadd.f32 v23, v13;
	v13 =	vshll.u32 v53, $0x5  }
0x56: {  	v36 =	vld.idx.msk [tilespmem:v63+s5+$0x0], $0xffff;
	v27 =	vmul.f32 v27, v38;
	v21 =	vadd.f32 v61, v20;
	v61 =	vor.u32 $0xF, v16  }
0x57: {  	v63 =	vadd.f32 v60, v29;
	v29 =	vld.idx.msk [tilespmem:v57+s5+$0x0], $0xffff;
	v30 =	vadd.f32 v33, v30;
	v57 =	vor.u32 $0x10, v15  }
0x58: {  	v25 =	vadd.f32 $0.0e+00, v25;
	v60 =	vor.u32 $0x11, v15;
	v17 =	vmul.f32 v17, v34;
	v32 =	vld.idx.msk [tilespmem:v59+s5+$0x0], $0xffff  }
0x59: {  	v28 =	vadd.f32 v28, v23;
	v35 =	vld.idx.msk [tilespmem:v46+s11+$0x0], $0xffff;
	v34 =	vmul.f32 v49, v34;
	v58 =	vmul.f32 v50, v22  }
0x5a: {  	s19 =	sadd.s32 $0xFFFFFFD4, s16;
	v23 =	vadd.f32 $0.0e+00, v56;
	v24 =	vmul.f32 v24, v22;
	v48 =	vld.idx.msk [tilespmem:v62+s5+$0x0], $0xffff;
	v59 =	vor.u32 $0x11, v16  }
0x5b: {  	v62 =	vmov s19;
	v31 =	vmul.f32 v31, v41;
	v50 =	vld.idx.msk [tilespmem:v54+s11+$0x0], $0xffff;
	v17 =	vadd.f32 v17, v63  }
0x5c: {  	v56 =	vor.u32 $0x13, v16;
	v22 =	vadd.f32 v34, v30;
	v25 =	vadd.f32 v58, v25;
	v30 =	vld.idx.msk [tilespmem:v19+s11+$0x0], $0xffff  }
0x5d: {  	s20 =	sadd.s32 $0xFFFFFFDD, s16;
	v23 =	vadd.f32 v24, v23;
	v33 =	vld.idx.msk [tilespmem:v55+s5+$0x0], $0xffff;
	v63 =	vor.u32 $0x12, v16;
	v34 =	vand.u32 $0xFFFFFFF3, v62  }
0x5e: {  	s21 =	sadd.s32 $0xFFFFFFDE, s16;
	v53 =	vmul.f32 v37, v26;
	v55 =	vmov s20;
	v31 =	vadd.f32 $0.0e+00, v31;
	v46 =	vld.idx.msk [tilespmem:v61+s5+$0x0], $0xffff  }
0x5f: {  	v40 =	vmul.f32 v40, v41;
	v58 =	vmov s21;
	v61 =	vmul.f32 v52, v38;
	v38 =	vld.idx.msk [tilespmem:v57+s5+$0x0], $0xffff  }
0x60: {  	v26 =	vmul.f32 v39, v26;
	v62 =	vor.u32 $0x15, v16;
	v36 =	vmul.f32 v36, v43;
	v49 =	vld.idx.msk [tilespmem:v60+s5+$0x0], $0xffff  }
0x61: {  	v34 =	vbroadcast v34, $0x0;
	v52 =	vor.u32 $0x12, v15;
	v23 =	vadd.f32 v27, v23;
	v27 =	vld.idx.msk [tilespmem:v59+s5+$0x0], $0xffff  }
0x62: {  	v37 =	vand.u32 $0xFFFFFFFC, v55;
	v42 =	vand.u32 $0xFFFFFFFD, v58;
	v31 =	vadd.f32 v36, v31;
	v36 =	vld.idx.msk [tilespmem:v56+s5+$0x0], $0xffff  }
0x63: {  	v57 =	vor.u32 $0x13, v15;
	v29 =	vmul.f32 v29, v45;
	v24 =	vadd.f32 v61, v25;
	v25 =	vld.idx.msk [tilespmem:v18+s11+$0x0], $0xffff  }
0x64: {  	v43 =	vmul.f32 v47, v43;
	v58 =	vor.u32 $0x16, v16;
	v60 =	vor.u32 $0x14, v15;
	v41 =	vld.idx.msk [tilespmem:v63+s5+$0x0], $0xffff  }
0x65: {  	v37 =	vbroadcast v37, $0x0;
	v40 =	vadd.f32 $0.0e+00, v40;
	v29 =	vadd.f32 v29, v31;
	v31 =	vld.idx.msk [tilespmem:v62+s5+$0x0], $0xffff  }
0x66: {  	s22 =	sadd.s32 $0xFFFFFFDF, s16;
	v42 =	vbroadcast v42, $0x0;
	v59 =	vor.u32 $0x14, v16;
	v56 =	vmul.f32 v32, v45;
	v44 =	vld.idx.msk [tilespmem:v52+s5+$0x0], $0xffff  }
0x67: {  	s24 =	sadd.s32 $0xFFFFFFE9, s16;
	v61 =	vmov s22;
	v23 =	vadd.f32 v26, v23;
	v55 =	vadd.f32 v43, v40;
	v34 =	vld.idx.msk [tilespmem:v34+s11+$0x0], $0xffff  }
0x68: {  	v19 =	vand.u32 $0xFFFFFFFE, v61;
	v63 =	vor.u32 $0x15, v15;
	v62 =	vmov s24;
	v47 =	vld.idx.msk [tilespmem:v57+s5+$0x0], $0xffff  }
0x69: {  	v33 =	vmul.f32 v33, v30;
	v18 =	vadd.f32 v53, v24;
	v53 =	vbroadcast v19, $0x0;
	v39 =	vld.idx.msk [tilespmem:v60+s5+$0x0], $0xffff  }
0x6a: {  	v26 =	vadd.f32 v56, v55;
	v56 =	vor.u32 $0x17, v15;
	v30 =	vmul.f32 v38, v30;
	v38 =	vld.idx.msk [tilespmem:v58+s5+$0x0], $0xffff  }
0x6b: {  	s23 =	sadd.s32 $0xFFFFFFE0, s16;
	v20 =	vadd.s32 $0x5E20, v12;
	v61 =	vmul.f32 v48, v35;
	v55 =	vand.u32 $0xFFFFFFE8, v62;
	v37 =	vld.idx.msk [tilespmem:v37+s11+$0x0], $0xffff  }
0x6c: {  	v62 =	vor.u32 $0x19, v15;
	v57 =	vmul.f32 v46, v35;
	v60 =	vmov s23;
	v32 =	vld.idx.msk [tilespmem:v59+s5+$0x0], $0xffff  }
0x6d: {  	v48 =	vbroadcast v55, $0x0;
	v33 =	vadd.f32 $0.0e+00, v33;
	v42 =	vld.idx.msk [tilespmem:v42+s11+$0x0], $0xffff;
	v59 =	vor.u32 $0x16, v15  }
0x6e: {  	s25 =	sadd.s32 $0xFFFFFFEA, s16;
	v58 =	vor.u32 $0x18, v16;
	v55 =	vor.u32 $0x1F, v15;
	v24 =	vadd.f32 v61, v26;
	v35 =	vld.idx.msk [tilespmem:v63+s5+$0x0], $0xffff  }
0x6f: {  	v19 =	vadd.f32 v57, v29;
	v57 =	vmov s25;
	v63 =	vor.u32 $0x17, v16;
	v29 =	vld.idx.msk [tilespmem:v56+s5+$0x0], $0xffff  }
0x70: {  	v27 =	vmul.f32 v27, v25;
	v30 =	vadd.f32 $0.0e+00, v30;
	v40 =	vand.u32 $0xFFFFFFE9, v57;
	v26 =	vld.idx.msk [tilespmem:v53+s11+$0x0], $0xffff  }
0x71: {  	v25 =	vmul.f32 v49, v25;
	v57 =	vor.u32 $0x1A, v16;
	v40 =	vbroadcast v40, $0x0;
	v45 =	vld.idx.msk [tilespmem:v60+s11+$0x0], $0xffff  }
0x72: {  	s26 =	sadd.s32 $0xFFFFFFEB, s16;
	v61 =	vor.u32 $0x19, v16;
	v41 =	vmul.f32 v41, v50;
	v27 =	vadd.f32 v27, v33;
	v43 =	vld.idx.msk [tilespmem:v59+s5+$0x0], $0xffff  }
0x73: {  	v25 =	vadd.f32 v25, v30;
	v60 =	vmov s26;
	v59 =	vor.u32 $0x18, v15;
	v48 =	vld.idx.msk [tilespmem:v48+s11+$0x0], $0xffff  }
0x74: {  	s28 =	sadd.s32 $0xFFFFFFEC, s16;
	v36 =	vmul.f32 v36, v34;
	v34 =	vmul.f32 v47, v34;
	v46 =	vand.u32 $0xFFFFFFEA, v60;
	v33 =	vld.idx.msk [tilespmem:v63+s5+$0x0], $0xffff  }
0x75: {  	s29 =	sadd.s32 $0xFFFFFFF5, s16;
	v56 =	vmov s28;
	v46 =	vbroadcast v46, $0x0;
	v63 =	vmul.f32 v44, v50;
	v44 =	vld.idx.msk [tilespmem:v58+s5+$0x0], $0xffff  }
0x76: {  	v27 =	vadd.f32 v41, v27;
	v60 =	vmov s29;
	v50 =	vand.u32 $0xFFFFFFEB, v56;
	v52 =	vld.idx.msk [tilespmem:v57+s5+$0x0], $0xffff  }
0x77: {  	v31 =	vmul.f32 v31, v42;
	v58 =	vor.u32 $0x1A, v15;
	v50 =	vbroadcast v50, $0x0;
	v40 =	vld.idx.msk [tilespmem:v40+s11+$0x0], $0xffff  }
0x78: {  	v35 =	vmul.f32 v35, v42;
	v57 =	vor.u32 $0x1C, v16;
	v41 =	vadd.f32 v63, v25;
	v51 =	vld.idx.msk [tilespmem:v59+s5+$0x0], $0xffff  }
0x79: {  	s30 =	sadd.s32 $0xFFFFFFF6, s16;
	v25 =	vadd.f32 v36, v27;
	v36 =	vand.u32 $0xFFFFFFF4, v60;
	v59 =	vmul.f32 v32, v37;
	v32 =	vld.idx.msk [tilespmem:v61+s5+$0x0], $0xffff  }
0x7a: {  	v63 =	vmov s30;
	v60 =	vmul.f32 v38, v26;
	v37 =	vmul.f32 v39, v37;
	v39 =	vld.idx.msk [tilespmem:v62+s5+$0x0], $0xffff  }
0x7b: {  	s31 =	sadd.s32 $0xFFFFFFF7, s16;
	v61 =	vor.u32 $0x1B, v16;
	v62 =	vor.u32 $0x1B, v15;
	v36 =	vbroadcast v36, $0x0;
	v46 =	vld.idx.msk [tilespmem:v46+s11+$0x0], $0xffff  }
0x7c: {  	v54 =	vand.u32 $0xFFFFFFF5, v63;
	v27 =	vadd.f32 $0.0e+00, v59;
	v42 =	vld.idx.msk [tilespmem:v58+s5+$0x0], $0xffff;
	v59 =	vmov s31  }
0x7d: {  	v26 =	vmul.f32 v43, v26;
	v37 =	vadd.f32 $0.0e+00, v37;
	v30 =	vand.u32 $0xFFFFFFF6, v59;
	v47 =	vld.idx.msk [tilespmem:v50+s11+$0x0], $0xffff  }
0x7e: {  	v59 =	vor.u32 $0x1E, v15;
	v63 =	vbroadcast v30, $0x0;
	v30 =	vadd.f32 v34, v41;
	v34 =	vld.idx.msk [tilespmem:v57+s5+$0x0], $0xffff  }
0x7f: {  	v54 =	vbroadcast v54, $0x0;
	v33 =	vmul.f32 v33, v45;
	v50 =	vor.u32 $0x1C, v15;
	v41 =	vld.idx.msk [tilespmem:v55+s5+$0x0], $0xffff  }
0x80: {  	s19 =	sadd.s32 $0xFFFFFFF8, s16;
	v45 =	vmul.f32 v29, v45;
	v27 =	vadd.f32 v31, v27;
	v58 =	vadd.f32 v35, v37;
	v35 =	vld.idx.msk [tilespmem:v61+s5+$0x0], $0xffff  }
0x81: {  	v57 =	vmov s19;
	v55 =	vadd.s32 $0x5E22, v12;
	v38 =	vld.idx.msk [tilespmem:v62+s5+$0x0], $0xffff;
	v61 =	vor.u32 $0x1D, v16  }
0x82: {  	v62 =	vor.u32 $0x1D, v15;
	v37 =	vand.u32 $0xFFFFFFF7, v57;
	v32 =	vmul.f32 v32, v40;
	v36 =	vld.idx.msk [tilespmem:v36+s11+$0x0], $0xffff  }
0x83: {  	v39 =	vmul.f32 v39, v40;
	v27 =	vadd.f32 v60, v27;
	v26 =	vadd.f32 v26, v58;
	v53 =	vld.idx.msk [tilespmem:v59+s5+$0x0], $0xffff  }
0x84: {  	v58 =	vor.u32 $0x1E, v16;
	v60 =	vmul.f32 v44, v48;
	v48 =	vmul.f32 v51, v48;
	v31 =	vld.idx.msk [tilespmem:v50+s5+$0x0], $0xffff  }
0x85: {  	v37 =	vbroadcast v37, $0x0;
	v16 =	vor.u32 $0x1F, v16;
	v51 =	vadd.s32 $0x5E20, v13;
	v50 =	vld.idx.msk [tilespmem:v54+s11+$0x0], $0xffff  }
0x86: {  	s20 =	sadd.s32 $0xFFFFFFA5, s16;
	s21 =	sadd.s32 $0xFFFFFFA6, s16;
	v42 =	vmul.f32 v42, v46;
	v48 =	vadd.f32 $0.0e+00, v48;
	v29 =	vadd.f32 v33, v27;
	v44 =	vld.idx.msk [tilespmem:v61+s5+$0x0], $0xffff  }
0x87: {  	s22 =	sadd.s32 $0xFFFFFFA7, s16;
	v15 =	vadd.f32 v45, v26;
	v61 =	vmov s20;
	v43 =	vld.idx.msk [tilespmem:v62+s5+$0x0], $0xffff;
	v62 =	vmov s21  }
0x88: {  	v54 =	vld.idx.msk [tilespmem:v63+s11+$0x0], $0xffff;
	v63 =	vadd.f32 $0.0e+00, v60;
	v59 =	vadd.f32 v39, v48;
	v60 =	vmov s22  }
0x89: {  	v35 =	vmul.f32 v35, v47;
	v39 =	vld.idx.msk [tilespmem:v20+s5+$0x0], $0xffff;
	v56 =	vand.u32 $0xFFFFFFE5, v62;
	v62 =	vadd.s32 $0x5E21, v12  }
0x8a: {  	v38 =	vmul.f32 v38, v47;
	v40 =	vld.idx.msk [tilespmem:v58+s5+$0x0], $0xffff;
	v58 =	vadd.f32 v32, v63;
	v63 =	vadd.s32 $0x5E21, v13  }
0x8b: {  	v49 =	vand.u32 $0xFFFFFFE4, v61;
	v16 =	vld.idx.msk [tilespmem:v16+s5+$0x0], $0xffff;
	v57 =	vbroadcast v56, $0x0;
	v56 =	vadd.s32 $0x5E22, v13  }
0x8c: {  	s23 =	sadd.s32 $0xFFFFFFA8, s16;
	v49 =	vbroadcast v49, $0x0;
	v33 =	vld.idx.msk [tilespmem:v37+s11+$0x0], $0xffff;
	v32 =	vadd.f32 v42, v59;
	v59 =	vadd.s32 $0x5E23, v13  }
0x8d: {  	v61 =	vmul.f32 v52, v46;
	v52 =	vmov s23;
	v37 =	vand.u32 $0xFFFFFFE6, v60;
	v42 =	vld.idx.msk [tilespmem:v51+s5+$0x0], $0xffff  }
0x8e: {  	s25 =	sadd.s32 $0xFFFFFFB2, s16;
	v34 =	vmul.f32 v34, v36;
	v20 =	vand.u32 $0xFFFFFFE7, v52;
	v37 =	vbroadcast v37, $0x0;
	v45 =	vld.idx.msk [tilespmem:v62+s5+$0x0], $0xffff  }
0x8f: {  	v60 =	vmov s25;
	v20 =	vbroadcast v20, $0x0;
	v31 =	vmul.f32 v31, v36;
	v36 =	vld.idx.msk [tilespmem:v63+s5+$0x0], $0xffff  }
0x90: {  	v34 =	vadd.f32 $0.0e+00, v34;
	v44 =	vmul.f32 v44, v50;
	v43 =	vmul.f32 v43, v50;
	v50 =	vld.idx.msk [tilespmem:v56+s5+$0x0], $0xffff  }
0x91: {  	v52 =	vand.u32 $0xFFFFFFF1, v60;
	v60 =	vadd.s32 $0x5E25, v13;
	v26 =	vadd.f32 v61, v58;
	v48 =	vld.idx.msk [tilespmem:v59+s5+$0x0], $0xffff  }
0x92: {  	v58 =	vadd.s32 $0x5E23, v12;
	v61 =	vadd.s32 $0x5E24, v12;
	v27 =	vadd.f32 v38, v32;
	v46 =	vld.idx.msk [tilespmem:v49+s11+$0x0], $0xffff  }
0x93: {  	v26 =	vadd.f32 v35, v26;
	v31 =	vadd.f32 $0.0e+00, v31;
	v40 =	vmul.f32 v40, v54;
	v35 =	vld.idx.msk [tilespmem:v57+s11+$0x0], $0xffff  }
0x94: {  	v62 =	vadd.s32 $0x5E24, v13;
	v63 =	vbroadcast v52, $0x0;
	v59 =	vmul.f32 v53, v54;
	v49 =	vld.idx.msk [tilespmem:v55+s5+$0x0], $0xffff  }
0x95: {  	s24 =	sadd.s32 $0xFFFFFFB1, s16;
	v34 =	vadd.f32 v44, v34;
	v16 =	vmul.f32 v16, v33;
	v33 =	vmul.f32 v41, v33;
	v37 =	vld.idx.msk [tilespmem:v37+s11+$0x0], $0xffff  }
0x96: {  	s26 =	sadd.s32 $0xFFFFFFB3, s16;
	v56 =	vadd.s32 $0x5E28, v13;
	v57 =	vmov s24;
	v31 =	vadd.f32 v43, v31;
	v32 =	vld.idx.msk [tilespmem:v20+s11+$0x0], $0xffff  }
0x97: {  	s28 =	sadd.s32 $0xFFFFFFB4, s16;
	v47 =	vand.u32 $0xFFFFFFF0, v57;
	v43 =	vld.idx.msk [tilespmem:v58+s5+$0x0], $0xffff;
	v57 =	vmov s26;
	v58 =	vadd.s32 $0x5E25, v12  }
0x98: {  	v34 =	vadd.f32 v40, v34;
	v40 =	vld.idx.msk [tilespmem:v61+s5+$0x0], $0xffff;
	v61 =	vmov s28;
	v47 =	vbroadcast v47, $0x0  }
0x99: {  	v44 =	vand.u32 $0xFFFFFFF2, v57;
	v31 =	vadd.f32 v59, v31;
	v54 =	vand.u32 $0xFFFFFFF3, v61;
	v52 =	vld.idx.msk [tilespmem:v62+s5+$0x0], $0xffff  }
0x9a: {  	v44 =	vbroadcast v44, $0x0;
	v62 =	vadd.s32 $0x5E26, v12;
	v20 =	vadd.f32 v16, v34;
	v34 =	vld.idx.msk [tilespmem:v63+s11+$0x0], $0xffff  }
0x9b: {  	s30 =	sadd.s32 $0xFFFFFFBE, s16;
	v59 =	vadd.s32 $0x5E27, v12;
	v39 =	vmul.f32 v39, v46;
	v42 =	vmul.f32 v42, v46;
	v46 =	vld.idx.msk [tilespmem:v60+s5+$0x0], $0xffff  }
0x9c: {  	v61 =	vmov s30;
	v57 =	vbroadcast v54, $0x0;
	v63 =	vadd.s32 $0x5E26, v13;
	v41 =	vld.idx.msk [tilespmem:v58+s5+$0x0], $0xffff  }
0x9d: {  	s29 =	sadd.s32 $0xFFFFFFBD, s16;
	v60 =	vadd.s32 $0x5E27, v13;
	v42 =	vadd.f32 v42, v28;
	v28 =	vadd.f32 v33, v31;
	v33 =	vld.idx.msk [tilespmem:v56+s5+$0x0], $0xffff  }
0x9e: {  	v45 =	vmul.f32 v45, v35;
	v35 =	vmul.f32 v36, v35;
	v58 =	vmov s29;
	v47 =	vld.idx.msk [tilespmem:v47+s11+$0x0], $0xffff  }
0x9f: {  	v49 =	vmul.f32 v49, v37;
	v37 =	vmul.f32 v50, v37;
	v51 =	vand.u32 $0xFFFFFFFC, v58;
	v54 =	vld.idx.msk [tilespmem:v62+s5+$0x0], $0xffff  }
0xa0: {  	s31 =	sadd.s32 $0xFFFFFFBF, s16;
	v21 =	vadd.f32 v39, v21;
	v51 =	vbroadcast v51, $0x0;
	v62 =	vadd.s32 $0x5E28, v12;
	v39 =	vld.idx.msk [tilespmem:v44+s11+$0x0], $0xffff  }
0xa1: {  	s19 =	sadd.s32 $0xFFFFFFC0, s16;
	v43 =	vmul.f32 v43, v32;
	v32 =	vmul.f32 v48, v32;
	v58 =	vmov s31;
	v36 =	vld.idx.msk [tilespmem:v63+s5+$0x0], $0xffff  }
0xa2: {  	v56 =	vmov s19;
	v63 =	vand.u32 $0xFFFFFFFD, v61;
	v44 =	vld.idx.msk [tilespmem:v60+s5+$0x0], $0xffff;
	v60 =	vadd.s32 $0x5E29, v13  }
0xa3: {  	v31 =	vld.idx.msk [tilespmem:v57+s11+$0x0], $0xffff;
	v21 =	vadd.f32 v45, v21;
	v57 =	vbroadcast v63, $0x0;
	v63 =	vadd.s32 $0x5E2A, v13  }
0xa4: {  	s20 =	sadd.s32 $0xFFFFFFC9, s16;
	v35 =	vadd.f32 v35, v42;
	v42 =	vld.idx.msk [tilespmem:v59+s5+$0x0], $0xffff;
	v59 =	vadd.s32 $0x5E29, v12;
	v45 =	vand.u32 $0xFFFFFFFE, v58  }
0xa5: {  	v58 =	vmov s20;
	v45 =	vbroadcast v45, $0x0;
	v21 =	vadd.f32 v49, v21;
	v49 =	vld.idx.msk [tilespmem:v62+s5+$0x0], $0xffff  }
0xa6: {  	v48 =	vand.u32 $0xFFFFFFE8, v58;
	v61 =	vadd.f32 v37, v35;
	v62 =	vadd.s32 $0x5E2A, v12;
	v50 =	vld.idx.msk [tilespmem:v51+s11+$0x0], $0xffff  }
0xa7: {  	v58 =	vadd.s32 $0x5E2D, v12;
	v48 =	vbroadcast v48, $0x0;
	v41 =	vmul.f32 v41, v34;
	v51 =	vld.idx.msk [tilespmem:v60+s5+$0x0], $0xffff  }
0xa8: {  	s21 =	sadd.s32 $0xFFFFFFCA, s16;
	v34 =	vmul.f32 v46, v34;
	v21 =	vadd.f32 v43, v21;
	v16 =	vadd.f32 v32, v61;
	v38 =	vld.idx.msk [tilespmem:v63+s5+$0x0], $0xffff  }
0xa9: {  	v61 =	vmov s21;
	v60 =	vadd.s32 $0x5E2B, v13;
	v37 =	vld.idx.msk [tilespmem:v57+s11+$0x0], $0xffff;
	v57 =	vmul.f32 v40, v47  }
0xaa: {  	v36 =	vmul.f32 v36, v39;
	v63 =	vadd.s32 $0x5E2C, v13;
	v40 =	vld.idx.msk [tilespmem:v59+s5+$0x0], $0xffff;
	v47 =	vmul.f32 v52, v47  }
0xab: {  	s22 =	sadd.s32 $0xFFFFFFCB, s16;
	v59 =	vadd.s32 $0x5E2B, v12;
	v35 =	vld.idx.msk [tilespmem:v62+s5+$0x0], $0xffff;
	v62 =	vadd.s32 $0x5E2C, v12;
	v17 =	vadd.f32 v57, v17  }
0xac: {  	s23 =	sadd.s32 $0xFFFFFFCC, s16;
	v22 =	vadd.f32 v47, v22;
	v47 =	vand.u32 $0xFFFFFFE9, v61;
	v57 =	vmov s22  }
0xad: {  	v32 =	vld.idx.msk [tilespmem:v45+s11+$0x0], $0xffff;
	v61 =	vmov s23;
	v33 =	vmul.f32 v33, v50;
	v47 =	vbroadcast v47, $0x0  }
0xae: {  	v53 =	vand.u32 $0xFFFFFFEA, v57;
	v57 =	vmul.f32 v49, v50;
	v17 =	vadd.f32 v41, v17;
	v41 =	vld.idx.msk [tilespmem:v56+s11+$0x0], $0xffff  }
0xaf: {  	v46 =	vand.u32 $0xFFFFFFEB, v61;
	v56 =	vmul.f32 v54, v39;
	v39 =	vld.idx.msk [tilespmem:v60+s5+$0x0], $0xffff;
	v53 =	vbroadcast v53, $0x0  }
0xb0: {  	v22 =	vadd.f32 v34, v22;
	v34 =	vld.idx.msk [tilespmem:v48+s11+$0x0], $0xffff;
	v60 =	vmul.f32 v42, v31;
	v31 =	vmul.f32 v44, v31  }
0xb1: {  	v43 =	vld.idx.msk [tilespmem:v63+s5+$0x0], $0xffff;
	v63 =	vadd.s32 $0x5E2E, v13;
	v46 =	vbroadcast v46, $0x0;
	v23 =	vadd.f32 v33, v23  }
0xb2: {  	v52 =	vld.idx.msk [tilespmem:v59+s5+$0x0], $0xffff;
	v59 =	vadd.s32 $0x5E2D, v13;
	v17 =	vadd.f32 v56, v17;
	v36 =	vadd.f32 v36, v22  }
0xb3: {  	s26 =	sadd.s32 $0xFFFFFFD7, s16;
	v18 =	vadd.f32 v57, v18;
	v61 =	vmul.f32 v40, v37;
	v37 =	vmul.f32 v51, v37;
	v42 =	vld.idx.msk [tilespmem:v62+s5+$0x0], $0xffff  }
0xb4: {  	v57 =	vmov s26;
	v22 =	vadd.f32 v60, v17;
	v17 =	vadd.f32 v31, v36;
	v36 =	vld.idx.msk [tilespmem:v58+s5+$0x0], $0xffff  }
0xb5: {  	v62 =	vadd.s32 $0x5E2E, v12;
	v56 =	vadd.s32 $0x5E30, v13;
	v35 =	vmul.f32 v35, v32;
	v47 =	vld.idx.msk [tilespmem:v47+s11+$0x0], $0xffff  }
0xb6: {  	v32 =	vmul.f32 v38, v32;
	v49 =	vand.u32 $0xFFFFFFF6, v57;
	v60 =	vadd.s32 $0x5E2F, v13;
	v51 =	vld.idx.msk [tilespmem:v63+s5+$0x0], $0xffff  }
0xb7: {  	s24 =	sadd.s32 $0xFFFFFFD5, s16;
	s28 =	sadd.s32 $0xFFFFFFD8, s16;
	v18 =	vadd.f32 v61, v18;
	v23 =	vadd.f32 v37, v23;
	v49 =	vbroadcast v49, $0x0;
	v48 =	vld.idx.msk [tilespmem:v59+s5+$0x0], $0xffff  }
0xb8: {  	v61 =	vmov s28;
	v58 =	vmov s24;
	v63 =	vadd.s32 $0x5E30, v12;
	v31 =	vld.idx.msk [tilespmem:v53+s11+$0x0], $0xffff  }
0xb9: {  	v45 =	vand.u32 $0xFFFFFFF4, v58;
	v58 =	vadd.s32 $0x5E31, v12;
	v59 =	vadd.s32 $0x5E2F, v12;
	v33 =	vld.idx.msk [tilespmem:v46+s11+$0x0], $0xffff  }
0xba: {  	v18 =	vadd.f32 v35, v18;
	v32 =	vadd.f32 v32, v23;
	v39 =	vmul.f32 v39, v41;
	v40 =	vld.idx.msk [tilespmem:v62+s5+$0x0], $0xffff  }
0xbb: {  	s25 =	sadd.s32 $0xFFFFFFD6, s16;
	v45 =	vbroadcast v45, $0x0;
	v53 =	vand.u32 $0xFFFFFFF7, v61;
	v57 =	vmul.f32 v42, v34;
	v38 =	vld.idx.msk [tilespmem:v60+s5+$0x0], $0xffff  }
0xbc: {  	v62 =	vmov s25;
	v34 =	vmul.f32 v43, v34;
	v60 =	vmul.f32 v52, v41;
	v41 =	vld.idx.msk [tilespmem:v56+s5+$0x0], $0xffff  }
0xbd: {  	v53 =	vbroadcast v53, $0x0;
	v44 =	vand.u32 $0xFFFFFFF5, v62;
	v62 =	vadd.s32 $0x5E32, v12;
	v52 =	vld.idx.msk [tilespmem:v63+s5+$0x0], $0xffff  }
0xbe: {  	v44 =	vbroadcast v44, $0x0;
	v19 =	vadd.f32 v57, v19;
	v24 =	vadd.f32 v34, v24;
	v37 =	vld.idx.msk [tilespmem:v59+s5+$0x0], $0xffff  }
0xbf: {  	s31 =	sadd.s32 $0xFFFFFFE3, s16;
	v56 =	vadd.s32 $0x5E34, v13;
	v23 =	vadd.f32 v60, v18;
	v18 =	vadd.f32 v39, v32;
	v39 =	vld.idx.msk [tilespmem:v58+s5+$0x0], $0xffff  }
0xc0: {  	s29 =	sadd.s32 $0xFFFFFFE1, s16;
	v57 =	vmov s31;
	v63 =	vadd.s32 $0x5E32, v13;
	v61 =	vmul.f32 v36, v47;
	v32 =	vld.idx.msk [tilespmem:v49+s11+$0x0], $0xffff  }
0xc1: {  	v59 =	vadd.s32 $0x5E31, v13;
	v58 =	vmov s29;
	v60 =	vadd.s32 $0x5E33, v13;
	v35 =	vld.idx.msk [tilespmem:v45+s11+$0x0], $0xffff  }
0xc2: {  	v47 =	vmul.f32 v48, v47;
	v42 =	vand.u32 $0xFFFFFFE0, v58;
	v19 =	vadd.f32 v61, v19;
	v36 =	vld.idx.msk [tilespmem:v62+s5+$0x0], $0xffff  }
0xc3: {  	s30 =	sadd.s32 $0xFFFFFFE2, s16;
	s19 =	sadd.s32 $0xFFFFFFE4, s16;
	v40 =	vmul.f32 v40, v31;
	v31 =	vmul.f32 v51, v31;
	v58 =	vadd.s32 $0x5E35, v12;
	v34 =	vld.idx.msk [tilespmem:v53+s11+$0x0], $0xffff  }
0xc4: {  	v61 =	vmov s19;
	v42 =	vbroadcast v42, $0x0;
	v62 =	vmov s30;
	v44 =	vld.idx.msk [tilespmem:v44+s11+$0x0], $0xffff  }
0xc5: {  	v24 =	vadd.f32 v47, v24;
	v47 =	vand.u32 $0xFFFFFFE2, v57;
	v50 =	vand.u32 $0xFFFFFFE3, v61;
	v48 =	vld.idx.msk [tilespmem:v63+s5+$0x0], $0xffff  }
0xc6: {  	v19 =	vadd.f32 v40, v19;
	v47 =	vbroadcast v47, $0x0;
	v63 =	vadd.s32 $0x5E34, v12;
	v43 =	vld.idx.msk [tilespmem:v59+s5+$0x0], $0xffff  }
0xc7: {  	v31 =	vadd.f32 v31, v24;
	v49 =	vld.idx.msk [tilespmem:v60+s5+$0x0], $0xffff;
	v60 =	vmul.f32 v37, v33;
	v33 =	vmul.f32 v38, v33  }
0xc8: {  	v46 =	vand.u32 $0xFFFFFFE1, v62;
	v62 =	vadd.s32 $0x5E36, v12;
	v50 =	vbroadcast v50, $0x0;
	v38 =	vld.idx.msk [tilespmem:v56+s5+$0x0], $0xffff  }
0xc9: {  	v11 =	vnsel vm15, $0x0, v11;
	v24 =	vadd.f32 v60, v19;
	v19 =	vadd.f32 v33, v31;
	v33 =	vld.idx.msk [tilespmem:v58+s5+$0x0], $0xffff  }
0xca: {  	v11 =	vmin.u32 v11, $0x1E;
	v46 =	vbroadcast v46, $0x0;
	v59 =	vadd.s32 $0x5E33, v12;
	v40 =	vld.idx.msk [tilespmem:v42+s11+$0x0], $0xffff  }
0xcb: {  	v11 =	vshll.u32 v11, $0x5;
	s20 =	sadd.s32 $0xFFFFFFED, s16;
	v56 =	vadd.s32 $0x5E38, v13;
	v57 =	vmul.f32 v52, v35;
	v37 =	vld.idx.msk [tilespmem:v63+s5+$0x0], $0xffff  }
0xcc: {  	v35 =	vmul.f32 v41, v35;
	v58 =	vmov s20;
	v60 =	vadd.s32 $0x5E37, v13;
	v31 =	vld.idx.msk [tilespmem:v47+s11+$0x0], $0xffff  }
0xcd: {  	v36 =	vmul.f32 v36, v32;
	v63 =	vadd.s32 $0x5E36, v13;
	v61 =	vmul.f32 v39, v44;
	v39 =	vld.idx.msk [tilespmem:v62+s5+$0x0], $0xffff  }
0xce: {  	s22 =	sadd.s32 $0xFFFFFFEF, s16;
	v51 =	vand.u32 $0xFFFFFFEC, v58;
	v25 =	vadd.f32 v57, v25;
	v30 =	vadd.f32 v35, v30;
	v35 =	vld.idx.msk [tilespmem:v50+s11+$0x0], $0xffff  }
0xcf: {  	s21 =	sadd.s32 $0xFFFFFFEE, s16;
	v57 =	vmov s22;
	v58 =	vadd.s32 $0x5E39, v12;
	v45 =	vld.idx.msk [tilespmem:v59+s5+$0x0], $0xffff;
	v59 =	vadd.s32 $0x5E35, v13  }
0xd0: {  	v51 =	vbroadcast v51, $0x0;
	v62 =	vmov s21;
	v32 =	vmul.f32 v48, v32;
	v46 =	vld.idx.msk [tilespmem:v46+s11+$0x0], $0xffff  }
0xd1: {  	s24 =	sadd.s32 $0xFFFFFFF9, s16;
	v43 =	vmul.f32 v43, v44;
	v52 =	vand.u32 $0xFFFFFFED, v62;
	v50 =	vld.idx.msk [tilespmem:v56+s5+$0x0], $0xffff;
	v62 =	vadd.s32 $0x5E3A, v12  }
0xd2: {  	v56 =	vmov s24;
	v52 =	vbroadcast v52, $0x0;
	v44 =	vld.idx.msk [tilespmem:v63+s5+$0x0], $0xffff;
	v63 =	vadd.s32 $0x5E38, v12  }
0xd3: {  	s23 =	sadd.s32 $0xFFFFFFF0, s16;
	v25 =	vadd.f32 v61, v25;
	v30 =	vadd.f32 v43, v30;
	v47 =	vld.idx.msk [tilespmem:v60+s5+$0x0], $0xffff;
	v43 =	vand.u32 $0xFFFFFFEE, v57  }
0xd4: {  	v61 =	vmov s23;
	v43 =	vbroadcast v43, $0x0;
	v41 =	vld.idx.msk [tilespmem:v59+s5+$0x0], $0xffff;
	v59 =	vadd.s32 $0x5E37, v12  }
0xd5: {  	v53 =	vand.u32 $0xFFFFFFEF, v61;
	v57 =	vadd.s32 $0x5E3B, v12;
	v55 =	vmul.f32 v38, v40;
	v38 =	vld.idx.msk [tilespmem:v58+s5+$0x0], $0xffff  }
0xd6: {  	v61 =	vadd.s32 $0x5E3C, v12;
	v25 =	vadd.f32 v36, v25;
	v58 =	vadd.s32 $0x5E3B, v13;
	v36 =	vld.idx.msk [tilespmem:v51+s11+$0x0], $0xffff  }
0xd7: {  	v37 =	vmul.f32 v37, v40;
	v60 =	vmul.f32 v45, v34;
	v45 =	vld.idx.msk [tilespmem:v63+s5+$0x0], $0xffff;
	v63 =	vadd.s32 $0x5E3A, v13  }
0xd8: {  	v53 =	vbroadcast v53, $0x0;
	v30 =	vadd.f32 v32, v30;
	v40 =	vand.u32 $0xFFFFFFF8, v56;
	v32 =	vld.idx.msk [tilespmem:v52+s11+$0x0], $0xffff  }
0xd9: {  	v33 =	vmul.f32 v33, v46;
	v29 =	vadd.f32 v37, v29;
	v42 =	vld.idx.msk [tilespmem:v59+s5+$0x0], $0xffff;
	v59 =	vadd.s32 $0x5E39, v13  }
0xda: {  	v39 =	vmul.f32 v39, v31;
	v15 =	vadd.f32 v55, v15;
	v40 =	vbroadcast v40, $0x0;
	v37 =	vld.idx.msk [tilespmem:v43+s11+$0x0], $0xffff  }
0xdb: {  	s25 =	sadd.s32 $0xFFFFFFFA, s16;
	v34 =	vmul.f32 v49, v34;
	v25 =	vadd.f32 v60, v25;
	v29 =	vadd.f32 v33, v29;
	v43 =	vld.idx.msk [tilespmem:v58+s5+$0x0], $0xffff  }
0xdc: {  	s26 =	sadd.s32 $0xFFFFFFFB, s16;
	v60 =	vmov s25;
	v31 =	vmul.f32 v44, v31;
	v58 =	vadd.s32 $0x5E3D, v12;
	v52 =	vld.idx.msk [tilespmem:v63+s5+$0x0], $0xffff  }
0xdd: {  	v63 =	vadd.f32 v39, v29;
	v39 =	vld.idx.msk [tilespmem:v57+s5+$0x0], $0xffff;
	v57 =	vmov s26;
	v45 =	vmul.f32 v45, v36  }
0xde: {  	v36 =	vmul.f32 v50, v36;
	v48 =	vld.idx.msk [tilespmem:v59+s5+$0x0], $0xffff;
	v59 =	vmul.f32 v41, v46;
	v46 =	vand.u32 $0xFFFFFFF9, v60  }
0xdf: {  	v41 =	vld.idx.msk [tilespmem:v62+s5+$0x0], $0xffff;
	v62 =	vadd.s32 $0x5E3C, v13;
	v29 =	vand.u32 $0xFFFFFFFA, v57;
	v42 =	vmul.f32 v42, v35  }
0xe0: {  	s29 =	sadd.s32 $0xFFFFFFA9, s16;
	v49 =	vld.idx.msk [tilespmem:v53+s11+$0x0], $0xffff;
	v46 =	vbroadcast v46, $0x0;
	v27 =	vadd.f32 v36, v27;
	v36 =	vadd.s32 $0xBC40, v11  }
0xe1: {  	v40 =	vld.idx.msk [tilespmem:v40+s11+$0x0], $0xffff;
	v35 =	vmul.f32 v47, v35;
	v57 =	vmov s29;
	v15 =	vadd.f32 v59, v15  }
0xe2: {  	v44 =	vld.idx.msk [tilespmem:v58+s5+$0x0], $0xffff;
	v60 =	vbroadcast v29, $0x0;
	v47 =	vand.u32 $0xFFFFFFE8, v57;
	v59 =	vadd.s32 $0x5E3D, v13  }
0xe3: {  	s21 =	sadd.s32 $0xFFFFFFB6, s16;
	v29 =	vadd.f32 v34, v30;
	v47 =	vbroadcast v47, $0x0;
	v30 =	vadd.f32 v31, v15;
	v31 =	vld.idx.msk [tilespmem:v61+s5+$0x0], $0xffff  }
0xe4: {  	s30 =	sadd.s32 $0xFFFFFFAA, s16;
	v51 =	vadd.s32 $0xBC40, v14;
	v55 =	vmov s21;
	v33 =	vld.idx.msk [tilespmem:v62+s5+$0x0], $0xffff  }
0xe5: {  	v58 =	vmov s30;
	v15 =	vadd.f32 v42, v63;
	v63 =	vadd.s32 $0x5E3E, v13;
	v36 =	vld.idx.msk [tilespmem:v36+s5+$0x0], $0xffff  }
0xe6: {  	v38 =	vmul.f32 v38, v32;
	v50 =	vand.u32 $0xFFFFFFE9, v58;
	v13 =	vadd.s32 $0x5E3F, v13;
	v46 =	vld.idx.msk [tilespmem:v46+s11+$0x0], $0xffff  }
0xe7: {  	v58 =	vadd.s32 $0xBC42, v11;
	v26 =	vadd.f32 v45, v26;
	v32 =	vmul.f32 v48, v32;
	v45 =	vld.idx.msk [tilespmem:v59+s5+$0x0], $0xffff  }
0xe8: {  	s28 =	sadd.s32 $0xFFFFFFFC, s16;
	v43 =	vmul.f32 v43, v49;
	v50 =	vbroadcast v50, $0x0;
	v62 =	vadd.s32 $0x5E3E, v12;
	v54 =	vld.idx.msk [tilespmem:v60+s11+$0x0], $0xffff  }
0xe9: {  	v61 =	vmov s28;
	v12 =	vadd.s32 $0x5E3F, v12;
	v27 =	vadd.f32 v32, v27;
	v32 =	vld.idx.msk [tilespmem:v47+s11+$0x0], $0xffff  }
0xea: {  	v26 =	vadd.f32 v38, v26;
	v39 =	vmul.f32 v39, v49;
	v34 =	vand.u32 $0xFFFFFFFB, v61;
	v53 =	vld.idx.msk [tilespmem:v63+s5+$0x0], $0xffff  }
0xeb: {  	s31 =	sadd.s32 $0xFFFFFFAB, s16;
	v41 =	vmul.f32 v41, v37;
	v61 =	vadd.s32 $0xBC41, v11;
	v34 =	vbroadcast v34, $0x0;
	v48 =	vld.idx.msk [tilespmem:v13+s5+$0x0], $0xffff  }
0xec: {  	s19 =	sadd.s32 $0xFFFFFFAC, s16;
	v59 =	vmov s31;
	v60 =	vadd.s32 $0xBC41, v14;
	v13 =	vadd.f32 v35, v30;
	v35 =	vld.idx.msk [tilespmem:v58+s5+$0x0], $0xffff  }
0xed: {  	v63 =	vmul.f32 v52, v37;
	v52 =	vmov s19;
	v31 =	vmul.f32 v31, v40;
	v42 =	vld.idx.msk [tilespmem:v62+s5+$0x0], $0xffff  }
0xee: {  	v58 =	vadd.s32 $0xBC44, v11;
	v38 =	vld.idx.msk [tilespmem:v12+s5+$0x0], $0xffff;
	v12 =	vand.u32 $0xFFFFFFEA, v59;
	v62 =	vadd.f32 v41, v26  }
0xef: {  	v37 =	vld.idx.msk [tilespmem:v51+s5+$0x0], $0xffff;
	v41 =	vadd.s32 $0xBC42, v14;
	v57 =	vand.u32 $0xFFFFFFEB, v52;
	v56 =	vbroadcast v12, $0x0  }
0xf0: {  	v47 =	vld.idx.msk [tilespmem:v61+s5+$0x0], $0xffff;
	v61 =	vadd.s32 $0xBC43, v14;
	v59 =	vbroadcast v57, $0x0;
	v26 =	vadd.f32 v63, v27  }
0xf1: {  	v30 =	vld.idx.msk [tilespmem:v50+s11+$0x0], $0xffff;
	v20 =	vadd.f32 v31, v20;
	v63 =	vmul.f32 v33, v40;
	v57 =	vadd.s32 $0xBC44, v14  }
0xf2: {  	s20 =	sadd.s32 $0xFFFFFFB5, s16;
	v40 =	vand.u32 $0xFFFFFFF5, v55;
	v55 =	vadd.s32 $0xBC4D, v11;
	v34 =	vld.idx.msk [tilespmem:v34+s11+$0x0], $0xffff;
	v12 =	vadd.f32 v39, v62  }
0xf3: {  	s22 =	sadd.s32 $0xFFFFFFB7, s16;
	v27 =	vld.idx.msk [tilespmem:v60+s5+$0x0], $0xffff;
	v60 =	vmov s20;
	v62 =	vadd.s32 $0xBC43, v11;
	v40 =	vbroadcast v40, $0x0  }
0xf4: {  	v39 =	vand.u32 $0xFFFFFFF4, v60;
	v28 =	vadd.f32 v63, v28;
	v60 =	vmov s22;
	v50 =	vld.idx.msk [tilespmem:v58+s5+$0x0], $0xffff  }
0xf5: {  	v26 =	vadd.f32 v43, v26;
	v39 =	vbroadcast v39, $0x0;
	v37 =	vmul.f32 v37, v32;
	v49 =	vld.idx.msk [tilespmem:v56+s11+$0x0], $0xffff  }
0xf6: {  	v63 =	vmul.f32 v53, v54;
	v58 =	vadd.s32 $0xBC46, v14;
	v32 =	vmul.f32 v36, v32;
	v31 =	vld.idx.msk [tilespmem:v59+s11+$0x0], $0xffff  }
0xf7: {  	v42 =	vmul.f32 v42, v54;
	v21 =	vadd.f32 v37, v21;
	v59 =	vmul.f32 v45, v46;
	v45 =	vld.idx.msk [tilespmem:v61+s5+$0x0], $0xffff  }
0xf8: {  	s23 =	sadd.s32 $0xFFFFFFB8, s16;
	v16 =	vadd.f32 v32, v16;
	v56 =	vmul.f32 v44, v46;
	v51 =	vld.idx.msk [tilespmem:v62+s5+$0x0], $0xffff;
	v61 =	vadd.s32 $0xBC45, v14  }
0xf9: {  	s24 =	sadd.s32 $0xFFFFFFC1, s16;
	v46 =	vand.u32 $0xFFFFFFF6, v60;
	v62 =	vadd.s32 $0xBC45, v11;
	v44 =	vld.idx.msk [tilespmem:v57+s5+$0x0], $0xffff;
	v57 =	vmov s23  }
0xfa: {  	v33 =	vld.idx.msk [tilespmem:v41+s5+$0x0], $0xffff;
	v38 =	vmul.f32 v38, v34;
	v60 =	vmov s24;
	v46 =	vbroadcast v46, $0x0  }
0xfb: {  	v53 =	vand.u32 $0xFFFFFFF7, v57;
	v40 =	vld.idx.msk [tilespmem:v40+s11+$0x0], $0xffff;
	v57 =	vadd.s32 $0xBC48, v14;
	v20 =	vadd.f32 v56, v20  }
0xfc: {  	v34 =	vmul.f32 v48, v34;
	v27 =	vmul.f32 v27, v30;
	v28 =	vadd.f32 v59, v28;
	v36 =	vld.idx.msk [tilespmem:v58+s5+$0x0], $0xffff  }
0xfd: {  	v59 =	vadd.s32 $0xBC46, v11;
	v53 =	vbroadcast v53, $0x0;
	v39 =	vld.idx.msk [tilespmem:v39+s11+$0x0], $0xffff;
	v20 =	vadd.f32 v42, v20  }
0xfe: {  	v58 =	vadd.s32 $0xBC48, v11;
	v21 =	vadd.f32 v27, v21;
	v56 =	vadd.s32 $0xBC53, v11;
	v41 =	vld.idx.msk [tilespmem:v62+s5+$0x0], $0xffff  }
0xff: {  	v28 =	vadd.f32 v63, v28;
	v42 =	vand.u32 $0xFFFFFFE0, v60;
	v20 =	vadd.f32 v38, v20;
	v38 =	vld.idx.msk [tilespmem:v61+s5+$0x0], $0xffff  }
0x100: {  	s25 =	sadd.s32 $0xFFFFFFC2, s16;
	v62 =	vadd.s32 $0xBC47, v11;
	v33 =	vmul.f32 v33, v49;
	v35 =	vmul.f32 v35, v49;
	v49 =	vld.idx.msk [tilespmem:v57+s5+$0x0], $0xffff  }
0x101: {  	s26 =	sadd.s32 $0xFFFFFFC3, s16;
	s28 =	sadd.s32 $0xFFFFFFC4, s16;
	v63 =	vmov s25;
	v42 =	vbroadcast v42, $0x0;
	v61 =	vadd.s32 $0xBC47, v14;
	v46 =	vld.idx.msk [tilespmem:v46+s11+$0x0], $0xffff  }
0x102: {  	v60 =	vmov s26;
	v37 =	vand.u32 $0xFFFFFFE1, v63;
	v63 =	vmov s28;
	v43 =	vld.idx.msk [tilespmem:v59+s5+$0x0], $0xffff  }
0x103: {  	v45 =	vmul.f32 v45, v31;
	v37 =	vbroadcast v37, $0x0;
	v57 =	vadd.s32 $0xBC4A, v14;
	v32 =	vld.idx.msk [tilespmem:v53+s11+$0x0], $0xffff  }
0x104: {  	v31 =	vmul.f32 v51, v31;
	v59 =	vmul.f32 v47, v30;
	v47 =	vand.u32 $0xFFFFFFE2, v60;
	v53 =	vld.idx.msk [tilespmem:v58+s5+$0x0], $0xffff  }
0x105: {  	v33 =	vadd.f32 v33, v21;
	v58 =	vand.u32 $0xFFFFFFE3, v63;
	v63 =	vadd.s32 $0xBC4B, v11;
	v48 =	vld.idx.msk [tilespmem:v62+s5+$0x0], $0xffff  }
0x106: {  	v44 =	vmul.f32 v44, v39;
	v16 =	vadd.f32 v59, v16;
	v59 =	vadd.s32 $0xBC4A, v11;
	v30 =	vld.idx.msk [tilespmem:v61+s5+$0x0], $0xffff  }
0x107: {  	v39 =	vmul.f32 v50, v39;
	v60 =	vbroadcast v58, $0x0;
	v58 =	vadd.s32 $0xBC4C, v14;
	v27 =	vld.idx.msk [tilespmem:v42+s11+$0x0], $0xffff  }
0x108: {  	v21 =	vadd.f32 v34, v28;
	v62 =	vadd.s32 $0xBC49, v11;
	v22 =	vadd.f32 v44, v22;
	v44 =	vld.idx.msk [tilespmem:v57+s5+$0x0], $0xffff  }
0x109: {  	s30 =	sadd.s32 $0xFFFFFFCE, s16;
	v47 =	vbroadcast v47, $0x0;
	v17 =	vadd.f32 v39, v17;
	v61 =	vadd.s32 $0xBC49, v14;
	v28 =	vld.idx.msk [tilespmem:v37+s11+$0x0], $0xffff  }
0x10a: {  	v35 =	vadd.f32 v35, v16;
	v57 =	vmov s30;
	v38 =	vmul.f32 v38, v40;
	v51 =	vld.idx.msk [tilespmem:v63+s5+$0x0], $0xffff  }
0x10b: {  	s19 =	sadd.s32 $0xFFFFFFD0, s16;
	v16 =	vadd.f32 v45, v33;
	v50 =	vand.u32 $0xFFFFFFED, v57;
	v36 =	vmul.f32 v36, v46;
	v34 =	vld.idx.msk [tilespmem:v59+s5+$0x0], $0xffff  }
0x10c: {  	v57 =	vmov s19;
	v22 =	vadd.f32 v38, v22;
	v63 =	vmul.f32 v43, v46;
	v43 =	vld.idx.msk [tilespmem:v58+s5+$0x0], $0xffff  }
0x10d: {  	v50 =	vbroadcast v50, $0x0;
	v59 =	vadd.s32 $0xBC4C, v11;
	v58 =	vadd.s32 $0xBC4E, v14;
	v42 =	vld.idx.msk [tilespmem:v62+s5+$0x0], $0xffff  }
0x10e: {  	s29 =	sadd.s32 $0xFFFFFFCD, s16;
	v62 =	vadd.s32 $0xBC4B, v14;
	v37 =	vld.idx.msk [tilespmem:v60+s11+$0x0], $0xffff;
	v60 =	vmul.f32 v41, v40;
	v22 =	vadd.f32 v36, v22  }
0x10f: {  	s31 =	sadd.s32 $0xFFFFFFCF, s16;
	v33 =	vld.idx.msk [tilespmem:v61+s5+$0x0], $0xffff;
	v61 =	vmov s29;
	v30 =	vmul.f32 v30, v32;
	v49 =	vmul.f32 v49, v27  }
0x110: {  	v32 =	vmul.f32 v48, v32;
	v45 =	vand.u32 $0xFFFFFFEC, v61;
	v61 =	vmov s31  }
0x111: {  	v47 =	vld.idx.msk [tilespmem:v47+s11+$0x0], $0xffff;
	v38 =	vadd.f32 v60, v17;
	v60 =	vadd.s32 $0xBC4E, v11;
	v45 =	vbroadcast v45, $0x0  }
0x112: {  	v27 =	vmul.f32 v53, v27;
	v17 =	vadd.f32 v31, v35;
	v41 =	vand.u32 $0xFFFFFFEE, v61;
	v39 =	vld.idx.msk [tilespmem:v59+s5+$0x0], $0xffff  }
0x113: {  	v22 =	vadd.f32 v30, v22;
	v31 =	vld.idx.msk [tilespmem:v50+s11+$0x0], $0xffff;
	v36 =	vadd.f32 v63, v38;
	v63 =	vadd.s32 $0xBC4F, v14  }
0x114: {  	v23 =	vadd.f32 v49, v23;
	v59 =	vand.u32 $0xFFFFFFEF, v57;
	v57 =	vadd.s32 $0xBC4F, v11;
	v46 =	vld.idx.msk [tilespmem:v58+s5+$0x0], $0xffff  }
0x115: {  	s21 =	sadd.s32 $0xFFFFFFDA, s16;
	v18 =	vadd.f32 v27, v18;
	v41 =	vbroadcast v41, $0x0;
	v40 =	vld.idx.msk [tilespmem:v62+s5+$0x0], $0xffff;
	v62 =	vadd.s32 $0xBC4D, v14  }
0x116: {  	v58 =	vmov s21;
	v44 =	vmul.f32 v44, v47;
	v33 =	vmul.f32 v33, v28;
	v35 =	vld.idx.msk [tilespmem:v60+s5+$0x0], $0xffff  }
0x117: {  	v34 =	vmul.f32 v34, v47;
	v61 =	vbroadcast v59, $0x0;
	v59 =	vadd.s32 $0xBC50, v14;
	v45 =	vld.idx.msk [tilespmem:v45+s11+$0x0], $0xffff  }
0x118: {  	v49 =	vand.u32 $0xFFFFFFF9, v58;
	v28 =	vmul.f32 v42, v28;
	v23 =	vadd.f32 v33, v23;
	v33 =	vld.idx.msk [tilespmem:v63+s5+$0x0], $0xffff  }
0x119: {  	v58 =	vadd.s32 $0xBC52, v14;
	v49 =	vbroadcast v49, $0x0;
	v60 =	vadd.s32 $0xBC50, v11;
	v48 =	vld.idx.msk [tilespmem:v57+s5+$0x0], $0xffff  }
0x11a: {  	s20 =	sadd.s32 $0xFFFFFFD9, s16;
	s23 =	sadd.s32 $0xFFFFFFDC, s16;
	v28 =	vadd.f32 v28, v18;
	v18 =	vadd.f32 v32, v36;
	v63 =	vadd.s32 $0xBC51, v11;
	v30 =	vld.idx.msk [tilespmem:v62+s5+$0x0], $0xffff  }
0x11b: {  	v57 =	vmov s23;
	v62 =	vmov s20;
	v41 =	vld.idx.msk [tilespmem:v41+s11+$0x0], $0xffff;
	v23 =	vadd.f32 v44, v23  }
0x11c: {  	s25 =	sadd.s32 $0xFFFFFFE6, s16;
	s21 =	sadd.s32 $0xFFFFFFFE, s16;
	v44 =	vld.idx.msk [tilespmem:v59+s5+$0x0], $0xffff;
	v40 =	vmul.f32 v40, v37;
	v59 =	vand.u32 $0xFFFFFFFB, v57;
	v28 =	vadd.f32 v34, v28  }
0x11d: {  	s22 =	sadd.s32 $0xFFFFFFDB, s16;
	v37 =	vmul.f32 v51, v37;
	v57 =	vmov s25;
	v51 =	vld.idx.msk [tilespmem:v56+s5+$0x0], $0xffff;
	v56 =	vmov s21  }
0x11e: {  	v38 =	vand.u32 $0xFFFFFFF8, v62;
	v27 =	vld.idx.msk [tilespmem:v61+s11+$0x0], $0xffff;
	v61 =	vmov s22;
	v62 =	vadd.s32 $0xBC51, v14  }
0x11f: {  	v38 =	vbroadcast v38, $0x0;
	v42 =	vand.u32 $0xFFFFFFFA, v61;
	v47 =	vld.idx.msk [tilespmem:v60+s5+$0x0], $0xffff;
	v60 =	vadd.s32 $0xBC52, v11  }
0x120: {  	v52 =	vld.idx.msk [tilespmem:v55+s5+$0x0], $0xffff;
	v61 =	vbroadcast v59, $0x0;
	v23 =	vadd.f32 v40, v23;
	v59 =	vadd.s32 $0xBC54, v11  }
0x121: {  	v32 =	vld.idx.msk [tilespmem:v49+s11+$0x0], $0xffff;
	v49 =	vadd.s32 $0xBC5E, v11;
	v42 =	vbroadcast v42, $0x0;
	v43 =	vmul.f32 v43, v45  }
0x122: {  	s28 =	sadd.s32 $0xFFFFFFE8, s16;
	v53 =	vld.idx.msk [tilespmem:v63+s5+$0x0], $0xffff;
	v63 =	vadd.s32 $0xBC53, v14;
	v39 =	vmul.f32 v39, v45;
	v45 =	vand.u32 $0xFFFFFFE5, v57  }
0x123: {  	v57 =	vmov s28;
	v30 =	vmul.f32 v30, v31;
	v45 =	vbroadcast v45, $0x0;
	v34 =	vld.idx.msk [tilespmem:v62+s5+$0x0], $0xffff  }
0x124: {  	s24 =	sadd.s32 $0xFFFFFFE5, s16;
	v46 =	vmul.f32 v46, v41;
	v35 =	vmul.f32 v35, v41;
	v24 =	vadd.f32 v43, v24;
	v43 =	vld.idx.msk [tilespmem:v58+s5+$0x0], $0xffff  }
0x125: {  	v62 =	vmov s24;
	v58 =	vadd.s32 $0xBC54, v14;
	v19 =	vadd.f32 v39, v19;
	v36 =	vld.idx.msk [tilespmem:v60+s5+$0x0], $0xffff  }
0x126: {  	s26 =	sadd.s32 $0xFFFFFFE7, s16;
	v33 =	vmul.f32 v33, v27;
	v27 =	vmul.f32 v48, v27;
	v40 =	vand.u32 $0xFFFFFFE4, v62;
	v38 =	vld.idx.msk [tilespmem:v38+s11+$0x0], $0xffff  }
0x127: {  	v60 =	vmul.f32 v52, v31;
	v62 =	vadd.s32 $0xBC55, v14;
	v39 =	vld.idx.msk [tilespmem:v61+s11+$0x0], $0xffff;
	v61 =	vmov s26  }
0x128: {  	v40 =	vbroadcast v40, $0x0;
	v24 =	vadd.f32 v30, v24;
	v42 =	vld.idx.msk [tilespmem:v42+s11+$0x0], $0xffff;
	v52 =	vand.u32 $0xFFFFFFE6, v61  }
0x129: {  	v31 =	vld.idx.msk [tilespmem:v63+s5+$0x0], $0xffff;
	v30 =	vadd.f32 v60, v19;
	v63 =	vadd.s32 $0xBC55, v11;
	v19 =	vadd.f32 v37, v28  }
0x12a: {  	v60 =	vadd.s32 $0xBC56, v11;
	v52 =	vbroadcast v52, $0x0;
	v24 =	vadd.f32 v46, v24;
	v46 =	vld.idx.msk [tilespmem:v59+s5+$0x0], $0xffff  }
0x12b: {  	v59 =	vand.u32 $0xFFFFFFE7, v57;
	v57 =	vadd.s32 $0xBC57, v11;
	v41 =	vld.idx.msk [tilespmem:v58+s5+$0x0], $0xffff;
	v58 =	vadd.s32 $0xBC56, v14  }
0x12c: {  	s29 =	sadd.s32 $0xFFFFFFF1, s16;
	v28 =	vld.idx.msk [tilespmem:v45+s11+$0x0], $0xffff;
	v61 =	vbroadcast v59, $0x0;
	v30 =	vadd.f32 v35, v30;
	v34 =	vmul.f32 v34, v32  }
0x12d: {  	v59 =	vadd.s32 $0xBC58, v14;
	v24 =	vadd.f32 v33, v24;
	v33 =	vld.idx.msk [tilespmem:v62+s5+$0x0], $0xffff;
	v62 =	vmov s29  }
0x12e: {  	v32 =	vmul.f32 v53, v32;
	v44 =	vmul.f32 v44, v38;
	v35 =	vand.u32 $0xFFFFFFF0, v62;
	v40 =	vld.idx.msk [tilespmem:v40+s11+$0x0], $0xffff  }
0x12f: {  	v38 =	vmul.f32 v47, v38;
	v62 =	vadd.s32 $0xBC59, v14;
	v50 =	vld.idx.msk [tilespmem:v63+s5+$0x0], $0xffff;
	v63 =	vadd.s32 $0xBC57, v14  }
0x130: {  	v35 =	vbroadcast v35, $0x0;
	v37 =	vld.idx.msk [tilespmem:v60+s5+$0x0], $0xffff;
	v60 =	vadd.s32 $0xBC58, v11;
	v43 =	vmul.f32 v43, v42  }
0x131: {  	s30 =	sadd.s32 $0xFFFFFFF2, s16;
	v36 =	vmul.f32 v36, v42;
	v31 =	vmul.f32 v31, v39;
	v25 =	vadd.f32 v44, v25;
	v48 =	vld.idx.msk [tilespmem:v52+s11+$0x0], $0xffff  }
0x132: {  	s19 =	sadd.s32 $0xFFFFFFF4, s16;
	v39 =	vmul.f32 v51, v39;
	v29 =	vadd.f32 v38, v29;
	v44 =	vld.idx.msk [tilespmem:v58+s5+$0x0], $0xffff;
	v58 =	vmov s30  }
0x133: {  	s31 =	sadd.s32 $0xFFFFFFF3, s16;
	v52 =	vld.idx.msk [tilespmem:v57+s5+$0x0], $0xffff;
	v57 =	vmov s19;
	v47 =	vand.u32 $0xFFFFFFF1, v58;
	v25 =	vadd.f32 v34, v25  }
0x134: {  	v38 =	vld.idx.msk [tilespmem:v61+s11+$0x0], $0xffff;
	v61 =	vmov s31;
	v29 =	vadd.f32 v32, v29;
	v58 =	vadd.s32 $0xBC5A, v14  }
0x135: {  	v42 =	vld.idx.msk [tilespmem:v59+s5+$0x0], $0xffff;
	v59 =	vand.u32 $0xFFFFFFF3, v57;
	v33 =	vmul.f32 v33, v28;
	v57 =	vadd.s32 $0xBC5C, v14  }
0x136: {  	s20 =	sadd.s32 $0xFFFFFFFD, s16;
	v47 =	vbroadcast v47, $0x0;
	v53 =	vand.u32 $0xFFFFFFF2, v61;
	v55 =	vbroadcast v59, $0x0  }
0x137: {  	v61 =	vmov s20;
	v59 =	vadd.s32 $0xBC5C, v11;
	v34 =	vld.idx.msk [tilespmem:v63+s5+$0x0], $0xffff;
	v63 =	vadd.s32 $0xBC59, v11  }
0x138: {  	v53 =	vbroadcast v53, $0x0;
	v43 =	vadd.f32 v43, v25;
	v45 =	vld.idx.msk [tilespmem:v60+s5+$0x0], $0xffff;
	v25 =	vadd.f32 v27, v30  }
0x139: {  	v60 =	vadd.s32 $0xBC5A, v11;
	v29 =	vadd.f32 v36, v29;
	v41 =	vmul.f32 v41, v40;
	v32 =	vld.idx.msk [tilespmem:v35+s11+$0x0], $0xffff  }
0x13a: {  	s22 =	sadd.s32 $0xFFFFFFFF, s16;
	v36 =	vand.u32 $0xFFFFFFFC, v61;
	v40 =	vmul.f32 v46, v40;
	v27 =	vadd.f32 v31, v43;
	v31 =	vld.idx.msk [tilespmem:v62+s5+$0x0], $0xffff  }
0x13b: {  	v28 =	vmul.f32 v50, v28;
	v61 =	vmov s22;
	v36 =	vbroadcast v36, $0x0;
	v46 =	vld.idx.msk [tilespmem:v58+s5+$0x0], $0xffff  }
0x13c: {  	v62 =	vadd.s32 $0xBC5B, v14;
	v41 =	vadd.f32 v41, v15;
	v15 =	vadd.f32 v39, v29;
	v39 =	vld.idx.msk [tilespmem:v59+s5+$0x0], $0xffff  }
0x13d: {  	v13 =	vadd.f32 v40, v13;
	v44 =	vmul.f32 v44, v48;
	v58 =	vand.u32 $0xFFFFFFFD, v56;
	v30 =	vld.idx.msk [tilespmem:v47+s11+$0x0], $0xffff  }
0x13e: {  	v50 =	vand.u32 $0xFFFFFFFE, v61;
	v37 =	vmul.f32 v37, v48;
	v54 =	vbroadcast v58, $0x0;
	v35 =	vld.idx.msk [tilespmem:v63+s5+$0x0], $0xffff  }
0x13f: {  	v33 =	vadd.f32 v33, v41;
	v13 =	vadd.f32 v28, v13;
	v63 =	vadd.s32 $0xBC5B, v11;
	v47 =	vld.idx.msk [tilespmem:v60+s5+$0x0], $0xffff  }
0x140: {  	s23 =	sadd.s32 $0xFFFFFF79, s17;
	v58 =	vadd.s32 $0xBC5E, v14;
	v29 =	vld.idx.msk [tilespmem:v55+s11+$0x0], $0xffff;
	v60 =	vadd.s32 $0xBC5D, v14;
	v55 =	vbroadcast v50, $0x0  }
0x141: {  	s25 =	sadd.s32 $0xFFFFFFFA, s17;
	v34 =	vmul.f32 v34, v38;
	v50 =	vmov s23;
	v51 =	vld.idx.msk [tilespmem:v53+s11+$0x0], $0xffff;
	v33 =	vadd.f32 v44, v33  }
0x142: {  	v14 =	vadd.s32 $0xBC5F, v14;
	v13 =	vadd.f32 v37, v13;
	v53 =	vmov s25;
	v40 =	vld.idx.msk [tilespmem:v62+s5+$0x0], $0xffff  }
0x143: {  	v36 =	vld.idx.msk [tilespmem:v36+s11+$0x0], $0xffff;
	v62 =	vadd.s32 $0xBC5D, v11;
	v11 =	vadd.s32 $0xBC5F, v11;
	v33 =	vadd.f32 v34, v33  }
0x144: {  	v34 =	vshrl.u32 v53, $0x7;
	v41 =	vld.idx.msk [tilespmem:v63+s5+$0x0], $0xffff;
	v63 =	vmul.f32 v42, v32;
	v32 =	vmul.f32 v45, v32  }
0x145: {  	s24 =	sadd.s32 $0xFFFFFFF9, s17;
	v34 =	vshll.u32 v34, v2;
	v42 =	vld.idx.msk [tilespmem:v57+s5+$0x0], $0xffff;
	v56 =	vmul.f32 v31, v30;
	v30 =	vmul.f32 v35, v30  }
0x146: {  	s26 =	sadd.s32 $0xFFFFFFFB, s17;
	v59 =	vld.idx.msk [tilespmem:v60+s5+$0x0], $0xffff;
	v60 =	vmul.f32 v52, v38;
	v52 =	vmov s24;
	v34 =	vbroadcast v34, $0x0  }
0x147: {  	v35 =	vld.idx.msk [tilespmem:v55+s11+$0x0], $0xffff;
	v55 =	vmov s26;
	v12 =	vadd.f32 v63, v12;
	v26 =	vadd.f32 v32, v26  }
0x148: {  	v61 =	vld.idx.msk [tilespmem:v62+s5+$0x0], $0xffff;
	v62 =	vmul.f32 v46, v51;
	v63 =	vmul.f32 v47, v51;
	v13 =	vadd.f32 v60, v13  }
0x149: {  	v45 =	vmul.f32 v39, v36;
	v47 =	vmul.f32 v40, v29;
	v51 =	vmov s16  }
0x14a: {  	v57 =	vld.idx.msk [tilespmem:v54+s11+$0x0], $0xffff;
	v32 =	vshrl.u32 v52, $0x7;
	v37 =	vshrl.u32 v55, $0x7;
	v34 =	vor.u32 v3, v34  }
0x14b: {  	v32 =	vshll.u32 v32, v2;
	v37 =	vshll.u32 v37, v2;
	v12 =	vadd.f32 v56, v12  }
0x14c: {  	v26 =	vadd.f32 v30, v26;
	v30 =	vshrl.u32 v50, $0x7;
	v32 =	vbroadcast v32, $0x0  }
0x14d: {  	v37 =	vbroadcast v37, $0x0;
	v43 =	vmul.f32 v42, v36;
	v30 =	vshll.u32 v30, v2  }
0x14e: {  	s29 =	sadd.s32 $0xFFFFFFFD, s17;
	v21 =	vadd.f32 v45, v21;
	v29 =	vmul.f32 v41, v29;
	v30 =	vbroadcast v30, $0x0  }
0x14f: {  	v48 =	vmul.f32 v59, v57;
	v59 =	vmov s29;
	v12 =	vadd.f32 v62, v12  }
0x150: {  	v26 =	vadd.f32 v63, v26;
	v32 =	vor.u32 v0, v32;
	v54 =	vor.u32 v0, v30  }
0x151: {  	s28 =	sadd.s32 $0xFFFFFFFC, s17;
	v14 =	vld.idx.msk [tilespmem:v14+s5+$0x0], $0xffff;
	v60 =	vor.u32 v4, v37;
	v62 =	vshrl.u32 v59, $0x7;
	v20 =	vadd.f32 v43, v20  }
0x152: {  	v46 =	vld.idx.msk [tilespmem:v58+s5+$0x0], $0xffff;
	v28 =	vmul.f32 v61, v57;
	v57 =	vmov s28;
	v56 =	vor.u32 v3, v30  }
0x153: {  	v11 =	vld.idx.msk [tilespmem:v11+s5+$0x0], $0xffff;
	v41 =	vshll.u32 v62, v2;
	v12 =	vadd.f32 v47, v12;
	v39 =	vshrl.u32 v57, $0x7  }
0x154: {  	s30 =	sadd.s32 $0xFFFFFFFE, s17;
	v31 =	vld.idx.msk [tilespmem:v51+s11+$0x0], $0xffff;
	v26 =	vadd.f32 v29, v26;
	v58 =	vor.u32 v4, v30;
	v39 =	vshll.u32 v39, v2  }
0x155: {  	v42 =	vmov s30;
	v29 =	vld.idx.msk [tilespmem:v49+s5+$0x0], $0xffff;
	v63 =	vor.u32 v5, v30;
	v61 =	vbroadcast v39, $0x0;
	[tilespmem:v54+s12+$0x0] =	vst.idx.msk $0xffff, v16  }
0x156: {  	v44 =	vshrl.u32 v42, $0x7;
	v45 =	vor.u32 v6, v30;
	v20 =	vadd.f32 v48, v20;
	[tilespmem:v32+s12+$0x0] =	vst.idx.msk $0xffff, v17  }
0x157: {  	s31 =	sadd.s32 $0xFFFFFFFF, s17;
	v21 =	vadd.f32 v28, v21;
	v43 =	vor.u32 v5, v61;
	v32 =	vbroadcast v41, $0x0;
	[tilespmem:v56+s12+$0x0] =	vst.idx.msk $0xffff, v22  }
0x158: {  	v47 =	vmov s31;
	v28 =	vmul.f32 v46, v35;
	v46 =	vshll.u32 v44, v2;
	[tilespmem:v34+s12+$0x0] =	vst.idx.msk $0xffff, v18  }
0x159: {  	v50 =	vshrl.u32 v47, $0x7;
	v49 =	vbroadcast v46, $0x0;
	v48 =	vor.u32 v6, v32;
	[tilespmem:v58+s12+$0x0] =	vst.idx.msk $0xffff, v23  }
0x15a: {  	v53 =	vmov s17;
	v51 =	vor.u32 v8, v30;
	v52 =	vshll.u32 v50, v2;
	[tilespmem:v60+s12+$0x0] =	vst.idx.msk $0xffff, v19  }
0x15b: {  	v55 =	vshrl.u32 v53, $0x7;
	v54 =	vor.u32 v8, v49;
	v19 =	vbroadcast v52, $0x0;
	[tilespmem:v63+s12+$0x0] =	vst.idx.msk $0xffff, v24  }
0x15c: {  	v56 =	vor.u32 v9, v30;
	v24 =	vshll.u32 v55, v2;
	[tilespmem:v43+s12+$0x0] =	vst.idx.msk $0xffff, v25  }
0x15d: {  	v20 =	vadd.f32 v28, v20;
	v57 =	vor.u32 v9, v19;
	v58 =	vbroadcast v24, $0x0;
	[tilespmem:v45+s12+$0x0] =	vst.idx.msk $0xffff, v27  }
0x15e: {  	v59 =	vmul.f32 v29, v35;
	v60 =	vor.u32 v10, v30;
	[tilespmem:v48+s12+$0x0] =	vst.idx.msk $0xffff, v15  }
0x15f: {  	p0 =	sne.s32 s16, $0x17FF;
	v14 =	vmul.f32 v14, v31;
	v61 =	vor.u32 v10, v58;
	[tilespmem:v51+s12+$0x0] =	vst.idx.msk $0xffff, v33  }
.Ltmp0:
0x160: {  	v11 =	vmul.f32 v11, v31;
	v62 =	vadd.f32 v59, v21;
	[tilespmem:v54+s12+$0x0] =	vst.idx.msk $0xffff, v13;
	(pc) =	sbr.rel @p0 .LBB2_3-.Ltmp0, $4  }
0x161: {  	v63 =	vadd.f32 v14, v20;
	[tilespmem:v56+s12+$0x0] =	vst.idx.msk $0xffff, v12  }
0x162: {  	v11 =	vadd.f32 v11, v62;
	[tilespmem:v57+s12+$0x0] =	vst.idx.msk $0xffff, v26  }
0x163: {  	[tilespmem:v60+s12+$0x0] =	vst.idx.msk $0xffff, v63  }
0x164: {  	s17 =	sadd.s32 $0x100, s17;
	s16 =	sadd.s32 $0x60, s16;
	[tilespmem:v61+s12+$0x0] =	vst.idx.msk $0xffff, v11  }
0x165: {  	s14 =	sadd.s32 $0x1, s14  }
0x166: {  	s15 =	sshll.u32 s15, $0x5;
	p0 =	sne.s32 s14, $0x20  }
.Ltmp1:
0x167: {  	s15 =	sadd.s32 s4, s15;
	(pc) =	sbr.rel @p0 .LBB2_2-.Ltmp1, $4  }
0x168: {  	[hbm4b:s15+s5] =	stream.linear.scatter [tilespmem:s12], [sflag:$0x1], $0x4000, $0x38;
	[tilespmem:$0x13080] =	vst v63  }
0x169: {  	_ =	swait.ge [sflag:s9], $0x4000  }
0x16a: {  	[sflag:s9] =	ssyncset.done $0x0  }
0x16b: {  	[sflag:s9] =	ssyncadd.s32 $0xFFFFC000  }
0x16c: {  	s13 =	sadd.s32 $0x1, s13  }
0x16d: {  	p0 =	sne.s32 s13, s8  }
.Ltmp2:
0x16e: {  	_ = 	snop;
	(pc) =	sbr.rel @p0 .LBB2_1-.Ltmp2, $1  }
0x16f: {  	_ =	sdelay $0x3  }
0x170: {  	_ =	sfence.sel $0x180000  }
0x171: {  	[bflag:$0x0] =	sbarrier.arrive $0xFFFF  }
0x172: {  	p0 =	sne.s32 s6, $0x0;
	_ =	strace $0x90000047  }
0x173: {  	s0 =	sadd.s32 @!p0 $0x100000, s0;
	[bflag:$0x2] =	sbarrier.arrive $0xFFFF  }
0x174: {  	[sflag:s0] =	ssyncadd.tile.s32 @!p0 $0x1;
	_ =	shalt  }
.Lfunc_end2:
_tile_overlayer_lowered:
.L_overlay_start_2:
0x175: {  	(tag) =	ssettag $0x2  }
0x176: {  	s0 =	rddreg [dreg:$0x0];
	s2 =	stileid.u32  }
0x177: {  	s1 =	rddreg [dreg:$0x1];
	p0 =	sne.s32 s2, $0x0  }
0x178: {  	s3 =	rddreg [dreg:$0x2];
	[bflag:$0x3] =	sbarrier.arrive $0xFFFF;
	s2 =	simm.s32 @!p0 $0x1C01  }
0x179: {  	[timem:s3], [sflag:s2] =	dma.local @!p0 [hbm:s0], s1  }
0x17a: {  	s0 =	simm.s32 @!p0 $0x1  }
0x17b: {  	_ =	swait.ge @!p0 [sflag:s0], s1  }
0x17c: {  	s1 =	ssub.s32 @!p0 $0x0, s1;
	[sflag:s0] =	ssyncset.done @!p0 $0x0  }
0x17d: {  	[sflag:s0] =	ssyncadd.s32 @!p0 s1  }
0x17e: {  	[bflag:$0x3] =	sbarrier.arrive $0xFFFF  }
0x17f: {  	_ =	shalt  }

</sc_bundles>
